<compile_context>
chip_gen: v7x
topology: tpu7x:2x2x1
jax: 0.10.2.dev20260603
libtpu: 0.0.44.dev20260713+nightly
codegen_flags: <defaults>
</compile_context>

<pallas_src>
import jax
import jax.numpy as jnp
from jax import lax
from jax.experimental import pallas as pl
from jax.experimental.pallas import tpu as pltpu
from jax.experimental.pallas import tpu_sc as plsc

N = 100000
E = 3200000
N_PAD = 100352
NC = 2
NS = 16
NW = NC * NS

BLK = 128
SUP = 40
EB = E // BLK
NCH = EB // SUP

COVERAGE_W = 5.0
TOUR_W = 3.0
DEPOT_W = 2.0
SIM_W = 0.3
FOCAL_ALPHA = 0.25
FOCAL_GAMMA = 2.0


TC_ROWS = 5000
TC_STEPS = EB // TC_ROWS


def _focal_body(preds_ref, y_ref, out_ref, probs_ref, acc):
  i = pl.program_id(0)

  @pl.when(i == 0)
  def _():
    acc[0] = 0.0

  x = preds_ref[...]
  t = y_ref[...]
  bce = jnp.maximum(x, 0.0) - x * t + jnp.log1p(jnp.exp(-jnp.abs(x)))
  probs = jax.nn.sigmoid(x)
  probs_ref[...] = probs
  p_t = probs * t + (1.0 - probs) * (1.0 - t)
  alpha_t = FOCAL_ALPHA * t + (1.0 - FOCAL_ALPHA) * (1.0 - t)
  w = 1.0 - p_t
  acc[0] += jnp.sum(alpha_t * (w * w) * bce)

  @pl.when(i == TC_STEPS - 1)
  def _():
    out_ref[0, 0] = acc[0]


def _tc_focal(preds2d, y2d):
  return pl.pallas_call(
      _focal_body,
      grid=(TC_STEPS,),
      in_specs=[
          pl.BlockSpec((TC_ROWS, 128), lambda i: (i, 0)),
          pl.BlockSpec((TC_ROWS, 128), lambda i: (i, 0)),
      ],
      out_specs=[
          pl.BlockSpec(memory_space=pltpu.SMEM),
          pl.BlockSpec((TC_ROWS, 128), lambda i: (i, 0)),
      ],
      out_shape=[
          jax.ShapeDtypeStruct((1, 1), jnp.float32),
          jax.ShapeDtypeStruct((EB, BLK), jnp.float32),
      ],
      scratch_shapes=[pltpu.SMEM((1,), jnp.float32)],
  )(preds2d, y2d)




def _sc_body(probs_hbm, idx_hbm, out_hbm,
             acc, pbuf0, pbuf1, ibuf0, ibuf1, sem0, sem1):
  c = lax.axis_index("c")
  s = lax.axis_index("s")
  wid = c * NS + s
  sel = 1 - c

  def _zero(i, _):
    acc[pl.ds(i * 16, 16)] = jnp.zeros((16,), jnp.float32)
    return 0
  lax.fori_loop(0, N_PAD // 16, _zero, 0, unroll=16)

  g0 = (s * NCH) // NS
  g1 = ((s + 1) * NCH) // NS

  def _load(g, pbuf, ibuf, sem):
    row = g * SUP
    pltpu.async_copy(probs_hbm.at[pl.ds(row, SUP), :], pbuf, sem)
    pltpu.async_copy(idx_hbm.at[sel, pl.ds(row * BLK, SUP * BLK)], ibuf, sem)

  def _wait(pbuf, ibuf, sem):
    pltpu.make_async_copy(probs_hbm.at[pl.ds(0, SUP), :], pbuf, sem).wait()
    pltpu.make_async_copy(idx_hbm.at[0, pl.ds(0, SUP * BLK)], ibuf, sem).wait()

  def _compute(pbuf, ibuf):
    def _row(r, _):
      for j in range(BLK // 16):
        p = pbuf[r, pl.ds(j * 16, 16)]
        ids = ibuf[pl.ds(r * BLK + j * 16, 16)]
        plsc.addupdate_scatter(acc, [ids], p)
      return 0
    lax.fori_loop(0, SUP, _row, 0, unroll=4)

  _load(g0, pbuf0, ibuf0, sem0)

  def _pair(k, _):
    a = g0 + 2 * k
    b = a + 1

    @pl.when(b < g1)
    def _():
      _load(b, pbuf1, ibuf1, sem1)

    _wait(pbuf0, ibuf0, sem0)
    _compute(pbuf0, ibuf0)

    @pl.when(a + 2 < g1)
    def _():
      _load(a + 2, pbuf0, ibuf0, sem0)

    @pl.when(b < g1)
    def _():
      _wait(pbuf1, ibuf1, sem1)
      _compute(pbuf1, ibuf1)
    return 0

  lax.fori_loop(0, (g1 - g0 + 1) // 2, _pair, 0)

  pltpu.sync_copy(acc, out_hbm.at[wid, 0])


def _sc_segment_sums(probs2d, idx3d):
  mesh = plsc.VectorSubcoreMesh(core_axis_name="c", subcore_axis_name="s")
  f = pl.kernel(
      _sc_body,
      out_type=jax.ShapeDtypeStruct((NW, 1, N_PAD), jnp.float32),
      mesh=mesh,
      compiler_params=pltpu.CompilerParams(needs_layout_passes=False),
      scratch_types=[
          pltpu.VMEM((N_PAD,), jnp.float32),
          pltpu.VMEM((SUP, BLK), jnp.float32),
          pltpu.VMEM((SUP, BLK), jnp.float32),
          pltpu.VMEM((SUP * BLK,), jnp.int32),
          pltpu.VMEM((SUP * BLK,), jnp.int32),
          pltpu.SemaphoreType.DMA,
          pltpu.SemaphoreType.DMA,
      ],
  )
  return f(probs2d, idx3d)



CB_ROWS = 112
CB_STEPS = N_PAD // 128 // CB_ROWS


def _combine_body(planes_ref, focal_ref, out_ref, acc):
  j = pl.program_id(0)

  @pl.when(j == 0)
  def _():
    acc[0] = 0.0
    acc[1] = 0.0
    acc[2] = 0.0

  in_s = planes_ref[0]
  out_s = planes_ref[NS]
  for k in range(1, NS):
    in_s = in_s + planes_ref[k]
    out_s = out_s + planes_ref[NS + k]

  n = (lax.broadcasted_iota(jnp.int32, (CB_ROWS, 128), 0) * 128
       + lax.broadcasted_iota(jnp.int32, (CB_ROWS, 128), 1)
       + j * (CB_ROWS * 128))
  customer = jnp.logical_and(n >= 1, n < N)
  zero = jnp.zeros_like(in_s)
  acc[0] += jnp.sum(jnp.where(customer, (in_s - 1.0) ** 2, zero)
                    + jnp.where(customer, (out_s - 1.0) ** 2, zero))
  diff = in_s - out_s
  acc[1] += jnp.sum(diff * diff)

  @pl.when(j == 0)
  def _():
    acc[2] = diff[0, 0] * diff[0, 0]

  @pl.when(j == CB_STEPS - 1)
  def _():
    out_ref[0, 0] = (COVERAGE_W * acc[0] / (2.0 * (N - 1))
                     + TOUR_W * acc[1] / N
                     + DEPOT_W * acc[2]
                     + SIM_W * focal_ref[0, 0] / E)


def _tc_combine(planes3, focal):
  return pl.pallas_call(
      _combine_body,
      grid=(CB_STEPS,),
      in_specs=[
          pl.BlockSpec((NW, CB_ROWS, 128), lambda j: (0, j, 0)),
          pl.BlockSpec(memory_space=pltpu.SMEM),
      ],
      out_specs=pl.BlockSpec(memory_space=pltpu.SMEM),
      out_shape=jax.ShapeDtypeStruct((1, 1), jnp.float32),
      scratch_shapes=[pltpu.SMEM((4,), jnp.float32)],
  )(planes3, focal)


def kernel(edge_predictions, edge_index, y_edges, num_nodes):
  preds2d = edge_predictions.reshape(EB, BLK)
  y2d = y_edges.reshape(EB, BLK)

  focal, probs2d = _tc_focal(preds2d, y2d)
  planes = _sc_segment_sums(probs2d, edge_index)
  planes3 = planes.reshape(NW, N_PAD // 128, 128)
  total = _tc_combine(planes3, focal)
  return total.reshape(())

# --- scband reference (transcript-rebuilt; emitter-appended) ---
"""Pipeline reference for scband-cvrploss-80650895884983 (READ-ONLY COPY).

The authoritative reference and input builder live on the scoring server;
editing this copy changes nothing except your own understanding.
"""

import jax, jax.numpy as jnp
import numpy as np

N_NODES = 100000
N_EDGES = 3200000

COVERAGE_W = 5.0
TOUR_W = 3.0
DEPOT_W = 2.0
SIM_W = 0.3
FOCAL_ALPHA = 0.25
FOCAL_GAMMA = 2.0


def setup_inputs(seed: int = 0) -> dict:
    key = jax.random.key(seed)
    k1, k2, k3 = jax.random.split(key, 3)
    edge_predictions = jax.random.normal(k1, (N_EDGES,), dtype=jnp.float32)
    edge_index = jax.random.randint(k2, (2, N_EDGES), 0, N_NODES, dtype=jnp.int32)
    y_edges = jax.random.randint(k3, (N_EDGES,), 0, 2).astype(jnp.float32)
    return {
        "edge_predictions": edge_predictions,
        "edge_index": edge_index,
        "y_edges": y_edges,
        "num_nodes": N_NODES,
    }


def reference(edge_predictions, edge_index, y_edges, num_nodes):
    # edge_probs = sigmoid(logits)
    edge_probs = jax.nn.sigmoid(edge_predictions)
    src = edge_index[0]
    dst = edge_index[1]
    # Per-node incoming / outgoing probability mass (scatter-add; vectorizes the torch per-node loop)
    in_sum = jax.ops.segment_sum(edge_probs, dst, num_segments=N_NODES)
    out_sum = jax.ops.segment_sum(edge_probs, src, num_segments=N_NODES)

    # 1) coverage loss: customer nodes (1..N-1) should have in/out mass == 1
    cov_pen = jnp.sum((in_sum[1:] - 1.0) ** 2) + jnp.sum((out_sum[1:] - 1.0) ** 2)
    coverage_loss = cov_pen / (2 * jnp.maximum(num_nodes - 1, 1))

    # 2) tour formation loss: flow conservation over ALL nodes (incl. depot)
    tour_formation_loss = jnp.sum((in_sum - out_sum) ** 2) / num_nodes

    # 3) depot balance loss
    depot_balance_loss = (in_sum[0] - out_sum[0]) ** 2

    # 5) similarity loss via focal loss on logits (data.y_edges present; use_focal_loss=True)
    x = edge_predictions
    t = y_edges
    # numerically-stable BCE-with-logits, reduction='none'
    bce = jnp.maximum(x, 0.0) - x * t + jnp.log1p(jnp.exp(-jnp.abs(x)))
    probs = jax.nn.sigmoid(x)
    p_t = probs * t + (1.0 - probs) * (1.0 - t)
    alpha_t = FOCAL_ALPHA * t + (1.0 - FOCAL_ALPHA) * (1.0 - t)
    focal_weight = (1.0 - p_t) ** FOCAL_GAMMA
    similarity_loss = jnp.mean(alpha_t * focal_weight * bce)

    total_loss = (
        COVERAGE_W * coverage_loss
        + TOUR_W * tour_formation_loss
        + DEPOT_W * depot_balance_loss
        + SIM_W * similarity_loss
    )
    return total_loss

if __name__ == "__main__":
    import jax
    _d = setup_inputs()
    print(jax.jit(kernel)(*tuple(_d.values())))

</pallas_src>

<mosaic_0001>
#map = affine_map<(d0, d1) -> (0, 0)>
#map1 = affine_map<(d0, d1) -> (0, 0, 0)>
module attributes {stable_mosaic.version = 14 : i64} {
  func.func @_sc_body(%arg0: i32, %arg1: i32, %arg2: memref<25000x128xf32, #tpu.memory_space<hbm>>, %arg3: memref<2x3200000xi32, #tpu.memory_space<hbm>>, %arg4: memref<32x1x100352xf32, #tpu.memory_space<hbm>>, %arg5: memref<100352xf32, #tpu.memory_space<vmem>>, %arg6: memref<40x128xf32, #tpu.memory_space<vmem>>, %arg7: memref<40x128xf32, #tpu.memory_space<vmem>>, %arg8: memref<5120xi32, #tpu.memory_space<vmem>>, %arg9: memref<5120xi32, #tpu.memory_space<vmem>>, %arg10: memref<!tpu.dma_semaphore, #tpu.memory_space<semaphore_mem>>, %arg11: memref<!tpu.dma_semaphore, #tpu.memory_space<semaphore_mem>>) attributes {dimension_semantics = [#tpu.dimension_semantics<core_parallel>, #tpu.dimension_semantics<subcore_parallel>], iteration_bounds = array<i64: 2, 16>, scalar_prefetch = 0 : i64, scratch_operands = 7 : i64, tpu.core_type = #tpu.core_type<sc_vector_subcore>, window_params = [{transform_indices = #map}, {transform_indices = #map}, {transform_indices = #map1}]} {
    %mul3A = arith.constant 16 : i32
    %mul3A_0 = arith.muli %arg0, %mul3A : i32
    %add3A = arith.addi %mul3A_0, %arg1 : i32
    %sub3A = arith.constant 1 : i32
    %sub3A_1 = arith.subi %sub3A, %arg0 : i32
    %scan3A = arith.constant 0 : i32
    %scan3A_2 = arith.constant 0 : i32
    %scan3A_3 = arith.constant 6272 : i32
    %scan3A_4 = arith.addi %scan3A_2, %scan3A_3 : i32
    %scan3A_5 = arith.constant 16 : i32
    %scan3A_6 = scf.for %scan3A_104 = %scan3A_2 to %scan3A_4 step %scan3A_5 iter_args(%scan3A_105 = %scan3A) -> (i32)  : i32 {
      %broadcast_in_dim3A = arith.constant 0.000000e+00 : f32
      %broadcast_in_dim3A_106 = vector.broadcast %broadcast_in_dim3A : f32 to vector<16xf32>
      %mul3A_107 = arith.constant 16 : i32
      %mul3A_108 = arith.muli %scan3A_104, %mul3A_107 : i32
      %swap3A = arith.index_cast %mul3A_108 : i32 to index
      %swap3A_109 = tpu.vector_load %arg5[%swap3A] {strides = array<i32>} : memref<100352xf32, #tpu.memory_space<vmem>>, vector<16xf32>,
      tpu.vector_store %arg5[%swap3A], %broadcast_in_dim3A_106 {strides = array<i32>} : memref<100352xf32, #tpu.memory_space<vmem>>, vector<16xf32>,
      %scan3A_110 = arith.constant 0 : i32
      %scan3A_111 = arith.constant 1 : i32
      %scan3A_112 = arith.addi %scan3A_104, %scan3A_111 : i32
      %broadcast_in_dim3A_113 = arith.constant 0.000000e+00 : f32
      %broadcast_in_dim3A_114 = vector.broadcast %broadcast_in_dim3A_113 : f32 to vector<16xf32>
      %mul3A_115 = arith.constant 16 : i32
      %mul3A_116 = arith.muli %scan3A_112, %mul3A_115 : i32
      %swap3A_117 = arith.index_cast %mul3A_116 : i32 to index
      %swap3A_118 = tpu.vector_load %arg5[%swap3A_117] {strides = array<i32>} : memref<100352xf32, #tpu.memory_space<vmem>>, vector<16xf32>,
      tpu.vector_store %arg5[%swap3A_117], %broadcast_in_dim3A_114 {strides = array<i32>} : memref<100352xf32, #tpu.memory_space<vmem>>, vector<16xf32>,
      %scan3A_119 = arith.constant 0 : i32
      %scan3A_120 = arith.constant 2 : i32
      %scan3A_121 = arith.addi %scan3A_104, %scan3A_120 : i32
      %broadcast_in_dim3A_122 = arith.constant 0.000000e+00 : f32
      %broadcast_in_dim3A_123 = vector.broadcast %broadcast_in_dim3A_122 : f32 to vector<16xf32>
      %mul3A_124 = arith.constant 16 : i32
      %mul3A_125 = arith.muli %scan3A_121, %mul3A_124 : i32
      %swap3A_126 = arith.index_cast %mul3A_125 : i32 to index
      %swap3A_127 = tpu.vector_load %arg5[%swap3A_126] {strides = array<i32>} : memref<100352xf32, #tpu.memory_space<vmem>>, vector<16xf32>,
      tpu.vector_store %arg5[%swap3A_126], %broadcast_in_dim3A_123 {strides = array<i32>} : memref<100352xf32, #tpu.memory_space<vmem>>, vector<16xf32>,
      %scan3A_128 = arith.constant 0 : i32
      %scan3A_129 = arith.constant 3 : i32
      %scan3A_130 = arith.addi %scan3A_104, %scan3A_129 : i32
      %broadcast_in_dim3A_131 = arith.constant 0.000000e+00 : f32
      %broadcast_in_dim3A_132 = vector.broadcast %broadcast_in_dim3A_131 : f32 to vector<16xf32>
      %mul3A_133 = arith.constant 16 : i32
      %mul3A_134 = arith.muli %scan3A_130, %mul3A_133 : i32
      %swap3A_135 = arith.index_cast %mul3A_134 : i32 to index
      %swap3A_136 = tpu.vector_load %arg5[%swap3A_135] {strides = array<i32>} : memref<100352xf32, #tpu.memory_space<vmem>>, vector<16xf32>,
      tpu.vector_store %arg5[%swap3A_135], %broadcast_in_dim3A_132 {strides = array<i32>} : memref<100352xf32, #tpu.memory_space<vmem>>, vector<16xf32>,
      %scan3A_137 = arith.constant 0 : i32
      %scan3A_138 = arith.constant 4 : i32
      %scan3A_139 = arith.addi %scan3A_104, %scan3A_138 : i32
      %broadcast_in_dim3A_140 = arith.constant 0.000000e+00 : f32
      %broadcast_in_dim3A_141 = vector.broadcast %broadcast_in_dim3A_140 : f32 to vector<16xf32>
      %mul3A_142 = arith.constant 16 : i32
      %mul3A_143 = arith.muli %scan3A_139, %mul3A_142 : i32
      %swap3A_144 = arith.index_cast %mul3A_143 : i32 to index
      %swap3A_145 = tpu.vector_load %arg5[%swap3A_144] {strides = array<i32>} : memref<100352xf32, #tpu.memory_space<vmem>>, vector<16xf32>,
      tpu.vector_store %arg5[%swap3A_144], %broadcast_in_dim3A_141 {strides = array<i32>} : memref<100352xf32, #tpu.memory_space<vmem>>, vector<16xf32>,
      %scan3A_146 = arith.constant 0 : i32
      %scan3A_147 = arith.constant 5 : i32
      %scan3A_148 = arith.addi %scan3A_104, %scan3A_147 : i32
      %broadcast_in_dim3A_149 = arith.constant 0.000000e+00 : f32
      %broadcast_in_dim3A_150 = vector.broadcast %broadcast_in_dim3A_149 : f32 to vector<16xf32>
      %mul3A_151 = arith.constant 16 : i32
      %mul3A_152 = arith.muli %scan3A_148, %mul3A_151 : i32
      %swap3A_153 = arith.index_cast %mul3A_152 : i32 to index
      %swap3A_154 = tpu.vector_load %arg5[%swap3A_153] {strides = array<i32>} : memref<100352xf32, #tpu.memory_space<vmem>>, vector<16xf32>,
      tpu.vector_store %arg5[%swap3A_153], %broadcast_in_dim3A_150 {strides = array<i32>} : memref<100352xf32, #tpu.memory_space<vmem>>, vector<16xf32>,
      %scan3A_155 = arith.constant 0 : i32
      %scan3A_156 = arith.constant 6 : i32
      %scan3A_157 = arith.addi %scan3A_104, %scan3A_156 : i32
      %broadcast_in_dim3A_158 = arith.constant 0.000000e+00 : f32
      %broadcast_in_dim3A_159 = vector.broadcast %broadcast_in_dim3A_158 : f32 to vector<16xf32>
      %mul3A_160 = arith.constant 16 : i32
      %mul3A_161 = arith.muli %scan3A_157, %mul3A_160 : i32
      %swap3A_162 = arith.index_cast %mul3A_161 : i32 to index
      %swap3A_163 = tpu.vector_load %arg5[%swap3A_162] {strides = array<i32>} : memref<100352xf32, #tpu.memory_space<vmem>>, vector<16xf32>,
      tpu.vector_store %arg5[%swap3A_162], %broadcast_in_dim3A_159 {strides = array<i32>} : memref<100352xf32, #tpu.memory_space<vmem>>, vector<16xf32>,
      %scan3A_164 = arith.constant 0 : i32
      %scan3A_165 = arith.constant 7 : i32
      %scan3A_166 = arith.addi %scan3A_104, %scan3A_165 : i32
      %broadcast_in_dim3A_167 = arith.constant 0.000000e+00 : f32
      %broadcast_in_dim3A_168 = vector.broadcast %broadcast_in_dim3A_167 : f32 to vector<16xf32>
      %mul3A_169 = arith.constant 16 : i32
      %mul3A_170 = arith.muli %scan3A_166, %mul3A_169 : i32
      %swap3A_171 = arith.index_cast %mul3A_170 : i32 to index
      %swap3A_172 = tpu.vector_load %arg5[%swap3A_171] {strides = array<i32>} : memref<100352xf32, #tpu.memory_space<vmem>>, vector<16xf32>,
      tpu.vector_store %arg5[%swap3A_171], %broadcast_in_dim3A_168 {strides = array<i32>} : memref<100352xf32, #tpu.memory_space<vmem>>, vector<16xf32>,
      %scan3A_173 = arith.constant 0 : i32
      %scan3A_174 = arith.constant 8 : i32
      %scan3A_175 = arith.addi %scan3A_104, %scan3A_174 : i32
      %broadcast_in_dim3A_176 = arith.constant 0.000000e+00 : f32
      %broadcast_in_dim3A_177 = vector.broadcast %broadcast_in_dim3A_176 : f32 to vector<16xf32>
      %mul3A_178 = arith.constant 16 : i32
      %mul3A_179 = arith.muli %scan3A_175, %mul3A_178 : i32
      %swap3A_180 = arith.index_cast %mul3A_179 : i32 to index
      %swap3A_181 = tpu.vector_load %arg5[%swap3A_180] {strides = array<i32>} : memref<100352xf32, #tpu.memory_space<vmem>>, vector<16xf32>,
      tpu.vector_store %arg5[%swap3A_180], %broadcast_in_dim3A_177 {strides = array<i32>} : memref<100352xf32, #tpu.memory_space<vmem>>, vector<16xf32>,
      %scan3A_182 = arith.constant 0 : i32
      %scan3A_183 = arith.constant 9 : i32
      %scan3A_184 = arith.addi %scan3A_104, %scan3A_183 : i32
      %broadcast_in_dim3A_185 = arith.constant 0.000000e+00 : f32
      %broadcast_in_dim3A_186 = vector.broadcast %broadcast_in_dim3A_185 : f32 to vector<16xf32>
      %mul3A_187 = arith.constant 16 : i32
      %mul3A_188 = arith.muli %scan3A_184, %mul3A_187 : i32
      %swap3A_189 = arith.index_cast %mul3A_188 : i32 to index
      %swap3A_190 = tpu.vector_load %arg5[%swap3A_189] {strides = array<i32>} : memref<100352xf32, #tpu.memory_space<vmem>>, vector<16xf32>,
      tpu.vector_store %arg5[%swap3A_189], %broadcast_in_dim3A_186 {strides = array<i32>} : memref<100352xf32, #tpu.memory_space<vmem>>, vector<16xf32>,
      %scan3A_191 = arith.constant 0 : i32
      %scan3A_192 = arith.constant 10 : i32
      %scan3A_193 = arith.addi %scan3A_104, %scan3A_192 : i32
      %broadcast_in_dim3A_194 = arith.constant 0.000000e+00 : f32
      %broadcast_in_dim3A_195 = vector.broadcast %broadcast_in_dim3A_194 : f32 to vector<16xf32>
      %mul3A_196 = arith.constant 16 : i32
      %mul3A_197 = arith.muli %scan3A_193, %mul3A_196 : i32
      %swap3A_198 = arith.index_cast %mul3A_197 : i32 to index
      %swap3A_199 = tpu.vector_load %arg5[%swap3A_198] {strides = array<i32>} : memref<100352xf32, #tpu.memory_space<vmem>>, vector<16xf32>,
      tpu.vector_store %arg5[%swap3A_198], %broadcast_in_dim3A_195 {strides = array<i32>} : memref<100352xf32, #tpu.memory_space<vmem>>, vector<16xf32>,
      %scan3A_200 = arith.constant 0 : i32
      %scan3A_201 = arith.constant 11 : i32
      %scan3A_202 = arith.addi %scan3A_104, %scan3A_201 : i32
      %broadcast_in_dim3A_203 = arith.constant 0.000000e+00 : f32
      %broadcast_in_dim3A_204 = vector.broadcast %broadcast_in_dim3A_203 : f32 to vector<16xf32>
      %mul3A_205 = arith.constant 16 : i32
      %mul3A_206 = arith.muli %scan3A_202, %mul3A_205 : i32
      %swap3A_207 = arith.index_cast %mul3A_206 : i32 to index
      %swap3A_208 = tpu.vector_load %arg5[%swap3A_207] {strides = array<i32>} : memref<100352xf32, #tpu.memory_space<vmem>>, vector<16xf32>,
      tpu.vector_store %arg5[%swap3A_207], %broadcast_in_dim3A_204 {strides = array<i32>} : memref<100352xf32, #tpu.memory_space<vmem>>, vector<16xf32>,
      %scan3A_209 = arith.constant 0 : i32
      %scan3A_210 = arith.constant 12 : i32
      %scan3A_211 = arith.addi %scan3A_104, %scan3A_210 : i32
      %broadcast_in_dim3A_212 = arith.constant 0.000000e+00 : f32
      %broadcast_in_dim3A_213 = vector.broadcast %broadcast_in_dim3A_212 : f32 to vector<16xf32>
      %mul3A_214 = arith.constant 16 : i32
      %mul3A_215 = arith.muli %scan3A_211, %mul3A_214 : i32
      %swap3A_216 = arith.index_cast %mul3A_215 : i32 to index
      %swap3A_217 = tpu.vector_load %arg5[%swap3A_216] {strides = array<i32>} : memref<100352xf32, #tpu.memory_space<vmem>>, vector<16xf32>,
      tpu.vector_store %arg5[%swap3A_216], %broadcast_in_dim3A_213 {strides = array<i32>} : memref<100352xf32, #tpu.memory_space<vmem>>, vector<16xf32>,
      %scan3A_218 = arith.constant 0 : i32
      %scan3A_219 = arith.constant 13 : i32
      %scan3A_220 = arith.addi %scan3A_104, %scan3A_219 : i32
      %broadcast_in_dim3A_221 = arith.constant 0.000000e+00 : f32
      %broadcast_in_dim3A_222 = vector.broadcast %broadcast_in_dim3A_221 : f32 to vector<16xf32>
      %mul3A_223 = arith.constant 16 : i32
      %mul3A_224 = arith.muli %scan3A_220, %mul3A_223 : i32
      %swap3A_225 = arith.index_cast %mul3A_224 : i32 to index
      %swap3A_226 = tpu.vector_load %arg5[%swap3A_225] {strides = array<i32>} : memref<100352xf32, #tpu.memory_space<vmem>>, vector<16xf32>,
      tpu.vector_store %arg5[%swap3A_225], %broadcast_in_dim3A_222 {strides = array<i32>} : memref<100352xf32, #tpu.memory_space<vmem>>, vector<16xf32>,
      %scan3A_227 = arith.constant 0 : i32
      %scan3A_228 = arith.constant 14 : i32
      %scan3A_229 = arith.addi %scan3A_104, %scan3A_228 : i32
      %broadcast_in_dim3A_230 = arith.constant 0.000000e+00 : f32
      %broadcast_in_dim3A_231 = vector.broadcast %broadcast_in_dim3A_230 : f32 to vector<16xf32>
      %mul3A_232 = arith.constant 16 : i32
      %mul3A_233 = arith.muli %scan3A_229, %mul3A_232 : i32
      %swap3A_234 = arith.index_cast %mul3A_233 : i32 to index
      %swap3A_235 = tpu.vector_load %arg5[%swap3A_234] {strides = array<i32>} : memref<100352xf32, #tpu.memory_space<vmem>>, vector<16xf32>,
      tpu.vector_store %arg5[%swap3A_234], %broadcast_in_dim3A_231 {strides = array<i32>} : memref<100352xf32, #tpu.memory_space<vmem>>, vector<16xf32>,
      %scan3A_236 = arith.constant 0 : i32
      %scan3A_237 = arith.constant 15 : i32
      %scan3A_238 = arith.addi %scan3A_104, %scan3A_237 : i32
      %broadcast_in_dim3A_239 = arith.constant 0.000000e+00 : f32
      %broadcast_in_dim3A_240 = vector.broadcast %broadcast_in_dim3A_239 : f32 to vector<16xf32>
      %mul3A_241 = arith.constant 16 : i32
      %mul3A_242 = arith.muli %scan3A_238, %mul3A_241 : i32
      %swap3A_243 = arith.index_cast %mul3A_242 : i32 to index
      %swap3A_244 = tpu.vector_load %arg5[%swap3A_243] {strides = array<i32>} : memref<100352xf32, #tpu.memory_space<vmem>>, vector<16xf32>,
      tpu.vector_store %arg5[%swap3A_243], %broadcast_in_dim3A_240 {strides = array<i32>} : memref<100352xf32, #tpu.memory_space<vmem>>, vector<16xf32>,
      %scan3A_245 = arith.constant 0 : i32
      scf.yield %scan3A_245 : i32
    }
    %scan3A_7 = arith.constant 6272 : i32
    %mul3A_8 = arith.constant 625 : i32
    %mul3A_9 = arith.muli %arg1, %mul3A_8 : i32
    %jit3A = arith.constant 16 : i32
    %div3A = arith.divsi %mul3A_9, %jit3A : i32
    %sign3A = arith.constant 0 : i32
    %sign3A_10 = arith.cmpi sgt, %mul3A_9, %sign3A : i32
    %sign3A_11 = arith.extui %sign3A_10 : i1 to i32
    %sign3A_12 = arith.constant 0 : i32
    %sign3A_13 = arith.cmpi slt, %mul3A_9, %sign3A_12 : i32
    %sign3A_14 = arith.extui %sign3A_13 : i1 to i32
    %sign3A_15 = arith.subi %sign3A_11, %sign3A_14 : i32
    %sign3A_16 = arith.constant 0 : i32
    %sign3A_17 = arith.cmpi sgt, %jit3A, %sign3A_16 : i32
    %sign3A_18 = arith.extui %sign3A_17 : i1 to i32
    %sign3A_19 = arith.constant 0 : i32
    %sign3A_20 = arith.cmpi slt, %jit3A, %sign3A_19 : i32
    %sign3A_21 = arith.extui %sign3A_20 : i1 to i32
    %sign3A_22 = arith.subi %sign3A_18, %sign3A_21 : i32
    %ne3A = arith.cmpi ne, %sign3A_15, %sign3A_22 : i32
    %rem3A = arith.remsi %mul3A_9, %jit3A : i32
    %ne3A_23 = arith.constant 0 : i32
    %ne3A_24 = arith.cmpi ne, %rem3A, %ne3A_23 : i32
    %and3A = arith.andi %ne3A, %ne3A_24 : i1
    %sub3A_25 = arith.constant 1 : i32
    %sub3A_26 = arith.subi %div3A, %sub3A_25 : i32
    %select_n3A = arith.select %and3A, %sub3A_26, %div3A : i32
    %add3A_27 = arith.constant 1 : i32
    %add3A_28 = arith.addi %arg1, %add3A_27 : i32
    %mul3A_29 = arith.constant 625 : i32
    %mul3A_30 = arith.muli %add3A_28, %mul3A_29 : i32
    %jit3A_31 = arith.constant 16 : i32
    %div3A_32 = arith.divsi %mul3A_30, %jit3A_31 : i32
    %sign3A_33 = arith.constant 0 : i32
    %sign3A_34 = arith.cmpi sgt, %mul3A_30, %sign3A_33 : i32
    %sign3A_35 = arith.extui %sign3A_34 : i1 to i32
    %sign3A_36 = arith.constant 0 : i32
    %sign3A_37 = arith.cmpi slt, %mul3A_30, %sign3A_36 : i32
    %sign3A_38 = arith.extui %sign3A_37 : i1 to i32
    %sign3A_39 = arith.subi %sign3A_35, %sign3A_38 : i32
    %sign3A_40 = arith.constant 0 : i32
    %sign3A_41 = arith.cmpi sgt, %jit3A_31, %sign3A_40 : i32
    %sign3A_42 = arith.extui %sign3A_41 : i1 to i32
    %sign3A_43 = arith.constant 0 : i32
    %sign3A_44 = arith.cmpi slt, %jit3A_31, %sign3A_43 : i32
    %sign3A_45 = arith.extui %sign3A_44 : i1 to i32
    %sign3A_46 = arith.subi %sign3A_42, %sign3A_45 : i32
    %ne3A_47 = arith.cmpi ne, %sign3A_39, %sign3A_46 : i32
    %rem3A_48 = arith.remsi %mul3A_30, %jit3A_31 : i32
    %ne3A_49 = arith.constant 0 : i32
    %ne3A_50 = arith.cmpi ne, %rem3A_48, %ne3A_49 : i32
    %and3A_51 = arith.andi %ne3A_47, %ne3A_50 : i1
    %sub3A_52 = arith.constant 1 : i32
    %sub3A_53 = arith.subi %div3A_32, %sub3A_52 : i32
    %select_n3A_54 = arith.select %and3A_51, %sub3A_53, %div3A_32 : i32
    %mul3A_55 = arith.constant 40 : i32
    %mul3A_56 = arith.muli %select_n3A, %mul3A_55 : i32
    %dma_start3A = arith.constant 0 : i32
    %dma_start3A_57 = tpu.memref_slice %arg2[%mul3A_56, %dma_start3A] : memref<25000x128xf32, #tpu.memory_space<hbm>> -> memref<40x128xf32, #tpu.memory_space<hbm>>
    %dma_start3A_58 = arith.constant 0 : i32
    %dma_start3A_59 = tpu.memref_slice %arg2[%mul3A_56, %dma_start3A_58] : memref<25000x128xf32, #tpu.memory_space<hbm>> -> memref<40x128xf32, #tpu.memory_space<hbm>>
    tpu.enqueue_dma source(%dma_start3A_59 : memref<40x128xf32, #tpu.memory_space<hbm>>) target(%arg6 : memref<40x128xf32, #tpu.memory_space<vmem>>) target_semaphore(%arg10 : memref<!tpu.dma_semaphore, #tpu.memory_space<semaphore_mem>>)
    %mul3A_60 = arith.constant 128 : i32
    %mul3A_61 = arith.muli %mul3A_56, %mul3A_60 : i32
    %dma_start3A_62 = tpu.memref_slice %arg3[%sub3A_1, %mul3A_61] : memref<2x3200000xi32, #tpu.memory_space<hbm>> -> memref<1x5120xi32, #tpu.memory_space<hbm>>
    %dma_start3A_63 = tpu.memref_squeeze %dma_start3A_62 : memref<1x5120xi32, #tpu.memory_space<hbm>> -> memref<5120xi32, #tpu.memory_space<hbm>>
    %dma_start3A_64 = tpu.memref_slice %arg3[%sub3A_1, %mul3A_61] : memref<2x3200000xi32, #tpu.memory_space<hbm>> -> memref<1x5120xi32, #tpu.memory_space<hbm>>
    %dma_start3A_65 = tpu.memref_squeeze %dma_start3A_64 : memref<1x5120xi32, #tpu.memory_space<hbm>> -> memref<5120xi32, #tpu.memory_space<hbm>>
    tpu.enqueue_dma source(%dma_start3A_65 : memref<5120xi32, #tpu.memory_space<hbm>>) target(%arg8 : memref<5120xi32, #tpu.memory_space<vmem>>) target_semaphore(%arg10 : memref<!tpu.dma_semaphore, #tpu.memory_space<semaphore_mem>>)
    %sub3A_66 = arith.subi %select_n3A_54, %select_n3A : i32
    %add3A_67 = arith.constant 1 : i32
    %add3A_68 = arith.addi %sub3A_66, %add3A_67 : i32
    %jit3A_69 = arith.constant 2 : i32
    %div3A_70 = arith.divsi %add3A_68, %jit3A_69 : i32
    %sign3A_71 = arith.constant 0 : i32
    %sign3A_72 = arith.cmpi sgt, %add3A_68, %sign3A_71 : i32
    %sign3A_73 = arith.extui %sign3A_72 : i1 to i32
    %sign3A_74 = arith.constant 0 : i32
    %sign3A_75 = arith.cmpi slt, %add3A_68, %sign3A_74 : i32
    %sign3A_76 = arith.extui %sign3A_75 : i1 to i32
    %sign3A_77 = arith.subi %sign3A_73, %sign3A_76 : i32
    %sign3A_78 = arith.constant 0 : i32
    %sign3A_79 = arith.cmpi sgt, %jit3A_69, %sign3A_78 : i32
    %sign3A_80 = arith.extui %sign3A_79 : i1 to i32
    %sign3A_81 = arith.constant 0 : i32
    %sign3A_82 = arith.cmpi slt, %jit3A_69, %sign3A_81 : i32
    %sign3A_83 = arith.extui %sign3A_82 : i1 to i32
    %sign3A_84 = arith.subi %sign3A_80, %sign3A_83 : i32
    %ne3A_85 = arith.cmpi ne, %sign3A_77, %sign3A_84 : i32
    %rem3A_86 = arith.remsi %add3A_68, %jit3A_69 : i32
    %ne3A_87 = arith.constant 0 : i32
    %ne3A_88 = arith.cmpi ne, %rem3A_86, %ne3A_87 : i32
    %and3A_89 = arith.andi %ne3A_85, %ne3A_88 : i1
    %sub3A_90 = arith.constant 1 : i32
    %sub3A_91 = arith.subi %div3A_70, %sub3A_90 : i32
    %select_n3A_92 = arith.select %and3A_89, %sub3A_91, %div3A_70 : i32
    %while3A = arith.constant 0 : i32
    %while3A_93 = arith.constant 0 : i32
    %while3A_94 = arith.subi %select_n3A_92, %while3A : i32
    %while3A_95 = arith.addi %while3A, %while3A_94 : i32
    %while3A_96 = arith.constant 1 : i32
    %while3A_97 = arith.divsi %while3A_94, %while3A_96 : i32
    %while3A_98 = arith.muli %while3A_97, %while3A_96 : i32
    %while3A_99 = arith.addi %while3A, %while3A_98 : i32
    %while3A_100 = arith.constant 1 : i32
    %while3A_101 = scf.for %while3A_104 = %while3A to %while3A_99 step %while3A_100 iter_args(%while3A_105 = %while3A_93) -> (i32)  : i32 {
      %mul3A_106 = arith.constant 2 : i32
      %mul3A_107 = arith.muli %mul3A_106, %while3A_104 : i32
      %add3A_108 = arith.addi %select_n3A, %mul3A_107 : i32
      %add3A_109 = arith.constant 1 : i32
      %add3A_110 = arith.addi %add3A_108, %add3A_109 : i32
      %lt3A = arith.cmpi slt, %add3A_110, %select_n3A_54 : i32
      %convert_element_type3A = arith.extui %lt3A : i1 to i32
      %cond3A = arith.constant 0 : i32
      %cond3A_111 = arith.cmpi ne, %convert_element_type3A, %cond3A : i32
      scf.if %cond3A_111 {
        %mul3A_142 = arith.constant 40 : i32
        %mul3A_143 = arith.muli %add3A_110, %mul3A_142 : i32
        %dma_start3A_144 = arith.constant 0 : i32
        %dma_start3A_145 = tpu.memref_slice %arg2[%mul3A_143, %dma_start3A_144] : memref<25000x128xf32, #tpu.memory_space<hbm>> -> memref<40x128xf32, #tpu.memory_space<hbm>>
        %dma_start3A_146 = arith.constant 0 : i32
        %dma_start3A_147 = tpu.memref_slice %arg2[%mul3A_143, %dma_start3A_146] : memref<25000x128xf32, #tpu.memory_space<hbm>> -> memref<40x128xf32, #tpu.memory_space<hbm>>
        tpu.enqueue_dma source(%dma_start3A_147 : memref<40x128xf32, #tpu.memory_space<hbm>>) target(%arg7 : memref<40x128xf32, #tpu.memory_space<vmem>>) target_semaphore(%arg11 : memref<!tpu.dma_semaphore, #tpu.memory_space<semaphore_mem>>)
        %mul3A_148 = arith.constant 128 : i32
        %mul3A_149 = arith.muli %mul3A_143, %mul3A_148 : i32
        %dma_start3A_150 = tpu.memref_slice %arg3[%sub3A_1, %mul3A_149] : memref<2x3200000xi32, #tpu.memory_space<hbm>> -> memref<1x5120xi32, #tpu.memory_space<hbm>>
        %dma_start3A_151 = tpu.memref_squeeze %dma_start3A_150 : memref<1x5120xi32, #tpu.memory_space<hbm>> -> memref<5120xi32, #tpu.memory_space<hbm>>
        %dma_start3A_152 = tpu.memref_slice %arg3[%sub3A_1, %mul3A_149] : memref<2x3200000xi32, #tpu.memory_space<hbm>> -> memref<1x5120xi32, #tpu.memory_space<hbm>>
        %dma_start3A_153 = tpu.memref_squeeze %dma_start3A_152 : memref<1x5120xi32, #tpu.memory_space<hbm>> -> memref<5120xi32, #tpu.memory_space<hbm>>
        tpu.enqueue_dma source(%dma_start3A_153 : memref<5120xi32, #tpu.memory_space<hbm>>) target(%arg9 : memref<5120xi32, #tpu.memory_space<vmem>>) target_semaphore(%arg11 : memref<!tpu.dma_semaphore, #tpu.memory_space<semaphore_mem>>)
      } else {
      }
      %dma_wait3A = arith.constant 0 : i32
      %dma_wait3A_112 = arith.constant 0 : i32
      %dma_wait3A_113 = tpu.memref_slice %arg2[%dma_wait3A, %dma_wait3A_112] : memref<25000x128xf32, #tpu.memory_space<hbm>> -> memref<40x128xf32, #tpu.memory_space<hbm>>
      %dma_wait3A_114 = arith.constant 0 : i32
      %dma_wait3A_115 = arith.constant 0 : i32
      %dma_wait3A_116 = tpu.memref_slice %arg2[%dma_wait3A_114, %dma_wait3A_115] : memref<25000x128xf32, #tpu.memory_space<hbm>> -> memref<40x128xf32, #tpu.memory_space<hbm>>
      tpu.wait_dma2 semaphore(%arg10 : memref<!tpu.dma_semaphore, #tpu.memory_space<semaphore_mem>>) src(%dma_wait3A_116 : memref<40x128xf32, #tpu.memory_space<hbm>>) dst(%arg6 : memref<40x128xf32, #tpu.memory_space<vmem>>)
      %dma_wait3A_117 = arith.constant 0 : i32
      %dma_wait3A_118 = arith.constant 0 : i32
      %dma_wait3A_119 = tpu.memref_slice %arg3[%dma_wait3A_117, %dma_wait3A_118] : memref<2x3200000xi32, #tpu.memory_space<hbm>> -> memref<1x5120xi32, #tpu.memory_space<hbm>>
      %dma_wait3A_120 = tpu.memref_squeeze %dma_wait3A_119 : memref<1x5120xi32, #tpu.memory_space<hbm>> -> memref<5120xi32, #tpu.memory_space<hbm>>
      %dma_wait3A_121 = arith.constant 0 : i32
      %dma_wait3A_122 = tpu.memref_slice %arg3[%dma_wait3A_117, %dma_wait3A_121] : memref<2x3200000xi32, #tpu.memory_space<hbm>> -> memref<1x5120xi32, #tpu.memory_space<hbm>>
      %dma_wait3A_123 = tpu.memref_squeeze %dma_wait3A_122 : memref<1x5120xi32, #tpu.memory_space<hbm>> -> memref<5120xi32, #tpu.memory_space<hbm>>
      tpu.wait_dma2 semaphore(%arg10 : memref<!tpu.dma_semaphore, #tpu.memory_space<semaphore_mem>>) src(%dma_wait3A_123 : memref<5120xi32, #tpu.memory_space<hbm>>) dst(%arg8 : memref<5120xi32, #tpu.memory_space<vmem>>)
      %scan3A_124 = arith.constant 0 : i32
      %scan3A_125 = arith.constant 0 : i32
      %scan3A_126 = arith.constant 40 : i32
      %scan3A_127 = arith.addi %scan3A_125, %scan3A_126 : i32
      %scan3A_128 = arith.constant 4 : i32
      %scan3A_129 = scf.for %scan3A_142 = %scan3A_125 to %scan3A_127 step %scan3A_128 iter_args(%scan3A_143 = %scan3A_124) -> (i32)  : i32 {
        %get3A = arith.index_cast %scan3A_142 : i32 to index
        %get3A_144 = arith.constant 0 : index
        %get3A_145 = tpu.vector_load %arg6[%get3A, %get3A_144] {strides = array<i32>} : memref<40x128xf32, #tpu.memory_space<vmem>>, vector<16xf32>,
        %mul3A_146 = arith.constant 128 : i32
        %mul3A_147 = arith.muli %scan3A_142, %mul3A_146 : i32
        %add3A_148 = arith.constant 0 : i32
        %add3A_149 = arith.addi %mul3A_147, %add3A_148 : i32
        %get3A_150 = arith.index_cast %add3A_149 : i32 to index
        %get3A_151 = tpu.vector_load %arg8[%get3A_150] {strides = array<i32>} : memref<5120xi32, #tpu.memory_space<vmem>>, vector<16xi32>,
        tpu.vector_store_idx %arg5[%get3A_151], %get3A_145 {add = true} : memref<100352xf32, #tpu.memory_space<vmem>>[vector<16xi32>], vector<16xf32>,
        %get3A_152 = arith.index_cast %scan3A_142 : i32 to index
        %get3A_153 = arith.constant 16 : index
        %get3A_154 = tpu.vector_load %arg6[%get3A_152, %get3A_153] {strides = array<i32>} : memref<40x128xf32, #tpu.memory_space<vmem>>, vector<16xf32>,
        %mul3A_155 = arith.constant 128 : i32
        %mul3A_156 = arith.muli %scan3A_142, %mul3A_155 : i32
        %add3A_157 = arith.constant 16 : i32
        %add3A_158 = arith.addi %mul3A_156, %add3A_157 : i32
        %get3A_159 = arith.index_cast %add3A_158 : i32 to index
        %get3A_160 = tpu.vector_load %arg8[%get3A_159] {strides = array<i32>} : memref<5120xi32, #tpu.memory_space<vmem>>, vector<16xi32>,
        tpu.vector_store_idx %arg5[%get3A_160], %get3A_154 {add = true} : memref<100352xf32, #tpu.memory_space<vmem>>[vector<16xi32>], vector<16xf32>,
        %get3A_161 = arith.index_cast %scan3A_142 : i32 to index
        %get3A_162 = arith.constant 32 : index
        %get3A_163 = tpu.vector_load %arg6[%get3A_161, %get3A_162] {strides = array<i32>} : memref<40x128xf32, #tpu.memory_space<vmem>>, vector<16xf32>,
        %mul3A_164 = arith.constant 128 : i32
        %mul3A_165 = arith.muli %scan3A_142, %mul3A_164 : i32
        %add3A_166 = arith.constant 32 : i32
        %add3A_167 = arith.addi %mul3A_165, %add3A_166 : i32
        %get3A_168 = arith.index_cast %add3A_167 : i32 to index
        %get3A_169 = tpu.vector_load %arg8[%get3A_168] {strides = array<i32>} : memref<5120xi32, #tpu.memory_space<vmem>>, vector<16xi32>,
        tpu.vector_store_idx %arg5[%get3A_169], %get3A_163 {add = true} : memref<100352xf32, #tpu.memory_space<vmem>>[vector<16xi32>], vector<16xf32>,
        %get3A_170 = arith.index_cast %scan3A_142 : i32 to index
        %get3A_171 = arith.constant 48 : index
        %get3A_172 = tpu.vector_load %arg6[%get3A_170, %get3A_171] {strides = array<i32>} : memref<40x128xf32, #tpu.memory_space<vmem>>, vector<16xf32>,
        %mul3A_173 = arith.constant 128 : i32
        %mul3A_174 = arith.muli %scan3A_142, %mul3A_173 : i32
        %add3A_175 = arith.constant 48 : i32
        %add3A_176 = arith.addi %mul3A_174, %add3A_175 : i32
        %get3A_177 = arith.index_cast %add3A_176 : i32 to index
        %get3A_178 = tpu.vector_load %arg8[%get3A_177] {strides = array<i32>} : memref<5120xi32, #tpu.memory_space<vmem>>, vector<16xi32>,
        tpu.vector_store_idx %arg5[%get3A_178], %get3A_172 {add = true} : memref<100352xf32, #tpu.memory_space<vmem>>[vector<16xi32>], vector<16xf32>,
        %get3A_179 = arith.index_cast %scan3A_142 : i32 to index
        %get3A_180 = arith.constant 64 : index
        %get3A_181 = tpu.vector_load %arg6[%get3A_179, %get3A_180] {strides = array<i32>} : memref<40x128xf32, #tpu.memory_space<vmem>>, vector<16xf32>,
        %mul3A_182 = arith.constant 128 : i32
        %mul3A_183 = arith.muli %scan3A_142, %mul3A_182 : i32
        %add3A_184 = arith.constant 64 : i32
        %add3A_185 = arith.addi %mul3A_183, %add3A_184 : i32
        %get3A_186 = arith.index_cast %add3A_185 : i32 to index
        %get3A_187 = tpu.vector_load %arg8[%get3A_186] {strides = array<i32>} : memref<5120xi32, #tpu.memory_space<vmem>>, vector<16xi32>,
        tpu.vector_store_idx %arg5[%get3A_187], %get3A_181 {add = true} : memref<100352xf32, #tpu.memory_space<vmem>>[vector<16xi32>], vector<16xf32>,
        %get3A_188 = arith.index_cast %scan3A_142 : i32 to index
        %get3A_189 = arith.constant 80 : index
        %get3A_190 = tpu.vector_load %arg6[%get3A_188, %get3A_189] {strides = array<i32>} : memref<40x128xf32, #tpu.memory_space<vmem>>, vector<16xf32>,
        %mul3A_191 = arith.constant 128 : i32
        %mul3A_192 = arith.muli %scan3A_142, %mul3A_191 : i32
        %add3A_193 = arith.constant 80 : i32
        %add3A_194 = arith.addi %mul3A_192, %add3A_193 : i32
        %get3A_195 = arith.index_cast %add3A_194 : i32 to index
        %get3A_196 = tpu.vector_load %arg8[%get3A_195] {strides = array<i32>} : memref<5120xi32, #tpu.memory_space<vmem>>, vector<16xi32>,
        tpu.vector_store_idx %arg5[%get3A_196], %get3A_190 {add = true} : memref<100352xf32, #tpu.memory_space<vmem>>[vector<16xi32>], vector<16xf32>,
        %get3A_197 = arith.index_cast %scan3A_142 : i32 to index
        %get3A_198 = arith.constant 96 : index
        %get3A_199 = tpu.vector_load %arg6[%get3A_197, %get3A_198] {strides = array<i32>} : memref<40x128xf32, #tpu.memory_space<vmem>>, vector<16xf32>,
        %mul3A_200 = arith.constant 128 : i32
        %mul3A_201 = arith.muli %scan3A_142, %mul3A_200 : i32
        %add3A_202 = arith.constant 96 : i32
        %add3A_203 = arith.addi %mul3A_201, %add3A_202 : i32
        %get3A_204 = arith.index_cast %add3A_203 : i32 to index
        %get3A_205 = tpu.vector_load %arg8[%get3A_204] {strides = array<i32>} : memref<5120xi32, #tpu.memory_space<vmem>>, vector<16xi32>,
        tpu.vector_store_idx %arg5[%get3A_205], %get3A_199 {add = true} : memref<100352xf32, #tpu.memory_space<vmem>>[vector<16xi32>], vector<16xf32>,
        %get3A_206 = arith.index_cast %scan3A_142 : i32 to index
        %get3A_207 = arith.constant 112 : index
        %get3A_208 = tpu.vector_load %arg6[%get3A_206, %get3A_207] {strides = array<i32>} : memref<40x128xf32, #tpu.memory_space<vmem>>, vector<16xf32>,
        %mul3A_209 = arith.constant 128 : i32
        %mul3A_210 = arith.muli %scan3A_142, %mul3A_209 : i32
        %add3A_211 = arith.constant 112 : i32
        %add3A_212 = arith.addi %mul3A_210, %add3A_211 : i32
        %get3A_213 = arith.index_cast %add3A_212 : i32 to index
        %get3A_214 = tpu.vector_load %arg8[%get3A_213] {strides = array<i32>} : memref<5120xi32, #tpu.memory_space<vmem>>, vector<16xi32>,
        tpu.vector_store_idx %arg5[%get3A_214], %get3A_208 {add = true} : memref<100352xf32, #tpu.memory_space<vmem>>[vector<16xi32>], vector<16xf32>,
        %scan3A_215 = arith.constant 0 : i32
        %scan3A_216 = arith.constant 1 : i32
        %scan3A_217 = arith.addi %scan3A_142, %scan3A_216 : i32
        %get3A_218 = arith.index_cast %scan3A_217 : i32 to index
        %get3A_219 = arith.constant 0 : index
        %get3A_220 = tpu.vector_load %arg6[%get3A_218, %get3A_219] {strides = array<i32>} : memref<40x128xf32, #tpu.memory_space<vmem>>, vector<16xf32>,
        %mul3A_221 = arith.constant 128 : i32
        %mul3A_222 = arith.muli %scan3A_217, %mul3A_221 : i32
        %add3A_223 = arith.constant 0 : i32
        %add3A_224 = arith.addi %mul3A_222, %add3A_223 : i32
        %get3A_225 = arith.index_cast %add3A_224 : i32 to index
        %get3A_226 = tpu.vector_load %arg8[%get3A_225] {strides = array<i32>} : memref<5120xi32, #tpu.memory_space<vmem>>, vector<16xi32>,
        tpu.vector_store_idx %arg5[%get3A_226], %get3A_220 {add = true} : memref<100352xf32, #tpu.memory_space<vmem>>[vector<16xi32>], vector<16xf32>,
        %get3A_227 = arith.index_cast %scan3A_217 : i32 to index
        %get3A_228 = arith.constant 16 : index
        %get3A_229 = tpu.vector_load %arg6[%get3A_227, %get3A_228] {strides = array<i32>} : memref<40x128xf32, #tpu.memory_space<vmem>>, vector<16xf32>,
        %mul3A_230 = arith.constant 128 : i32
        %mul3A_231 = arith.muli %scan3A_217, %mul3A_230 : i32
        %add3A_232 = arith.constant 16 : i32
        %add3A_233 = arith.addi %mul3A_231, %add3A_232 : i32
        %get3A_234 = arith.index_cast %add3A_233 : i32 to index
        %get3A_235 = tpu.vector_load %arg8[%get3A_234] {strides = array<i32>} : memref<5120xi32, #tpu.memory_space<vmem>>, vector<16xi32>,
        tpu.vector_store_idx %arg5[%get3A_235], %get3A_229 {add = true} : memref<100352xf32, #tpu.memory_space<vmem>>[vector<16xi32>], vector<16xf32>,
        %get3A_236 = arith.index_cast %scan3A_217 : i32 to index
        %get3A_237 = arith.constant 32 : index
        %get3A_238 = tpu.vector_load %arg6[%get3A_236, %get3A_237] {strides = array<i32>} : memref<40x128xf32, #tpu.memory_space<vmem>>, vector<16xf32>,
        %mul3A_239 = arith.constant 128 : i32
        %mul3A_240 = arith.muli %scan3A_217, %mul3A_239 : i32
        %add3A_241 = arith.constant 32 : i32
        %add3A_242 = arith.addi %mul3A_240, %add3A_241 : i32
        %get3A_243 = arith.index_cast %add3A_242 : i32 to index
        %get3A_244 = tpu.vector_load %arg8[%get3A_243] {strides = array<i32>} : memref<5120xi32, #tpu.memory_space<vmem>>, vector<16xi32>,
        tpu.vector_store_idx %arg5[%get3A_244], %get3A_238 {add = true} : memref<100352xf32, #tpu.memory_space<vmem>>[vector<16xi32>], vector<16xf32>,
        %get3A_245 = arith.index_cast %scan3A_217 : i32 to index
        %get3A_246 = arith.constant 48 : index
        %get3A_247 = tpu.vector_load %arg6[%get3A_245, %get3A_246] {strides = array<i32>} : memref<40x128xf32, #tpu.memory_space<vmem>>, vector<16xf32>,
        %mul3A_248 = arith.constant 128 : i32
        %mul3A_249 = arith.muli %scan3A_217, %mul3A_248 : i32
        %add3A_250 = arith.constant 48 : i32
        %add3A_251 = arith.addi %mul3A_249, %add3A_250 : i32
        %get3A_252 = arith.index_cast %add3A_251 : i32 to index
        %get3A_253 = tpu.vector_load %arg8[%get3A_252] {strides = array<i32>} : memref<5120xi32, #tpu.memory_space<vmem>>, vector<16xi32>,
        tpu.vector_store_idx %arg5[%get3A_253], %get3A_247 {add = true} : memref<100352xf32, #tpu.memory_space<vmem>>[vector<16xi32>], vector<16xf32>,
        %get3A_254 = arith.index_cast %scan3A_217 : i32 to index
        %get3A_255 = arith.constant 64 : index
        %get3A_256 = tpu.vector_load %arg6[%get3A_254, %get3A_255] {strides = array<i32>} : memref<40x128xf32, #tpu.memory_space<vmem>>, vector<16xf32>,
        %mul3A_257 = arith.constant 128 : i32
        %mul3A_258 = arith.muli %scan3A_217, %mul3A_257 : i32
        %add3A_259 = arith.constant 64 : i32
        %add3A_260 = arith.addi %mul3A_258, %add3A_259 : i32
        %get3A_261 = arith.index_cast %add3A_260 : i32 to index
        %get3A_262 = tpu.vector_load %arg8[%get3A_261] {strides = array<i32>} : memref<5120xi32, #tpu.memory_space<vmem>>, vector<16xi32>,
        tpu.vector_store_idx %arg5[%get3A_262], %get3A_256 {add = true} : memref<100352xf32, #tpu.memory_space<vmem>>[vector<16xi32>], vector<16xf32>,
        %get3A_263 = arith.index_cast %scan3A_217 : i32 to index
        %get3A_264 = arith.constant 80 : index
        %get3A_265 = tpu.vector_load %arg6[%get3A_263, %get3A_264] {strides = array<i32>} : memref<40x128xf32, #tpu.memory_space<vmem>>, vector<16xf32>,
        %mul3A_266 = arith.constant 128 : i32
        %mul3A_267 = arith.muli %scan3A_217, %mul3A_266 : i32
        %add3A_268 = arith.constant 80 : i32
        %add3A_269 = arith.addi %mul3A_267, %add3A_268 : i32
        %get3A_270 = arith.index_cast %add3A_269 : i32 to index
        %get3A_271 = tpu.vector_load %arg8[%get3A_270] {strides = array<i32>} : memref<5120xi32, #tpu.memory_space<vmem>>, vector<16xi32>,
        tpu.vector_store_idx %arg5[%get3A_271], %get3A_265 {add = true} : memref<100352xf32, #tpu.memory_space<vmem>>[vector<16xi32>], vector<16xf32>,
        %get3A_272 = arith.index_cast %scan3A_217 : i32 to index
        %get3A_273 = arith.constant 96 : index
        %get3A_274 = tpu.vector_load %arg6[%get3A_272, %get3A_273] {strides = array<i32>} : memref<40x128xf32, #tpu.memory_space<vmem>>, vector<16xf32>,
        %mul3A_275 = arith.constant 128 : i32
        %mul3A_276 = arith.muli %scan3A_217, %mul3A_275 : i32
        %add3A_277 = arith.constant 96 : i32
        %add3A_278 = arith.addi %mul3A_276, %add3A_277 : i32
        %get3A_279 = arith.index_cast %add3A_278 : i32 to index
        %get3A_280 = tpu.vector_load %arg8[%get3A_279] {strides = array<i32>} : memref<5120xi32, #tpu.memory_space<vmem>>, vector<16xi32>,
        tpu.vector_store_idx %arg5[%get3A_280], %get3A_274 {add = true} : memref<100352xf32, #tpu.memory_space<vmem>>[vector<16xi32>], vector<16xf32>,
        %get3A_281 = arith.index_cast %scan3A_217 : i32 to index
        %get3A_282 = arith.constant 112 : index
        %get3A_283 = tpu.vector_load %arg6[%get3A_281, %get3A_282] {strides = array<i32>} : memref<40x128xf32, #tpu.memory_space<vmem>>, vector<16xf32>,
        %mul3A_284 = arith.constant 128 : i32
        %mul3A_285 = arith.muli %scan3A_217, %mul3A_284 : i32
        %add3A_286 = arith.constant 112 : i32
        %add3A_287 = arith.addi %mul3A_285, %add3A_286 : i32
        %get3A_288 = arith.index_cast %add3A_287 : i32 to index
        %get3A_289 = tpu.vector_load %arg8[%get3A_288] {strides = array<i32>} : memref<5120xi32, #tpu.memory_space<vmem>>, vector<16xi32>,
        tpu.vector_store_idx %arg5[%get3A_289], %get3A_283 {add = true} : memref<100352xf32, #tpu.memory_space<vmem>>[vector<16xi32>], vector<16xf32>,
        %scan3A_290 = arith.constant 0 : i32
        %scan3A_291 = arith.constant 2 : i32
        %scan3A_292 = arith.addi %scan3A_142, %scan3A_291 : i32
        %get3A_293 = arith.index_cast %scan3A_292 : i32 to index
        %get3A_294 = arith.constant 0 : index
        %get3A_295 = tpu.vector_load %arg6[%get3A_293, %get3A_294] {strides = array<i32>} : memref<40x128xf32, #tpu.memory_space<vmem>>, vector<16xf32>,
        %mul3A_296 = arith.constant 128 : i32
        %mul3A_297 = arith.muli %scan3A_292, %mul3A_296 : i32
        %add3A_298 = arith.constant 0 : i32
        %add3A_299 = arith.addi %mul3A_297, %add3A_298 : i32
        %get3A_300 = arith.index_cast %add3A_299 : i32 to index
        %get3A_301 = tpu.vector_load %arg8[%get3A_300] {strides = array<i32>} : memref<5120xi32, #tpu.memory_space<vmem>>, vector<16xi32>,
        tpu.vector_store_idx %arg5[%get3A_301], %get3A_295 {add = true} : memref<100352xf32, #tpu.memory_space<vmem>>[vector<16xi32>], vector<16xf32>,
        %get3A_302 = arith.index_cast %scan3A_292 : i32 to index
        %get3A_303 = arith.constant 16 : index
        %get3A_304 = tpu.vector_load %arg6[%get3A_302, %get3A_303] {strides = array<i32>} : memref<40x128xf32, #tpu.memory_space<vmem>>, vector<16xf32>,
        %mul3A_305 = arith.constant 128 : i32
        %mul3A_306 = arith.muli %scan3A_292, %mul3A_305 : i32
        %add3A_307 = arith.constant 16 : i32
        %add3A_308 = arith.addi %mul3A_306, %add3A_307 : i32
        %get3A_309 = arith.index_cast %add3A_308 : i32 to index
        %get3A_310 = tpu.vector_load %arg8[%get3A_309] {strides = array<i32>} : memref<5120xi32, #tpu.memory_space<vmem>>, vector<16xi32>,
        tpu.vector_store_idx %arg5[%get3A_310], %get3A_304 {add = true} : memref<100352xf32, #tpu.memory_space<vmem>>[vector<16xi32>], vector<16xf32>,
        %get3A_311 = arith.index_cast %scan3A_292 : i32 to index
        %get3A_312 = arith.constant 32 : index
        %get3A_313 = tpu.vector_load %arg6[%get3A_311, %get3A_312] {strides = array<i32>} : memref<40x128xf32, #tpu.memory_space<vmem>>, vector<16xf32>,
        %mul3A_314 = arith.constant 128 : i32
        %mul3A_315 = arith.muli %scan3A_292, %mul3A_314 : i32
        %add3A_316 = arith.constant 32 : i32
        %add3A_317 = arith.addi %mul3A_315, %add3A_316 : i32
        %get3A_318 = arith.index_cast %add3A_317 : i32 to index
        %get3A_319 = tpu.vector_load %arg8[%get3A_318] {strides = array<i32>} : memref<5120xi32, #tpu.memory_space<vmem>>, vector<16xi32>,
        tpu.vector_store_idx %arg5[%get3A_319], %get3A_313 {add = true} : memref<100352xf32, #tpu.memory_space<vmem>>[vector<16xi32>], vector<16xf32>,
        %get3A_320 = arith.index_cast %scan3A_292 : i32 to index
        %get3A_321 = arith.constant 48 : index
        %get3A_322 = tpu.vector_load %arg6[%get3A_320, %get3A_321] {strides = array<i32>} : memref<40x128xf32, #tpu.memory_space<vmem>>, vector<16xf32>,
        %mul3A_323 = arith.constant 128 : i32
        %mul3A_324 = arith.muli %scan3A_292, %mul3A_323 : i32
        %add3A_325 = arith.constant 48 : i32
        %add3A_326 = arith.addi %mul3A_324, %add3A_325 : i32
        %get3A_327 = arith.index_cast %add3A_326 : i32 to index
        %get3A_328 = tpu.vector_load %arg8[%get3A_327] {strides = array<i32>} : memref<5120xi32, #tpu.memory_space<vmem>>, vector<16xi32>,
        tpu.vector_store_idx %arg5[%get3A_328], %get3A_322 {add = true} : memref<100352xf32, #tpu.memory_space<vmem>>[vector<16xi32>], vector<16xf32>,
        %get3A_329 = arith.index_cast %scan3A_292 : i32 to index
        %get3A_330 = arith.constant 64 : index
        %get3A_331 = tpu.vector_load %arg6[%get3A_329, %get3A_330] {strides = array<i32>} : memref<40x128xf32, #tpu.memory_space<vmem>>, vector<16xf32>,
        %mul3A_332 = arith.constant 128 : i32
        %mul3A_333 = arith.muli %scan3A_292, %mul3A_332 : i32
        %add3A_334 = arith.constant 64 : i32
        %add3A_335 = arith.addi %mul3A_333, %add3A_334 : i32
        %get3A_336 = arith.index_cast %add3A_335 : i32 to index
        %get3A_337 = tpu.vector_load %arg8[%get3A_336] {strides = array<i32>} : memref<5120xi32, #tpu.memory_space<vmem>>, vector<16xi32>,
        tpu.vector_store_idx %arg5[%get3A_337], %get3A_331 {add = true} : memref<100352xf32, #tpu.memory_space<vmem>>[vector<16xi32>], vector<16xf32>,
        %get3A_338 = arith.index_cast %scan3A_292 : i32 to index
        %get3A_339 = arith.constant 80 : index
        %get3A_340 = tpu.vector_load %arg6[%get3A_338, %get3A_339] {strides = array<i32>} : memref<40x128xf32, #tpu.memory_space<vmem>>, vector<16xf32>,
        %mul3A_341 = arith.constant 128 : i32
        %mul3A_342 = arith.muli %scan3A_292, %mul3A_341 : i32
        %add3A_343 = arith.constant 80 : i32
        %add3A_344 = arith.addi %mul3A_342, %add3A_343 : i32
        %get3A_345 = arith.index_cast %add3A_344 : i32 to index
        %get3A_346 = tpu.vector_load %arg8[%get3A_345] {strides = array<i32>} : memref<5120xi32, #tpu.memory_space<vmem>>, vector<16xi32>,
        tpu.vector_store_idx %arg5[%get3A_346], %get3A_340 {add = true} : memref<100352xf32, #tpu.memory_space<vmem>>[vector<16xi32>], vector<16xf32>,
        %get3A_347 = arith.index_cast %scan3A_292 : i32 to index
        %get3A_348 = arith.constant 96 : index
        %get3A_349 = tpu.vector_load %arg6[%get3A_347, %get3A_348] {strides = array<i32>} : memref<40x128xf32, #tpu.memory_space<vmem>>, vector<16xf32>,
        %mul3A_350 = arith.constant 128 : i32
        %mul3A_351 = arith.muli %scan3A_292, %mul3A_350 : i32
        %add3A_352 = arith.constant 96 : i32
        %add3A_353 = arith.addi %mul3A_351, %add3A_352 : i32
        %get3A_354 = arith.index_cast %add3A_353 : i32 to index
        %get3A_355 = tpu.vector_load %arg8[%get3A_354] {strides = array<i32>} : memref<5120xi32, #tpu.memory_space<vmem>>, vector<16xi32>,
        tpu.vector_store_idx %arg5[%get3A_355], %get3A_349 {add = true} : memref<100352xf32, #tpu.memory_space<vmem>>[vector<16xi32>], vector<16xf32>,
        %get3A_356 = arith.index_cast %scan3A_292 : i32 to index
        %get3A_357 = arith.constant 112 : index
        %get3A_358 = tpu.vector_load %arg6[%get3A_356, %get3A_357] {strides = array<i32>} : memref<40x128xf32, #tpu.memory_space<vmem>>, vector<16xf32>,
        %mul3A_359 = arith.constant 128 : i32
        %mul3A_360 = arith.muli %scan3A_292, %mul3A_359 : i32
        %add3A_361 = arith.constant 112 : i32
        %add3A_362 = arith.addi %mul3A_360, %add3A_361 : i32
        %get3A_363 = arith.index_cast %add3A_362 : i32 to index
        %get3A_364 = tpu.vector_load %arg8[%get3A_363] {strides = array<i32>} : memref<5120xi32, #tpu.memory_space<vmem>>, vector<16xi32>,
        tpu.vector_store_idx %arg5[%get3A_364], %get3A_358 {add = true} : memref<100352xf32, #tpu.memory_space<vmem>>[vector<16xi32>], vector<16xf32>,
        %scan3A_365 = arith.constant 0 : i32
        %scan3A_366 = arith.constant 3 : i32
        %scan3A_367 = arith.addi %scan3A_142, %scan3A_366 : i32
        %get3A_368 = arith.index_cast %scan3A_367 : i32 to index
        %get3A_369 = arith.constant 0 : index
        %get3A_370 = tpu.vector_load %arg6[%get3A_368, %get3A_369] {strides = array<i32>} : memref<40x128xf32, #tpu.memory_space<vmem>>, vector<16xf32>,
        %mul3A_371 = arith.constant 128 : i32
        %mul3A_372 = arith.muli %scan3A_367, %mul3A_371 : i32
        %add3A_373 = arith.constant 0 : i32
        %add3A_374 = arith.addi %mul3A_372, %add3A_373 : i32
        %get3A_375 = arith.index_cast %add3A_374 : i32 to index
        %get3A_376 = tpu.vector_load %arg8[%get3A_375] {strides = array<i32>} : memref<5120xi32, #tpu.memory_space<vmem>>, vector<16xi32>,
        tpu.vector_store_idx %arg5[%get3A_376], %get3A_370 {add = true} : memref<100352xf32, #tpu.memory_space<vmem>>[vector<16xi32>], vector<16xf32>,
        %get3A_377 = arith.index_cast %scan3A_367 : i32 to index
        %get3A_378 = arith.constant 16 : index
        %get3A_379 = tpu.vector_load %arg6[%get3A_377, %get3A_378] {strides = array<i32>} : memref<40x128xf32, #tpu.memory_space<vmem>>, vector<16xf32>,
        %mul3A_380 = arith.constant 128 : i32
        %mul3A_381 = arith.muli %scan3A_367, %mul3A_380 : i32
        %add3A_382 = arith.constant 16 : i32
        %add3A_383 = arith.addi %mul3A_381, %add3A_382 : i32
        %get3A_384 = arith.index_cast %add3A_383 : i32 to index
        %get3A_385 = tpu.vector_load %arg8[%get3A_384] {strides = array<i32>} : memref<5120xi32, #tpu.memory_space<vmem>>, vector<16xi32>,
        tpu.vector_store_idx %arg5[%get3A_385], %get3A_379 {add = true} : memref<100352xf32, #tpu.memory_space<vmem>>[vector<16xi32>], vector<16xf32>,
        %get3A_386 = arith.index_cast %scan3A_367 : i32 to index
        %get3A_387 = arith.constant 32 : index
        %get3A_388 = tpu.vector_load %arg6[%get3A_386, %get3A_387] {strides = array<i32>} : memref<40x128xf32, #tpu.memory_space<vmem>>, vector<16xf32>,
        %mul3A_389 = arith.constant 128 : i32
        %mul3A_390 = arith.muli %scan3A_367, %mul3A_389 : i32
        %add3A_391 = arith.constant 32 : i32
        %add3A_392 = arith.addi %mul3A_390, %add3A_391 : i32
        %get3A_393 = arith.index_cast %add3A_392 : i32 to index
        %get3A_394 = tpu.vector_load %arg8[%get3A_393] {strides = array<i32>} : memref<5120xi32, #tpu.memory_space<vmem>>, vector<16xi32>,
        tpu.vector_store_idx %arg5[%get3A_394], %get3A_388 {add = true} : memref<100352xf32, #tpu.memory_space<vmem>>[vector<16xi32>], vector<16xf32>,
        %get3A_395 = arith.index_cast %scan3A_367 : i32 to index
        %get3A_396 = arith.constant 48 : index
        %get3A_397 = tpu.vector_load %arg6[%get3A_395, %get3A_396] {strides = array<i32>} : memref<40x128xf32, #tpu.memory_space<vmem>>, vector<16xf32>,
        %mul3A_398 = arith.constant 128 : i32
        %mul3A_399 = arith.muli %scan3A_367, %mul3A_398 : i32
        %add3A_400 = arith.constant 48 : i32
        %add3A_401 = arith.addi %mul3A_399, %add3A_400 : i32
        %get3A_402 = arith.index_cast %add3A_401 : i32 to index
        %get3A_403 = tpu.vector_load %arg8[%get3A_402] {strides = array<i32>} : memref<5120xi32, #tpu.memory_space<vmem>>, vector<16xi32>,
        tpu.vector_store_idx %arg5[%get3A_403], %get3A_397 {add = true} : memref<100352xf32, #tpu.memory_space<vmem>>[vector<16xi32>], vector<16xf32>,
        %get3A_404 = arith.index_cast %scan3A_367 : i32 to index
        %get3A_405 = arith.constant 64 : index
        %get3A_406 = tpu.vector_load %arg6[%get3A_404, %get3A_405] {strides = array<i32>} : memref<40x128xf32, #tpu.memory_space<vmem>>, vector<16xf32>,
        %mul3A_407 = arith.constant 128 : i32
        %mul3A_408 = arith.muli %scan3A_367, %mul3A_407 : i32
        %add3A_409 = arith.constant 64 : i32
        %add3A_410 = arith.addi %mul3A_408, %add3A_409 : i32
        %get3A_411 = arith.index_cast %add3A_410 : i32 to index
        %get3A_412 = tpu.vector_load %arg8[%get3A_411] {strides = array<i32>} : memref<5120xi32, #tpu.memory_space<vmem>>, vector<16xi32>,
        tpu.vector_store_idx %arg5[%get3A_412], %get3A_406 {add = true} : memref<100352xf32, #tpu.memory_space<vmem>>[vector<16xi32>], vector<16xf32>,
        %get3A_413 = arith.index_cast %scan3A_367 : i32 to index
        %get3A_414 = arith.constant 80 : index
        %get3A_415 = tpu.vector_load %arg6[%get3A_413, %get3A_414] {strides = array<i32>} : memref<40x128xf32, #tpu.memory_space<vmem>>, vector<16xf32>,
        %mul3A_416 = arith.constant 128 : i32
        %mul3A_417 = arith.muli %scan3A_367, %mul3A_416 : i32
        %add3A_418 = arith.constant 80 : i32
        %add3A_419 = arith.addi %mul3A_417, %add3A_418 : i32
        %get3A_420 = arith.index_cast %add3A_419 : i32 to index
        %get3A_421 = tpu.vector_load %arg8[%get3A_420] {strides = array<i32>} : memref<5120xi32, #tpu.memory_space<vmem>>, vector<16xi32>,
        tpu.vector_store_idx %arg5[%get3A_421], %get3A_415 {add = true} : memref<100352xf32, #tpu.memory_space<vmem>>[vector<16xi32>], vector<16xf32>,
        %get3A_422 = arith.index_cast %scan3A_367 : i32 to index
        %get3A_423 = arith.constant 96 : index
        %get3A_424 = tpu.vector_load %arg6[%get3A_422, %get3A_423] {strides = array<i32>} : memref<40x128xf32, #tpu.memory_space<vmem>>, vector<16xf32>,
        %mul3A_425 = arith.constant 128 : i32
        %mul3A_426 = arith.muli %scan3A_367, %mul3A_425 : i32
        %add3A_427 = arith.constant 96 : i32
        %add3A_428 = arith.addi %mul3A_426, %add3A_427 : i32
        %get3A_429 = arith.index_cast %add3A_428 : i32 to index
        %get3A_430 = tpu.vector_load %arg8[%get3A_429] {strides = array<i32>} : memref<5120xi32, #tpu.memory_space<vmem>>, vector<16xi32>,
        tpu.vector_store_idx %arg5[%get3A_430], %get3A_424 {add = true} : memref<100352xf32, #tpu.memory_space<vmem>>[vector<16xi32>], vector<16xf32>,
        %get3A_431 = arith.index_cast %scan3A_367 : i32 to index
        %get3A_432 = arith.constant 112 : index
        %get3A_433 = tpu.vector_load %arg6[%get3A_431, %get3A_432] {strides = array<i32>} : memref<40x128xf32, #tpu.memory_space<vmem>>, vector<16xf32>,
        %mul3A_434 = arith.constant 128 : i32
        %mul3A_435 = arith.muli %scan3A_367, %mul3A_434 : i32
        %add3A_436 = arith.constant 112 : i32
        %add3A_437 = arith.addi %mul3A_435, %add3A_436 : i32
        %get3A_438 = arith.index_cast %add3A_437 : i32 to index
        %get3A_439 = tpu.vector_load %arg8[%get3A_438] {strides = array<i32>} : memref<5120xi32, #tpu.memory_space<vmem>>, vector<16xi32>,
        tpu.vector_store_idx %arg5[%get3A_439], %get3A_433 {add = true} : memref<100352xf32, #tpu.memory_space<vmem>>[vector<16xi32>], vector<16xf32>,
        %scan3A_440 = arith.constant 0 : i32
        scf.yield %scan3A_440 : i32
      }
      %scan3A_130 = arith.constant 40 : i32
      %add3A_131 = arith.constant 2 : i32
      %add3A_132 = arith.addi %add3A_108, %add3A_131 : i32
      %lt3A_133 = arith.cmpi slt, %add3A_132, %select_n3A_54 : i32
      %convert_element_type3A_134 = arith.extui %lt3A_133 : i1 to i32
      %cond3A_135 = arith.constant 0 : i32
      %cond3A_136 = arith.cmpi ne, %convert_element_type3A_134, %cond3A_135 : i32
      scf.if %cond3A_136 {
        %add3A_142 = arith.constant 2 : i32
        %add3A_143 = arith.addi %add3A_108, %add3A_142 : i32
        %mul3A_144 = arith.constant 40 : i32
        %mul3A_145 = arith.muli %add3A_143, %mul3A_144 : i32
        %dma_start3A_146 = arith.constant 0 : i32
        %dma_start3A_147 = tpu.memref_slice %arg2[%mul3A_145, %dma_start3A_146] : memref<25000x128xf32, #tpu.memory_space<hbm>> -> memref<40x128xf32, #tpu.memory_space<hbm>>
        %dma_start3A_148 = arith.constant 0 : i32
        %dma_start3A_149 = tpu.memref_slice %arg2[%mul3A_145, %dma_start3A_148] : memref<25000x128xf32, #tpu.memory_space<hbm>> -> memref<40x128xf32, #tpu.memory_space<hbm>>
        tpu.enqueue_dma source(%dma_start3A_149 : memref<40x128xf32, #tpu.memory_space<hbm>>) target(%arg6 : memref<40x128xf32, #tpu.memory_space<vmem>>) target_semaphore(%arg10 : memref<!tpu.dma_semaphore, #tpu.memory_space<semaphore_mem>>)
        %mul3A_150 = arith.constant 128 : i32
        %mul3A_151 = arith.muli %mul3A_145, %mul3A_150 : i32
        %dma_start3A_152 = tpu.memref_slice %arg3[%sub3A_1, %mul3A_151] : memref<2x3200000xi32, #tpu.memory_space<hbm>> -> memref<1x5120xi32, #tpu.memory_space<hbm>>
        %dma_start3A_153 = tpu.memref_squeeze %dma_start3A_152 : memref<1x5120xi32, #tpu.memory_space<hbm>> -> memref<5120xi32, #tpu.memory_space<hbm>>
        %dma_start3A_154 = tpu.memref_slice %arg3[%sub3A_1, %mul3A_151] : memref<2x3200000xi32, #tpu.memory_space<hbm>> -> memref<1x5120xi32, #tpu.memory_space<hbm>>
        %dma_start3A_155 = tpu.memref_squeeze %dma_start3A_154 : memref<1x5120xi32, #tpu.memory_space<hbm>> -> memref<5120xi32, #tpu.memory_space<hbm>>
        tpu.enqueue_dma source(%dma_start3A_155 : memref<5120xi32, #tpu.memory_space<hbm>>) target(%arg8 : memref<5120xi32, #tpu.memory_space<vmem>>) target_semaphore(%arg10 : memref<!tpu.dma_semaphore, #tpu.memory_space<semaphore_mem>>)
      } else {
      }
      %lt3A_137 = arith.cmpi slt, %add3A_110, %select_n3A_54 : i32
      %convert_element_type3A_138 = arith.extui %lt3A_137 : i1 to i32
      %cond3A_139 = arith.constant 0 : i32
      %cond3A_140 = arith.cmpi ne, %convert_element_type3A_138, %cond3A_139 : i32
      scf.if %cond3A_140 {
        %dma_wait3A_142 = arith.constant 0 : i32
        %dma_wait3A_143 = arith.constant 0 : i32
        %dma_wait3A_144 = tpu.memref_slice %arg2[%dma_wait3A_142, %dma_wait3A_143] : memref<25000x128xf32, #tpu.memory_space<hbm>> -> memref<40x128xf32, #tpu.memory_space<hbm>>
        %dma_wait3A_145 = arith.constant 0 : i32
        %dma_wait3A_146 = arith.constant 0 : i32
        %dma_wait3A_147 = tpu.memref_slice %arg2[%dma_wait3A_145, %dma_wait3A_146] : memref<25000x128xf32, #tpu.memory_space<hbm>> -> memref<40x128xf32, #tpu.memory_space<hbm>>
        tpu.wait_dma2 semaphore(%arg11 : memref<!tpu.dma_semaphore, #tpu.memory_space<semaphore_mem>>) src(%dma_wait3A_147 : memref<40x128xf32, #tpu.memory_space<hbm>>) dst(%arg7 : memref<40x128xf32, #tpu.memory_space<vmem>>)
        %dma_wait3A_148 = arith.constant 0 : i32
        %dma_wait3A_149 = arith.constant 0 : i32
        %dma_wait3A_150 = tpu.memref_slice %arg3[%dma_wait3A_148, %dma_wait3A_149] : memref<2x3200000xi32, #tpu.memory_space<hbm>> -> memref<1x5120xi32, #tpu.memory_space<hbm>>
        %dma_wait3A_151 = tpu.memref_squeeze %dma_wait3A_150 : memref<1x5120xi32, #tpu.memory_space<hbm>> -> memref<5120xi32, #tpu.memory_space<hbm>>
        %dma_wait3A_152 = arith.constant 0 : i32
        %dma_wait3A_153 = tpu.memref_slice %arg3[%dma_wait3A_148, %dma_wait3A_152] : memref<2x3200000xi32, #tpu.memory_space<hbm>> -> memref<1x5120xi32, #tpu.memory_space<hbm>>
        %dma_wait3A_154 = tpu.memref_squeeze %dma_wait3A_153 : memref<1x5120xi32, #tpu.memory_space<hbm>> -> memref<5120xi32, #tpu.memory_space<hbm>>
        tpu.wait_dma2 semaphore(%arg11 : memref<!tpu.dma_semaphore, #tpu.memory_space<semaphore_mem>>) src(%dma_wait3A_154 : memref<5120xi32, #tpu.memory_space<hbm>>) dst(%arg9 : memref<5120xi32, #tpu.memory_space<vmem>>)
        %scan3A_155 = arith.constant 0 : i32
        %scan3A_156 = arith.constant 0 : i32
        %scan3A_157 = arith.constant 40 : i32
        %scan3A_158 = arith.addi %scan3A_156, %scan3A_157 : i32
        %scan3A_159 = arith.constant 4 : i32
        %scan3A_160 = scf.for %scan3A_162 = %scan3A_156 to %scan3A_158 step %scan3A_159 iter_args(%scan3A_163 = %scan3A_155) -> (i32)  : i32 {
          %get3A = arith.index_cast %scan3A_162 : i32 to index
          %get3A_164 = arith.constant 0 : index
          %get3A_165 = tpu.vector_load %arg7[%get3A, %get3A_164] {strides = array<i32>} : memref<40x128xf32, #tpu.memory_space<vmem>>, vector<16xf32>,
          %mul3A_166 = arith.constant 128 : i32
          %mul3A_167 = arith.muli %scan3A_162, %mul3A_166 : i32
          %add3A_168 = arith.constant 0 : i32
          %add3A_169 = arith.addi %mul3A_167, %add3A_168 : i32
          %get3A_170 = arith.index_cast %add3A_169 : i32 to index
          %get3A_171 = tpu.vector_load %arg9[%get3A_170] {strides = array<i32>} : memref<5120xi32, #tpu.memory_space<vmem>>, vector<16xi32>,
          tpu.vector_store_idx %arg5[%get3A_171], %get3A_165 {add = true} : memref<100352xf32, #tpu.memory_space<vmem>>[vector<16xi32>], vector<16xf32>,
          %get3A_172 = arith.index_cast %scan3A_162 : i32 to index
          %get3A_173 = arith.constant 16 : index
          %get3A_174 = tpu.vector_load %arg7[%get3A_172, %get3A_173] {strides = array<i32>} : memref<40x128xf32, #tpu.memory_space<vmem>>, vector<16xf32>,
          %mul3A_175 = arith.constant 128 : i32
          %mul3A_176 = arith.muli %scan3A_162, %mul3A_175 : i32
          %add3A_177 = arith.constant 16 : i32
          %add3A_178 = arith.addi %mul3A_176, %add3A_177 : i32
          %get3A_179 = arith.index_cast %add3A_178 : i32 to index
          %get3A_180 = tpu.vector_load %arg9[%get3A_179] {strides = array<i32>} : memref<5120xi32, #tpu.memory_space<vmem>>, vector<16xi32>,
          tpu.vector_store_idx %arg5[%get3A_180], %get3A_174 {add = true} : memref<100352xf32, #tpu.memory_space<vmem>>[vector<16xi32>], vector<16xf32>,
          %get3A_181 = arith.index_cast %scan3A_162 : i32 to index
          %get3A_182 = arith.constant 32 : index
          %get3A_183 = tpu.vector_load %arg7[%get3A_181, %get3A_182] {strides = array<i32>} : memref<40x128xf32, #tpu.memory_space<vmem>>, vector<16xf32>,
          %mul3A_184 = arith.constant 128 : i32
          %mul3A_185 = arith.muli %scan3A_162, %mul3A_184 : i32
          %add3A_186 = arith.constant 32 : i32
          %add3A_187 = arith.addi %mul3A_185, %add3A_186 : i32
          %get3A_188 = arith.index_cast %add3A_187 : i32 to index
          %get3A_189 = tpu.vector_load %arg9[%get3A_188] {strides = array<i32>} : memref<5120xi32, #tpu.memory_space<vmem>>, vector<16xi32>,
          tpu.vector_store_idx %arg5[%get3A_189], %get3A_183 {add = true} : memref<100352xf32, #tpu.memory_space<vmem>>[vector<16xi32>], vector<16xf32>,
          %get3A_190 = arith.index_cast %scan3A_162 : i32 to index
          %get3A_191 = arith.constant 48 : index
          %get3A_192 = tpu.vector_load %arg7[%get3A_190, %get3A_191] {strides = array<i32>} : memref<40x128xf32, #tpu.memory_space<vmem>>, vector<16xf32>,
          %mul3A_193 = arith.constant 128 : i32
          %mul3A_194 = arith.muli %scan3A_162, %mul3A_193 : i32
          %add3A_195 = arith.constant 48 : i32
          %add3A_196 = arith.addi %mul3A_194, %add3A_195 : i32
          %get3A_197 = arith.index_cast %add3A_196 : i32 to index
          %get3A_198 = tpu.vector_load %arg9[%get3A_197] {strides = array<i32>} : memref<5120xi32, #tpu.memory_space<vmem>>, vector<16xi32>,
          tpu.vector_store_idx %arg5[%get3A_198], %get3A_192 {add = true} : memref<100352xf32, #tpu.memory_space<vmem>>[vector<16xi32>], vector<16xf32>,
          %get3A_199 = arith.index_cast %scan3A_162 : i32 to index
          %get3A_200 = arith.constant 64 : index
          %get3A_201 = tpu.vector_load %arg7[%get3A_199, %get3A_200] {strides = array<i32>} : memref<40x128xf32, #tpu.memory_space<vmem>>, vector<16xf32>,
          %mul3A_202 = arith.constant 128 : i32
          %mul3A_203 = arith.muli %scan3A_162, %mul3A_202 : i32
          %add3A_204 = arith.constant 64 : i32
          %add3A_205 = arith.addi %mul3A_203, %add3A_204 : i32
          %get3A_206 = arith.index_cast %add3A_205 : i32 to index
          %get3A_207 = tpu.vector_load %arg9[%get3A_206] {strides = array<i32>} : memref<5120xi32, #tpu.memory_space<vmem>>, vector<16xi32>,
          tpu.vector_store_idx %arg5[%get3A_207], %get3A_201 {add = true} : memref<100352xf32, #tpu.memory_space<vmem>>[vector<16xi32>], vector<16xf32>,
          %get3A_208 = arith.index_cast %scan3A_162 : i32 to index
          %get3A_209 = arith.constant 80 : index
          %get3A_210 = tpu.vector_load %arg7[%get3A_208, %get3A_209] {strides = array<i32>} : memref<40x128xf32, #tpu.memory_space<vmem>>, vector<16xf32>,
          %mul3A_211 = arith.constant 128 : i32
          %mul3A_212 = arith.muli %scan3A_162, %mul3A_211 : i32
          %add3A_213 = arith.constant 80 : i32
          %add3A_214 = arith.addi %mul3A_212, %add3A_213 : i32
          %get3A_215 = arith.index_cast %add3A_214 : i32 to index
          %get3A_216 = tpu.vector_load %arg9[%get3A_215] {strides = array<i32>} : memref<5120xi32, #tpu.memory_space<vmem>>, vector<16xi32>,
          tpu.vector_store_idx %arg5[%get3A_216], %get3A_210 {add = true} : memref<100352xf32, #tpu.memory_space<vmem>>[vector<16xi32>], vector<16xf32>,
          %get3A_217 = arith.index_cast %scan3A_162 : i32 to index
          %get3A_218 = arith.constant 96 : index
          %get3A_219 = tpu.vector_load %arg7[%get3A_217, %get3A_218] {strides = array<i32>} : memref<40x128xf32, #tpu.memory_space<vmem>>, vector<16xf32>,
          %mul3A_220 = arith.constant 128 : i32
          %mul3A_221 = arith.muli %scan3A_162, %mul3A_220 : i32
          %add3A_222 = arith.constant 96 : i32
          %add3A_223 = arith.addi %mul3A_221, %add3A_222 : i32
          %get3A_224 = arith.index_cast %add3A_223 : i32 to index
          %get3A_225 = tpu.vector_load %arg9[%get3A_224] {strides = array<i32>} : memref<5120xi32, #tpu.memory_space<vmem>>, vector<16xi32>,
          tpu.vector_store_idx %arg5[%get3A_225], %get3A_219 {add = true} : memref<100352xf32, #tpu.memory_space<vmem>>[vector<16xi32>], vector<16xf32>,
          %get3A_226 = arith.index_cast %scan3A_162 : i32 to index
          %get3A_227 = arith.constant 112 : index
          %get3A_228 = tpu.vector_load %arg7[%get3A_226, %get3A_227] {strides = array<i32>} : memref<40x128xf32, #tpu.memory_space<vmem>>, vector<16xf32>,
          %mul3A_229 = arith.constant 128 : i32
          %mul3A_230 = arith.muli %scan3A_162, %mul3A_229 : i32
          %add3A_231 = arith.constant 112 : i32
          %add3A_232 = arith.addi %mul3A_230, %add3A_231 : i32
          %get3A_233 = arith.index_cast %add3A_232 : i32 to index
          %get3A_234 = tpu.vector_load %arg9[%get3A_233] {strides = array<i32>} : memref<5120xi32, #tpu.memory_space<vmem>>, vector<16xi32>,
          tpu.vector_store_idx %arg5[%get3A_234], %get3A_228 {add = true} : memref<100352xf32, #tpu.memory_space<vmem>>[vector<16xi32>], vector<16xf32>,
          %scan3A_235 = arith.constant 0 : i32
          %scan3A_236 = arith.constant 1 : i32
          %scan3A_237 = arith.addi %scan3A_162, %scan3A_236 : i32
          %get3A_238 = arith.index_cast %scan3A_237 : i32 to index
          %get3A_239 = arith.constant 0 : index
          %get3A_240 = tpu.vector_load %arg7[%get3A_238, %get3A_239] {strides = array<i32>} : memref<40x128xf32, #tpu.memory_space<vmem>>, vector<16xf32>,
          %mul3A_241 = arith.constant 128 : i32
          %mul3A_242 = arith.muli %scan3A_237, %mul3A_241 : i32
          %add3A_243 = arith.constant 0 : i32
          %add3A_244 = arith.addi %mul3A_242, %add3A_243 : i32
          %get3A_245 = arith.index_cast %add3A_244 : i32 to index
          %get3A_246 = tpu.vector_load %arg9[%get3A_245] {strides = array<i32>} : memref<5120xi32, #tpu.memory_space<vmem>>, vector<16xi32>,
          tpu.vector_store_idx %arg5[%get3A_246], %get3A_240 {add = true} : memref<100352xf32, #tpu.memory_space<vmem>>[vector<16xi32>], vector<16xf32>,
          %get3A_247 = arith.index_cast %scan3A_237 : i32 to index
          %get3A_248 = arith.constant 16 : index
          %get3A_249 = tpu.vector_load %arg7[%get3A_247, %get3A_248] {strides = array<i32>} : memref<40x128xf32, #tpu.memory_space<vmem>>, vector<16xf32>,
          %mul3A_250 = arith.constant 128 : i32
          %mul3A_251 = arith.muli %scan3A_237, %mul3A_250 : i32
          %add3A_252 = arith.constant 16 : i32
          %add3A_253 = arith.addi %mul3A_251, %add3A_252 : i32
          %get3A_254 = arith.index_cast %add3A_253 : i32 to index
          %get3A_255 = tpu.vector_load %arg9[%get3A_254] {strides = array<i32>} : memref<5120xi32, #tpu.memory_space<vmem>>, vector<16xi32>,
          tpu.vector_store_idx %arg5[%get3A_255], %get3A_249 {add = true} : memref<100352xf32, #tpu.memory_space<vmem>>[vector<16xi32>], vector<16xf32>,
          %get3A_256 = arith.index_cast %scan3A_237 : i32 to index
          %get3A_257 = arith.constant 32 : index
          %get3A_258 = tpu.vector_load %arg7[%get3A_256, %get3A_257] {strides = array<i32>} : memref<40x128xf32, #tpu.memory_space<vmem>>, vector<16xf32>,
          %mul3A_259 = arith.constant 128 : i32
          %mul3A_260 = arith.muli %scan3A_237, %mul3A_259 : i32
          %add3A_261 = arith.constant 32 : i32
          %add3A_262 = arith.addi %mul3A_260, %add3A_261 : i32
          %get3A_263 = arith.index_cast %add3A_262 : i32 to index
          %get3A_264 = tpu.vector_load %arg9[%get3A_263] {strides = array<i32>} : memref<5120xi32, #tpu.memory_space<vmem>>, vector<16xi32>,
          tpu.vector_store_idx %arg5[%get3A_264], %get3A_258 {add = true} : memref<100352xf32, #tpu.memory_space<vmem>>[vector<16xi32>], vector<16xf32>,
          %get3A_265 = arith.index_cast %scan3A_237 : i32 to index
          %get3A_266 = arith.constant 48 : index
          %get3A_267 = tpu.vector_load %arg7[%get3A_265, %get3A_266] {strides = array<i32>} : memref<40x128xf32, #tpu.memory_space<vmem>>, vector<16xf32>,
          %mul3A_268 = arith.constant 128 : i32
          %mul3A_269 = arith.muli %scan3A_237, %mul3A_268 : i32
          %add3A_270 = arith.constant 48 : i32
          %add3A_271 = arith.addi %mul3A_269, %add3A_270 : i32
          %get3A_272 = arith.index_cast %add3A_271 : i32 to index
          %get3A_273 = tpu.vector_load %arg9[%get3A_272] {strides = array<i32>} : memref<5120xi32, #tpu.memory_space<vmem>>, vector<16xi32>,
          tpu.vector_store_idx %arg5[%get3A_273], %get3A_267 {add = true} : memref<100352xf32, #tpu.memory_space<vmem>>[vector<16xi32>], vector<16xf32>,
          %get3A_274 = arith.index_cast %scan3A_237 : i32 to index
          %get3A_275 = arith.constant 64 : index
          %get3A_276 = tpu.vector_load %arg7[%get3A_274, %get3A_275] {strides = array<i32>} : memref<40x128xf32, #tpu.memory_space<vmem>>, vector<16xf32>,
          %mul3A_277 = arith.constant 128 : i32
          %mul3A_278 = arith.muli %scan3A_237, %mul3A_277 : i32
          %add3A_279 = arith.constant 64 : i32
          %add3A_280 = arith.addi %mul3A_278, %add3A_279 : i32
          %get3A_281 = arith.index_cast %add3A_280 : i32 to index
          %get3A_282 = tpu.vector_load %arg9[%get3A_281] {strides = array<i32>} : memref<5120xi32, #tpu.memory_space<vmem>>, vector<16xi32>,
          tpu.vector_store_idx %arg5[%get3A_282], %get3A_276 {add = true} : memref<100352xf32, #tpu.memory_space<vmem>>[vector<16xi32>], vector<16xf32>,
          %get3A_283 = arith.index_cast %scan3A_237 : i32 to index
          %get3A_284 = arith.constant 80 : index
          %get3A_285 = tpu.vector_load %arg7[%get3A_283, %get3A_284] {strides = array<i32>} : memref<40x128xf32, #tpu.memory_space<vmem>>, vector<16xf32>,
          %mul3A_286 = arith.constant 128 : i32
          %mul3A_287 = arith.muli %scan3A_237, %mul3A_286 : i32
          %add3A_288 = arith.constant 80 : i32
          %add3A_289 = arith.addi %mul3A_287, %add3A_288 : i32
          %get3A_290 = arith.index_cast %add3A_289 : i32 to index
          %get3A_291 = tpu.vector_load %arg9[%get3A_290] {strides = array<i32>} : memref<5120xi32, #tpu.memory_space<vmem>>, vector<16xi32>,
          tpu.vector_store_idx %arg5[%get3A_291], %get3A_285 {add = true} : memref<100352xf32, #tpu.memory_space<vmem>>[vector<16xi32>], vector<16xf32>,
          %get3A_292 = arith.index_cast %scan3A_237 : i32 to index
          %get3A_293 = arith.constant 96 : index
          %get3A_294 = tpu.vector_load %arg7[%get3A_292, %get3A_293] {strides = array<i32>} : memref<40x128xf32, #tpu.memory_space<vmem>>, vector<16xf32>,
          %mul3A_295 = arith.constant 128 : i32
          %mul3A_296 = arith.muli %scan3A_237, %mul3A_295 : i32
          %add3A_297 = arith.constant 96 : i32
          %add3A_298 = arith.addi %mul3A_296, %add3A_297 : i32
          %get3A_299 = arith.index_cast %add3A_298 : i32 to index
          %get3A_300 = tpu.vector_load %arg9[%get3A_299] {strides = array<i32>} : memref<5120xi32, #tpu.memory_space<vmem>>, vector<16xi32>,
          tpu.vector_store_idx %arg5[%get3A_300], %get3A_294 {add = true} : memref<100352xf32, #tpu.memory_space<vmem>>[vector<16xi32>], vector<16xf32>,
          %get3A_301 = arith.index_cast %scan3A_237 : i32 to index
          %get3A_302 = arith.constant 112 : index
          %get3A_303 = tpu.vector_load %arg7[%get3A_301, %get3A_302] {strides = array<i32>} : memref<40x128xf32, #tpu.memory_space<vmem>>, vector<16xf32>,
          %mul3A_304 = arith.constant 128 : i32
          %mul3A_305 = arith.muli %scan3A_237, %mul3A_304 : i32
          %add3A_306 = arith.constant 112 : i32
          %add3A_307 = arith.addi %mul3A_305, %add3A_306 : i32
          %get3A_308 = arith.index_cast %add3A_307 : i32 to index
          %get3A_309 = tpu.vector_load %arg9[%get3A_308] {strides = array<i32>} : memref<5120xi32, #tpu.memory_space<vmem>>, vector<16xi32>,
          tpu.vector_store_idx %arg5[%get3A_309], %get3A_303 {add = true} : memref<100352xf32, #tpu.memory_space<vmem>>[vector<16xi32>], vector<16xf32>,
          %scan3A_310 = arith.constant 0 : i32
          %scan3A_311 = arith.constant 2 : i32
          %scan3A_312 = arith.addi %scan3A_162, %scan3A_311 : i32
          %get3A_313 = arith.index_cast %scan3A_312 : i32 to index
          %get3A_314 = arith.constant 0 : index
          %get3A_315 = tpu.vector_load %arg7[%get3A_313, %get3A_314] {strides = array<i32>} : memref<40x128xf32, #tpu.memory_space<vmem>>, vector<16xf32>,
          %mul3A_316 = arith.constant 128 : i32
          %mul3A_317 = arith.muli %scan3A_312, %mul3A_316 : i32
          %add3A_318 = arith.constant 0 : i32
          %add3A_319 = arith.addi %mul3A_317, %add3A_318 : i32
          %get3A_320 = arith.index_cast %add3A_319 : i32 to index
          %get3A_321 = tpu.vector_load %arg9[%get3A_320] {strides = array<i32>} : memref<5120xi32, #tpu.memory_space<vmem>>, vector<16xi32>,
          tpu.vector_store_idx %arg5[%get3A_321], %get3A_315 {add = true} : memref<100352xf32, #tpu.memory_space<vmem>>[vector<16xi32>], vector<16xf32>,
          %get3A_322 = arith.index_cast %scan3A_312 : i32 to index
          %get3A_323 = arith.constant 16 : index
          %get3A_324 = tpu.vector_load %arg7[%get3A_322, %get3A_323] {strides = array<i32>} : memref<40x128xf32, #tpu.memory_space<vmem>>, vector<16xf32>,
          %mul3A_325 = arith.constant 128 : i32
          %mul3A_326 = arith.muli %scan3A_312, %mul3A_325 : i32
          %add3A_327 = arith.constant 16 : i32
          %add3A_328 = arith.addi %mul3A_326, %add3A_327 : i32
          %get3A_329 = arith.index_cast %add3A_328 : i32 to index
          %get3A_330 = tpu.vector_load %arg9[%get3A_329] {strides = array<i32>} : memref<5120xi32, #tpu.memory_space<vmem>>, vector<16xi32>,
          tpu.vector_store_idx %arg5[%get3A_330], %get3A_324 {add = true} : memref<100352xf32, #tpu.memory_space<vmem>>[vector<16xi32>], vector<16xf32>,
          %get3A_331 = arith.index_cast %scan3A_312 : i32 to index
          %get3A_332 = arith.constant 32 : index
          %get3A_333 = tpu.vector_load %arg7[%get3A_331, %get3A_332] {strides = array<i32>} : memref<40x128xf32, #tpu.memory_space<vmem>>, vector<16xf32>,
          %mul3A_334 = arith.constant 128 : i32
          %mul3A_335 = arith.muli %scan3A_312, %mul3A_334 : i32
          %add3A_336 = arith.constant 32 : i32
          %add3A_337 = arith.addi %mul3A_335, %add3A_336 : i32
          %get3A_338 = arith.index_cast %add3A_337 : i32 to index
          %get3A_339 = tpu.vector_load %arg9[%get3A_338] {strides = array<i32>} : memref<5120xi32, #tpu.memory_space<vmem>>, vector<16xi32>,
          tpu.vector_store_idx %arg5[%get3A_339], %get3A_333 {add = true} : memref<100352xf32, #tpu.memory_space<vmem>>[vector<16xi32>], vector<16xf32>,
          %get3A_340 = arith.index_cast %scan3A_312 : i32 to index
          %get3A_341 = arith.constant 48 : index
          %get3A_342 = tpu.vector_load %arg7[%get3A_340, %get3A_341] {strides = array<i32>} : memref<40x128xf32, #tpu.memory_space<vmem>>, vector<16xf32>,
          %mul3A_343 = arith.constant 128 : i32
          %mul3A_344 = arith.muli %scan3A_312, %mul3A_343 : i32
          %add3A_345 = arith.constant 48 : i32
          %add3A_346 = arith.addi %mul3A_344, %add3A_345 : i32
          %get3A_347 = arith.index_cast %add3A_346 : i32 to index
          %get3A_348 = tpu.vector_load %arg9[%get3A_347] {strides = array<i32>} : memref<5120xi32, #tpu.memory_space<vmem>>, vector<16xi32>,
          tpu.vector_store_idx %arg5[%get3A_348], %get3A_342 {add = true} : memref<100352xf32, #tpu.memory_space<vmem>>[vector<16xi32>], vector<16xf32>,
          %get3A_349 = arith.index_cast %scan3A_312 : i32 to index
          %get3A_350 = arith.constant 64 : index
          %get3A_351 = tpu.vector_load %arg7[%get3A_349, %get3A_350] {strides = array<i32>} : memref<40x128xf32, #tpu.memory_space<vmem>>, vector<16xf32>,
          %mul3A_352 = arith.constant 128 : i32
          %mul3A_353 = arith.muli %scan3A_312, %mul3A_352 : i32
          %add3A_354 = arith.constant 64 : i32
          %add3A_355 = arith.addi %mul3A_353, %add3A_354 : i32
          %get3A_356 = arith.index_cast %add3A_355 : i32 to index
          %get3A_357 = tpu.vector_load %arg9[%get3A_356] {strides = array<i32>} : memref<5120xi32, #tpu.memory_space<vmem>>, vector<16xi32>,
          tpu.vector_store_idx %arg5[%get3A_357], %get3A_351 {add = true} : memref<100352xf32, #tpu.memory_space<vmem>>[vector<16xi32>], vector<16xf32>,
          %get3A_358 = arith.index_cast %scan3A_312 : i32 to index
          %get3A_359 = arith.constant 80 : index
          %get3A_360 = tpu.vector_load %arg7[%get3A_358, %get3A_359] {strides = array<i32>} : memref<40x128xf32, #tpu.memory_space<vmem>>, vector<16xf32>,
          %mul3A_361 = arith.constant 128 : i32
          %mul3A_362 = arith.muli %scan3A_312, %mul3A_361 : i32
          %add3A_363 = arith.constant 80 : i32
          %add3A_364 = arith.addi %mul3A_362, %add3A_363 : i32
          %get3A_365 = arith.index_cast %add3A_364 : i32 to index
          %get3A_366 = tpu.vector_load %arg9[%get3A_365] {strides = array<i32>} : memref<5120xi32, #tpu.memory_space<vmem>>, vector<16xi32>,
          tpu.vector_store_idx %arg5[%get3A_366], %get3A_360 {add = true} : memref<100352xf32, #tpu.memory_space<vmem>>[vector<16xi32>], vector<16xf32>,
          %get3A_367 = arith.index_cast %scan3A_312 : i32 to index
          %get3A_368 = arith.constant 96 : index
          %get3A_369 = tpu.vector_load %arg7[%get3A_367, %get3A_368] {strides = array<i32>} : memref<40x128xf32, #tpu.memory_space<vmem>>, vector<16xf32>,
          %mul3A_370 = arith.constant 128 : i32
          %mul3A_371 = arith.muli %scan3A_312, %mul3A_370 : i32
          %add3A_372 = arith.constant 96 : i32
          %add3A_373 = arith.addi %mul3A_371, %add3A_372 : i32
          %get3A_374 = arith.index_cast %add3A_373 : i32 to index
          %get3A_375 = tpu.vector_load %arg9[%get3A_374] {strides = array<i32>} : memref<5120xi32, #tpu.memory_space<vmem>>, vector<16xi32>,
          tpu.vector_store_idx %arg5[%get3A_375], %get3A_369 {add = true} : memref<100352xf32, #tpu.memory_space<vmem>>[vector<16xi32>], vector<16xf32>,
          %get3A_376 = arith.index_cast %scan3A_312 : i32 to index
          %get3A_377 = arith.constant 112 : index
          %get3A_378 = tpu.vector_load %arg7[%get3A_376, %get3A_377] {strides = array<i32>} : memref<40x128xf32, #tpu.memory_space<vmem>>, vector<16xf32>,
          %mul3A_379 = arith.constant 128 : i32
          %mul3A_380 = arith.muli %scan3A_312, %mul3A_379 : i32
          %add3A_381 = arith.constant 112 : i32
          %add3A_382 = arith.addi %mul3A_380, %add3A_381 : i32
          %get3A_383 = arith.index_cast %add3A_382 : i32 to index
          %get3A_384 = tpu.vector_load %arg9[%get3A_383] {strides = array<i32>} : memref<5120xi32, #tpu.memory_space<vmem>>, vector<16xi32>,
          tpu.vector_store_idx %arg5[%get3A_384], %get3A_378 {add = true} : memref<100352xf32, #tpu.memory_space<vmem>>[vector<16xi32>], vector<16xf32>,
          %scan3A_385 = arith.constant 0 : i32
          %scan3A_386 = arith.constant 3 : i32
          %scan3A_387 = arith.addi %scan3A_162, %scan3A_386 : i32
          %get3A_388 = arith.index_cast %scan3A_387 : i32 to index
          %get3A_389 = arith.constant 0 : index
          %get3A_390 = tpu.vector_load %arg7[%get3A_388, %get3A_389] {strides = array<i32>} : memref<40x128xf32, #tpu.memory_space<vmem>>, vector<16xf32>,
          %mul3A_391 = arith.constant 128 : i32
          %mul3A_392 = arith.muli %scan3A_387, %mul3A_391 : i32
          %add3A_393 = arith.constant 0 : i32
          %add3A_394 = arith.addi %mul3A_392, %add3A_393 : i32
          %get3A_395 = arith.index_cast %add3A_394 : i32 to index
          %get3A_396 = tpu.vector_load %arg9[%get3A_395] {strides = array<i32>} : memref<5120xi32, #tpu.memory_space<vmem>>, vector<16xi32>,
          tpu.vector_store_idx %arg5[%get3A_396], %get3A_390 {add = true} : memref<100352xf32, #tpu.memory_space<vmem>>[vector<16xi32>], vector<16xf32>,
          %get3A_397 = arith.index_cast %scan3A_387 : i32 to index
          %get3A_398 = arith.constant 16 : index
          %get3A_399 = tpu.vector_load %arg7[%get3A_397, %get3A_398] {strides = array<i32>} : memref<40x128xf32, #tpu.memory_space<vmem>>, vector<16xf32>,
          %mul3A_400 = arith.constant 128 : i32
          %mul3A_401 = arith.muli %scan3A_387, %mul3A_400 : i32
          %add3A_402 = arith.constant 16 : i32
          %add3A_403 = arith.addi %mul3A_401, %add3A_402 : i32
          %get3A_404 = arith.index_cast %add3A_403 : i32 to index
          %get3A_405 = tpu.vector_load %arg9[%get3A_404] {strides = array<i32>} : memref<5120xi32, #tpu.memory_space<vmem>>, vector<16xi32>,
          tpu.vector_store_idx %arg5[%get3A_405], %get3A_399 {add = true} : memref<100352xf32, #tpu.memory_space<vmem>>[vector<16xi32>], vector<16xf32>,
          %get3A_406 = arith.index_cast %scan3A_387 : i32 to index
          %get3A_407 = arith.constant 32 : index
          %get3A_408 = tpu.vector_load %arg7[%get3A_406, %get3A_407] {strides = array<i32>} : memref<40x128xf32, #tpu.memory_space<vmem>>, vector<16xf32>,
          %mul3A_409 = arith.constant 128 : i32
          %mul3A_410 = arith.muli %scan3A_387, %mul3A_409 : i32
          %add3A_411 = arith.constant 32 : i32
          %add3A_412 = arith.addi %mul3A_410, %add3A_411 : i32
          %get3A_413 = arith.index_cast %add3A_412 : i32 to index
          %get3A_414 = tpu.vector_load %arg9[%get3A_413] {strides = array<i32>} : memref<5120xi32, #tpu.memory_space<vmem>>, vector<16xi32>,
          tpu.vector_store_idx %arg5[%get3A_414], %get3A_408 {add = true} : memref<100352xf32, #tpu.memory_space<vmem>>[vector<16xi32>], vector<16xf32>,
          %get3A_415 = arith.index_cast %scan3A_387 : i32 to index
          %get3A_416 = arith.constant 48 : index
          %get3A_417 = tpu.vector_load %arg7[%get3A_415, %get3A_416] {strides = array<i32>} : memref<40x128xf32, #tpu.memory_space<vmem>>, vector<16xf32>,
          %mul3A_418 = arith.constant 128 : i32
          %mul3A_419 = arith.muli %scan3A_387, %mul3A_418 : i32
          %add3A_420 = arith.constant 48 : i32
          %add3A_421 = arith.addi %mul3A_419, %add3A_420 : i32
          %get3A_422 = arith.index_cast %add3A_421 : i32 to index
          %get3A_423 = tpu.vector_load %arg9[%get3A_422] {strides = array<i32>} : memref<5120xi32, #tpu.memory_space<vmem>>, vector<16xi32>,
          tpu.vector_store_idx %arg5[%get3A_423], %get3A_417 {add = true} : memref<100352xf32, #tpu.memory_space<vmem>>[vector<16xi32>], vector<16xf32>,
          %get3A_424 = arith.index_cast %scan3A_387 : i32 to index
          %get3A_425 = arith.constant 64 : index
          %get3A_426 = tpu.vector_load %arg7[%get3A_424, %get3A_425] {strides = array<i32>} : memref<40x128xf32, #tpu.memory_space<vmem>>, vector<16xf32>,
          %mul3A_427 = arith.constant 128 : i32
          %mul3A_428 = arith.muli %scan3A_387, %mul3A_427 : i32
          %add3A_429 = arith.constant 64 : i32
          %add3A_430 = arith.addi %mul3A_428, %add3A_429 : i32
          %get3A_431 = arith.index_cast %add3A_430 : i32 to index
          %get3A_432 = tpu.vector_load %arg9[%get3A_431] {strides = array<i32>} : memref<5120xi32, #tpu.memory_space<vmem>>, vector<16xi32>,
          tpu.vector_store_idx %arg5[%get3A_432], %get3A_426 {add = true} : memref<100352xf32, #tpu.memory_space<vmem>>[vector<16xi32>], vector<16xf32>,
          %get3A_433 = arith.index_cast %scan3A_387 : i32 to index
          %get3A_434 = arith.constant 80 : index
          %get3A_435 = tpu.vector_load %arg7[%get3A_433, %get3A_434] {strides = array<i32>} : memref<40x128xf32, #tpu.memory_space<vmem>>, vector<16xf32>,
          %mul3A_436 = arith.constant 128 : i32
          %mul3A_437 = arith.muli %scan3A_387, %mul3A_436 : i32
          %add3A_438 = arith.constant 80 : i32
          %add3A_439 = arith.addi %mul3A_437, %add3A_438 : i32
          %get3A_440 = arith.index_cast %add3A_439 : i32 to index
          %get3A_441 = tpu.vector_load %arg9[%get3A_440] {strides = array<i32>} : memref<5120xi32, #tpu.memory_space<vmem>>, vector<16xi32>,
          tpu.vector_store_idx %arg5[%get3A_441], %get3A_435 {add = true} : memref<100352xf32, #tpu.memory_space<vmem>>[vector<16xi32>], vector<16xf32>,
          %get3A_442 = arith.index_cast %scan3A_387 : i32 to index
          %get3A_443 = arith.constant 96 : index
          %get3A_444 = tpu.vector_load %arg7[%get3A_442, %get3A_443] {strides = array<i32>} : memref<40x128xf32, #tpu.memory_space<vmem>>, vector<16xf32>,
          %mul3A_445 = arith.constant 128 : i32
          %mul3A_446 = arith.muli %scan3A_387, %mul3A_445 : i32
          %add3A_447 = arith.constant 96 : i32
          %add3A_448 = arith.addi %mul3A_446, %add3A_447 : i32
          %get3A_449 = arith.index_cast %add3A_448 : i32 to index
          %get3A_450 = tpu.vector_load %arg9[%get3A_449] {strides = array<i32>} : memref<5120xi32, #tpu.memory_space<vmem>>, vector<16xi32>,
          tpu.vector_store_idx %arg5[%get3A_450], %get3A_444 {add = true} : memref<100352xf32, #tpu.memory_space<vmem>>[vector<16xi32>], vector<16xf32>,
          %get3A_451 = arith.index_cast %scan3A_387 : i32 to index
          %get3A_452 = arith.constant 112 : index
          %get3A_453 = tpu.vector_load %arg7[%get3A_451, %get3A_452] {strides = array<i32>} : memref<40x128xf32, #tpu.memory_space<vmem>>, vector<16xf32>,
          %mul3A_454 = arith.constant 128 : i32
          %mul3A_455 = arith.muli %scan3A_387, %mul3A_454 : i32
          %add3A_456 = arith.constant 112 : i32
          %add3A_457 = arith.addi %mul3A_455, %add3A_456 : i32
          %get3A_458 = arith.index_cast %add3A_457 : i32 to index
          %get3A_459 = tpu.vector_load %arg9[%get3A_458] {strides = array<i32>} : memref<5120xi32, #tpu.memory_space<vmem>>, vector<16xi32>,
          tpu.vector_store_idx %arg5[%get3A_459], %get3A_453 {add = true} : memref<100352xf32, #tpu.memory_space<vmem>>[vector<16xi32>], vector<16xf32>,
          %scan3A_460 = arith.constant 0 : i32
          scf.yield %scan3A_460 : i32
        }
        %scan3A_161 = arith.constant 40 : i32
      } else {
      }
      %while3A_141 = arith.constant 0 : i32
      scf.yield %while3A_141 : i32
    }
    %while3A_102 = arith.constant 1 : i32
    %while3A_103 = scf.for %while3A_104 = %while3A_99 to %while3A_95 step %while3A_102 iter_args(%while3A_105 = %while3A_101) -> (i32)  : i32 {
      %mul3A_106 = arith.constant 2 : i32
      %mul3A_107 = arith.muli %mul3A_106, %while3A_104 : i32
      %add3A_108 = arith.addi %select_n3A, %mul3A_107 : i32
      %add3A_109 = arith.constant 1 : i32
      %add3A_110 = arith.addi %add3A_108, %add3A_109 : i32
      %lt3A = arith.cmpi slt, %add3A_110, %select_n3A_54 : i32
      %convert_element_type3A = arith.extui %lt3A : i1 to i32
      %cond3A = arith.constant 0 : i32
      %cond3A_111 = arith.cmpi ne, %convert_element_type3A, %cond3A : i32
      scf.if %cond3A_111 {
        %mul3A_142 = arith.constant 40 : i32
        %mul3A_143 = arith.muli %add3A_110, %mul3A_142 : i32
        %dma_start3A_144 = arith.constant 0 : i32
        %dma_start3A_145 = tpu.memref_slice %arg2[%mul3A_143, %dma_start3A_144] : memref<25000x128xf32, #tpu.memory_space<hbm>> -> memref<40x128xf32, #tpu.memory_space<hbm>>
        %dma_start3A_146 = arith.constant 0 : i32
        %dma_start3A_147 = tpu.memref_slice %arg2[%mul3A_143, %dma_start3A_146] : memref<25000x128xf32, #tpu.memory_space<hbm>> -> memref<40x128xf32, #tpu.memory_space<hbm>>
        tpu.enqueue_dma source(%dma_start3A_147 : memref<40x128xf32, #tpu.memory_space<hbm>>) target(%arg7 : memref<40x128xf32, #tpu.memory_space<vmem>>) target_semaphore(%arg11 : memref<!tpu.dma_semaphore, #tpu.memory_space<semaphore_mem>>)
        %mul3A_148 = arith.constant 128 : i32
        %mul3A_149 = arith.muli %mul3A_143, %mul3A_148 : i32
        %dma_start3A_150 = tpu.memref_slice %arg3[%sub3A_1, %mul3A_149] : memref<2x3200000xi32, #tpu.memory_space<hbm>> -> memref<1x5120xi32, #tpu.memory_space<hbm>>
        %dma_start3A_151 = tpu.memref_squeeze %dma_start3A_150 : memref<1x5120xi32, #tpu.memory_space<hbm>> -> memref<5120xi32, #tpu.memory_space<hbm>>
        %dma_start3A_152 = tpu.memref_slice %arg3[%sub3A_1, %mul3A_149] : memref<2x3200000xi32, #tpu.memory_space<hbm>> -> memref<1x5120xi32, #tpu.memory_space<hbm>>
        %dma_start3A_153 = tpu.memref_squeeze %dma_start3A_152 : memref<1x5120xi32, #tpu.memory_space<hbm>> -> memref<5120xi32, #tpu.memory_space<hbm>>
        tpu.enqueue_dma source(%dma_start3A_153 : memref<5120xi32, #tpu.memory_space<hbm>>) target(%arg9 : memref<5120xi32, #tpu.memory_space<vmem>>) target_semaphore(%arg11 : memref<!tpu.dma_semaphore, #tpu.memory_space<semaphore_mem>>)
      } else {
      }
      %dma_wait3A = arith.constant 0 : i32
      %dma_wait3A_112 = arith.constant 0 : i32
      %dma_wait3A_113 = tpu.memref_slice %arg2[%dma_wait3A, %dma_wait3A_112] : memref<25000x128xf32, #tpu.memory_space<hbm>> -> memref<40x128xf32, #tpu.memory_space<hbm>>
      %dma_wait3A_114 = arith.constant 0 : i32
      %dma_wait3A_115 = arith.constant 0 : i32
      %dma_wait3A_116 = tpu.memref_slice %arg2[%dma_wait3A_114, %dma_wait3A_115] : memref<25000x128xf32, #tpu.memory_space<hbm>> -> memref<40x128xf32, #tpu.memory_space<hbm>>
      tpu.wait_dma2 semaphore(%arg10 : memref<!tpu.dma_semaphore, #tpu.memory_space<semaphore_mem>>) src(%dma_wait3A_116 : memref<40x128xf32, #tpu.memory_space<hbm>>) dst(%arg6 : memref<40x128xf32, #tpu.memory_space<vmem>>)
      %dma_wait3A_117 = arith.constant 0 : i32
      %dma_wait3A_118 = arith.constant 0 : i32
      %dma_wait3A_119 = tpu.memref_slice %arg3[%dma_wait3A_117, %dma_wait3A_118] : memref<2x3200000xi32, #tpu.memory_space<hbm>> -> memref<1x5120xi32, #tpu.memory_space<hbm>>
      %dma_wait3A_120 = tpu.memref_squeeze %dma_wait3A_119 : memref<1x5120xi32, #tpu.memory_space<hbm>> -> memref<5120xi32, #tpu.memory_space<hbm>>
      %dma_wait3A_121 = arith.constant 0 : i32
      %dma_wait3A_122 = tpu.memref_slice %arg3[%dma_wait3A_117, %dma_wait3A_121] : memref<2x3200000xi32, #tpu.memory_space<hbm>> -> memref<1x5120xi32, #tpu.memory_space<hbm>>
      %dma_wait3A_123 = tpu.memref_squeeze %dma_wait3A_122 : memref<1x5120xi32, #tpu.memory_space<hbm>> -> memref<5120xi32, #tpu.memory_space<hbm>>
      tpu.wait_dma2 semaphore(%arg10 : memref<!tpu.dma_semaphore, #tpu.memory_space<semaphore_mem>>) src(%dma_wait3A_123 : memref<5120xi32, #tpu.memory_space<hbm>>) dst(%arg8 : memref<5120xi32, #tpu.memory_space<vmem>>)
      %scan3A_124 = arith.constant 0 : i32
      %scan3A_125 = arith.constant 0 : i32
      %scan3A_126 = arith.constant 40 : i32
      %scan3A_127 = arith.addi %scan3A_125, %scan3A_126 : i32
      %scan3A_128 = arith.constant 4 : i32
      %scan3A_129 = scf.for %scan3A_142 = %scan3A_125 to %scan3A_127 step %scan3A_128 iter_args(%scan3A_143 = %scan3A_124) -> (i32)  : i32 {
        %get3A = arith.index_cast %scan3A_142 : i32 to index
        %get3A_144 = arith.constant 0 : index
        %get3A_145 = tpu.vector_load %arg6[%get3A, %get3A_144] {strides = array<i32>} : memref<40x128xf32, #tpu.memory_space<vmem>>, vector<16xf32>,
        %mul3A_146 = arith.constant 128 : i32
        %mul3A_147 = arith.muli %scan3A_142, %mul3A_146 : i32
        %add3A_148 = arith.constant 0 : i32
        %add3A_149 = arith.addi %mul3A_147, %add3A_148 : i32
        %get3A_150 = arith.index_cast %add3A_149 : i32 to index
        %get3A_151 = tpu.vector_load %arg8[%get3A_150] {strides = array<i32>} : memref<5120xi32, #tpu.memory_space<vmem>>, vector<16xi32>,
        tpu.vector_store_idx %arg5[%get3A_151], %get3A_145 {add = true} : memref<100352xf32, #tpu.memory_space<vmem>>[vector<16xi32>], vector<16xf32>,
        %get3A_152 = arith.index_cast %scan3A_142 : i32 to index
        %get3A_153 = arith.constant 16 : index
        %get3A_154 = tpu.vector_load %arg6[%get3A_152, %get3A_153] {strides = array<i32>} : memref<40x128xf32, #tpu.memory_space<vmem>>, vector<16xf32>,
        %mul3A_155 = arith.constant 128 : i32
        %mul3A_156 = arith.muli %scan3A_142, %mul3A_155 : i32
        %add3A_157 = arith.constant 16 : i32
        %add3A_158 = arith.addi %mul3A_156, %add3A_157 : i32
        %get3A_159 = arith.index_cast %add3A_158 : i32 to index
        %get3A_160 = tpu.vector_load %arg8[%get3A_159] {strides = array<i32>} : memref<5120xi32, #tpu.memory_space<vmem>>, vector<16xi32>,
        tpu.vector_store_idx %arg5[%get3A_160], %get3A_154 {add = true} : memref<100352xf32, #tpu.memory_space<vmem>>[vector<16xi32>], vector<16xf32>,
        %get3A_161 = arith.index_cast %scan3A_142 : i32 to index
        %get3A_162 = arith.constant 32 : index
        %get3A_163 = tpu.vector_load %arg6[%get3A_161, %get3A_162] {strides = array<i32>} : memref<40x128xf32, #tpu.memory_space<vmem>>, vector<16xf32>,
        %mul3A_164 = arith.constant 128 : i32
        %mul3A_165 = arith.muli %scan3A_142, %mul3A_164 : i32
        %add3A_166 = arith.constant 32 : i32
        %add3A_167 = arith.addi %mul3A_165, %add3A_166 : i32
        %get3A_168 = arith.index_cast %add3A_167 : i32 to index
        %get3A_169 = tpu.vector_load %arg8[%get3A_168] {strides = array<i32>} : memref<5120xi32, #tpu.memory_space<vmem>>, vector<16xi32>,
        tpu.vector_store_idx %arg5[%get3A_169], %get3A_163 {add = true} : memref<100352xf32, #tpu.memory_space<vmem>>[vector<16xi32>], vector<16xf32>,
        %get3A_170 = arith.index_cast %scan3A_142 : i32 to index
        %get3A_171 = arith.constant 48 : index
        %get3A_172 = tpu.vector_load %arg6[%get3A_170, %get3A_171] {strides = array<i32>} : memref<40x128xf32, #tpu.memory_space<vmem>>, vector<16xf32>,
        %mul3A_173 = arith.constant 128 : i32
        %mul3A_174 = arith.muli %scan3A_142, %mul3A_173 : i32
        %add3A_175 = arith.constant 48 : i32
        %add3A_176 = arith.addi %mul3A_174, %add3A_175 : i32
        %get3A_177 = arith.index_cast %add3A_176 : i32 to index
        %get3A_178 = tpu.vector_load %arg8[%get3A_177] {strides = array<i32>} : memref<5120xi32, #tpu.memory_space<vmem>>, vector<16xi32>,
        tpu.vector_store_idx %arg5[%get3A_178], %get3A_172 {add = true} : memref<100352xf32, #tpu.memory_space<vmem>>[vector<16xi32>], vector<16xf32>,
        %get3A_179 = arith.index_cast %scan3A_142 : i32 to index
        %get3A_180 = arith.constant 64 : index
        %get3A_181 = tpu.vector_load %arg6[%get3A_179, %get3A_180] {strides = array<i32>} : memref<40x128xf32, #tpu.memory_space<vmem>>, vector<16xf32>,
        %mul3A_182 = arith.constant 128 : i32
        %mul3A_183 = arith.muli %scan3A_142, %mul3A_182 : i32
        %add3A_184 = arith.constant 64 : i32
        %add3A_185 = arith.addi %mul3A_183, %add3A_184 : i32
        %get3A_186 = arith.index_cast %add3A_185 : i32 to index
        %get3A_187 = tpu.vector_load %arg8[%get3A_186] {strides = array<i32>} : memref<5120xi32, #tpu.memory_space<vmem>>, vector<16xi32>,
        tpu.vector_store_idx %arg5[%get3A_187], %get3A_181 {add = true} : memref<100352xf32, #tpu.memory_space<vmem>>[vector<16xi32>], vector<16xf32>,
        %get3A_188 = arith.index_cast %scan3A_142 : i32 to index
        %get3A_189 = arith.constant 80 : index
        %get3A_190 = tpu.vector_load %arg6[%get3A_188, %get3A_189] {strides = array<i32>} : memref<40x128xf32, #tpu.memory_space<vmem>>, vector<16xf32>,
        %mul3A_191 = arith.constant 128 : i32
        %mul3A_192 = arith.muli %scan3A_142, %mul3A_191 : i32
        %add3A_193 = arith.constant 80 : i32
        %add3A_194 = arith.addi %mul3A_192, %add3A_193 : i32
        %get3A_195 = arith.index_cast %add3A_194 : i32 to index
        %get3A_196 = tpu.vector_load %arg8[%get3A_195] {strides = array<i32>} : memref<5120xi32, #tpu.memory_space<vmem>>, vector<16xi32>,
        tpu.vector_store_idx %arg5[%get3A_196], %get3A_190 {add = true} : memref<100352xf32, #tpu.memory_space<vmem>>[vector<16xi32>], vector<16xf32>,
        %get3A_197 = arith.index_cast %scan3A_142 : i32 to index
        %get3A_198 = arith.constant 96 : index
        %get3A_199 = tpu.vector_load %arg6[%get3A_197, %get3A_198] {strides = array<i32>} : memref<40x128xf32, #tpu.memory_space<vmem>>, vector<16xf32>,
        %mul3A_200 = arith.constant 128 : i32
        %mul3A_201 = arith.muli %scan3A_142, %mul3A_200 : i32
        %add3A_202 = arith.constant 96 : i32
        %add3A_203 = arith.addi %mul3A_201, %add3A_202 : i32
        %get3A_204 = arith.index_cast %add3A_203 : i32 to index
        %get3A_205 = tpu.vector_load %arg8[%get3A_204] {strides = array<i32>} : memref<5120xi32, #tpu.memory_space<vmem>>, vector<16xi32>,
        tpu.vector_store_idx %arg5[%get3A_205], %get3A_199 {add = true} : memref<100352xf32, #tpu.memory_space<vmem>>[vector<16xi32>], vector<16xf32>,
        %get3A_206 = arith.index_cast %scan3A_142 : i32 to index
        %get3A_207 = arith.constant 112 : index
        %get3A_208 = tpu.vector_load %arg6[%get3A_206, %get3A_207] {strides = array<i32>} : memref<40x128xf32, #tpu.memory_space<vmem>>, vector<16xf32>,
        %mul3A_209 = arith.constant 128 : i32
        %mul3A_210 = arith.muli %scan3A_142, %mul3A_209 : i32
        %add3A_211 = arith.constant 112 : i32
        %add3A_212 = arith.addi %mul3A_210, %add3A_211 : i32
        %get3A_213 = arith.index_cast %add3A_212 : i32 to index
        %get3A_214 = tpu.vector_load %arg8[%get3A_213] {strides = array<i32>} : memref<5120xi32, #tpu.memory_space<vmem>>, vector<16xi32>,
        tpu.vector_store_idx %arg5[%get3A_214], %get3A_208 {add = true} : memref<100352xf32, #tpu.memory_space<vmem>>[vector<16xi32>], vector<16xf32>,
        %scan3A_215 = arith.constant 0 : i32
        %scan3A_216 = arith.constant 1 : i32
        %scan3A_217 = arith.addi %scan3A_142, %scan3A_216 : i32
        %get3A_218 = arith.index_cast %scan3A_217 : i32 to index
        %get3A_219 = arith.constant 0 : index
        %get3A_220 = tpu.vector_load %arg6[%get3A_218, %get3A_219] {strides = array<i32>} : memref<40x128xf32, #tpu.memory_space<vmem>>, vector<16xf32>,
        %mul3A_221 = arith.constant 128 : i32
        %mul3A_222 = arith.muli %scan3A_217, %mul3A_221 : i32
        %add3A_223 = arith.constant 0 : i32
        %add3A_224 = arith.addi %mul3A_222, %add3A_223 : i32
        %get3A_225 = arith.index_cast %add3A_224 : i32 to index
        %get3A_226 = tpu.vector_load %arg8[%get3A_225] {strides = array<i32>} : memref<5120xi32, #tpu.memory_space<vmem>>, vector<16xi32>,
        tpu.vector_store_idx %arg5[%get3A_226], %get3A_220 {add = true} : memref<100352xf32, #tpu.memory_space<vmem>>[vector<16xi32>], vector<16xf32>,
        %get3A_227 = arith.index_cast %scan3A_217 : i32 to index
        %get3A_228 = arith.constant 16 : index
        %get3A_229 = tpu.vector_load %arg6[%get3A_227, %get3A_228] {strides = array<i32>} : memref<40x128xf32, #tpu.memory_space<vmem>>, vector<16xf32>,
        %mul3A_230 = arith.constant 128 : i32
        %mul3A_231 = arith.muli %scan3A_217, %mul3A_230 : i32
        %add3A_232 = arith.constant 16 : i32
        %add3A_233 = arith.addi %mul3A_231, %add3A_232 : i32
        %get3A_234 = arith.index_cast %add3A_233 : i32 to index
        %get3A_235 = tpu.vector_load %arg8[%get3A_234] {strides = array<i32>} : memref<5120xi32, #tpu.memory_space<vmem>>, vector<16xi32>,
        tpu.vector_store_idx %arg5[%get3A_235], %get3A_229 {add = true} : memref<100352xf32, #tpu.memory_space<vmem>>[vector<16xi32>], vector<16xf32>,
        %get3A_236 = arith.index_cast %scan3A_217 : i32 to index
        %get3A_237 = arith.constant 32 : index
        %get3A_238 = tpu.vector_load %arg6[%get3A_236, %get3A_237] {strides = array<i32>} : memref<40x128xf32, #tpu.memory_space<vmem>>, vector<16xf32>,
        %mul3A_239 = arith.constant 128 : i32
        %mul3A_240 = arith.muli %scan3A_217, %mul3A_239 : i32
        %add3A_241 = arith.constant 32 : i32
        %add3A_242 = arith.addi %mul3A_240, %add3A_241 : i32
        %get3A_243 = arith.index_cast %add3A_242 : i32 to index
        %get3A_244 = tpu.vector_load %arg8[%get3A_243] {strides = array<i32>} : memref<5120xi32, #tpu.memory_space<vmem>>, vector<16xi32>,
        tpu.vector_store_idx %arg5[%get3A_244], %get3A_238 {add = true} : memref<100352xf32, #tpu.memory_space<vmem>>[vector<16xi32>], vector<16xf32>,
        %get3A_245 = arith.index_cast %scan3A_217 : i32 to index
        %get3A_246 = arith.constant 48 : index
        %get3A_247 = tpu.vector_load %arg6[%get3A_245, %get3A_246] {strides = array<i32>} : memref<40x128xf32, #tpu.memory_space<vmem>>, vector<16xf32>,
        %mul3A_248 = arith.constant 128 : i32
        %mul3A_249 = arith.muli %scan3A_217, %mul3A_248 : i32
        %add3A_250 = arith.constant 48 : i32
        %add3A_251 = arith.addi %mul3A_249, %add3A_250 : i32
        %get3A_252 = arith.index_cast %add3A_251 : i32 to index
        %get3A_253 = tpu.vector_load %arg8[%get3A_252] {strides = array<i32>} : memref<5120xi32, #tpu.memory_space<vmem>>, vector<16xi32>,
        tpu.vector_store_idx %arg5[%get3A_253], %get3A_247 {add = true} : memref<100352xf32, #tpu.memory_space<vmem>>[vector<16xi32>], vector<16xf32>,
        %get3A_254 = arith.index_cast %scan3A_217 : i32 to index
        %get3A_255 = arith.constant 64 : index
        %get3A_256 = tpu.vector_load %arg6[%get3A_254, %get3A_255] {strides = array<i32>} : memref<40x128xf32, #tpu.memory_space<vmem>>, vector<16xf32>,
        %mul3A_257 = arith.constant 128 : i32
        %mul3A_258 = arith.muli %scan3A_217, %mul3A_257 : i32
        %add3A_259 = arith.constant 64 : i32
        %add3A_260 = arith.addi %mul3A_258, %add3A_259 : i32
        %get3A_261 = arith.index_cast %add3A_260 : i32 to index
        %get3A_262 = tpu.vector_load %arg8[%get3A_261] {strides = array<i32>} : memref<5120xi32, #tpu.memory_space<vmem>>, vector<16xi32>,
        tpu.vector_store_idx %arg5[%get3A_262], %get3A_256 {add = true} : memref<100352xf32, #tpu.memory_space<vmem>>[vector<16xi32>], vector<16xf32>,
        %get3A_263 = arith.index_cast %scan3A_217 : i32 to index
        %get3A_264 = arith.constant 80 : index
        %get3A_265 = tpu.vector_load %arg6[%get3A_263, %get3A_264] {strides = array<i32>} : memref<40x128xf32, #tpu.memory_space<vmem>>, vector<16xf32>,
        %mul3A_266 = arith.constant 128 : i32
        %mul3A_267 = arith.muli %scan3A_217, %mul3A_266 : i32
        %add3A_268 = arith.constant 80 : i32
        %add3A_269 = arith.addi %mul3A_267, %add3A_268 : i32
        %get3A_270 = arith.index_cast %add3A_269 : i32 to index
        %get3A_271 = tpu.vector_load %arg8[%get3A_270] {strides = array<i32>} : memref<5120xi32, #tpu.memory_space<vmem>>, vector<16xi32>,
        tpu.vector_store_idx %arg5[%get3A_271], %get3A_265 {add = true} : memref<100352xf32, #tpu.memory_space<vmem>>[vector<16xi32>], vector<16xf32>,
        %get3A_272 = arith.index_cast %scan3A_217 : i32 to index
        %get3A_273 = arith.constant 96 : index
        %get3A_274 = tpu.vector_load %arg6[%get3A_272, %get3A_273] {strides = array<i32>} : memref<40x128xf32, #tpu.memory_space<vmem>>, vector<16xf32>,
        %mul3A_275 = arith.constant 128 : i32
        %mul3A_276 = arith.muli %scan3A_217, %mul3A_275 : i32
        %add3A_277 = arith.constant 96 : i32
        %add3A_278 = arith.addi %mul3A_276, %add3A_277 : i32
        %get3A_279 = arith.index_cast %add3A_278 : i32 to index
        %get3A_280 = tpu.vector_load %arg8[%get3A_279] {strides = array<i32>} : memref<5120xi32, #tpu.memory_space<vmem>>, vector<16xi32>,
        tpu.vector_store_idx %arg5[%get3A_280], %get3A_274 {add = true} : memref<100352xf32, #tpu.memory_space<vmem>>[vector<16xi32>], vector<16xf32>,
        %get3A_281 = arith.index_cast %scan3A_217 : i32 to index
        %get3A_282 = arith.constant 112 : index
        %get3A_283 = tpu.vector_load %arg6[%get3A_281, %get3A_282] {strides = array<i32>} : memref<40x128xf32, #tpu.memory_space<vmem>>, vector<16xf32>,
        %mul3A_284 = arith.constant 128 : i32
        %mul3A_285 = arith.muli %scan3A_217, %mul3A_284 : i32
        %add3A_286 = arith.constant 112 : i32
        %add3A_287 = arith.addi %mul3A_285, %add3A_286 : i32
        %get3A_288 = arith.index_cast %add3A_287 : i32 to index
        %get3A_289 = tpu.vector_load %arg8[%get3A_288] {strides = array<i32>} : memref<5120xi32, #tpu.memory_space<vmem>>, vector<16xi32>,
        tpu.vector_store_idx %arg5[%get3A_289], %get3A_283 {add = true} : memref<100352xf32, #tpu.memory_space<vmem>>[vector<16xi32>], vector<16xf32>,
        %scan3A_290 = arith.constant 0 : i32
        %scan3A_291 = arith.constant 2 : i32
        %scan3A_292 = arith.addi %scan3A_142, %scan3A_291 : i32
        %get3A_293 = arith.index_cast %scan3A_292 : i32 to index
        %get3A_294 = arith.constant 0 : index
        %get3A_295 = tpu.vector_load %arg6[%get3A_293, %get3A_294] {strides = array<i32>} : memref<40x128xf32, #tpu.memory_space<vmem>>, vector<16xf32>,
        %mul3A_296 = arith.constant 128 : i32
        %mul3A_297 = arith.muli %scan3A_292, %mul3A_296 : i32
        %add3A_298 = arith.constant 0 : i32
        %add3A_299 = arith.addi %mul3A_297, %add3A_298 : i32
        %get3A_300 = arith.index_cast %add3A_299 : i32 to index
        %get3A_301 = tpu.vector_load %arg8[%get3A_300] {strides = array<i32>} : memref<5120xi32, #tpu.memory_space<vmem>>, vector<16xi32>,
        tpu.vector_store_idx %arg5[%get3A_301], %get3A_295 {add = true} : memref<100352xf32, #tpu.memory_space<vmem>>[vector<16xi32>], vector<16xf32>,
        %get3A_302 = arith.index_cast %scan3A_292 : i32 to index
        %get3A_303 = arith.constant 16 : index
        %get3A_304 = tpu.vector_load %arg6[%get3A_302, %get3A_303] {strides = array<i32>} : memref<40x128xf32, #tpu.memory_space<vmem>>, vector<16xf32>,
        %mul3A_305 = arith.constant 128 : i32
        %mul3A_306 = arith.muli %scan3A_292, %mul3A_305 : i32
        %add3A_307 = arith.constant 16 : i32
        %add3A_308 = arith.addi %mul3A_306, %add3A_307 : i32
        %get3A_309 = arith.index_cast %add3A_308 : i32 to index
        %get3A_310 = tpu.vector_load %arg8[%get3A_309] {strides = array<i32>} : memref<5120xi32, #tpu.memory_space<vmem>>, vector<16xi32>,
        tpu.vector_store_idx %arg5[%get3A_310], %get3A_304 {add = true} : memref<100352xf32, #tpu.memory_space<vmem>>[vector<16xi32>], vector<16xf32>,
        %get3A_311 = arith.index_cast %scan3A_292 : i32 to index
        %get3A_312 = arith.constant 32 : index
        %get3A_313 = tpu.vector_load %arg6[%get3A_311, %get3A_312] {strides = array<i32>} : memref<40x128xf32, #tpu.memory_space<vmem>>, vector<16xf32>,
        %mul3A_314 = arith.constant 128 : i32
        %mul3A_315 = arith.muli %scan3A_292, %mul3A_314 : i32
        %add3A_316 = arith.constant 32 : i32
        %add3A_317 = arith.addi %mul3A_315, %add3A_316 : i32
        %get3A_318 = arith.index_cast %add3A_317 : i32 to index
        %get3A_319 = tpu.vector_load %arg8[%get3A_318] {strides = array<i32>} : memref<5120xi32, #tpu.memory_space<vmem>>, vector<16xi32>,
        tpu.vector_store_idx %arg5[%get3A_319], %get3A_313 {add = true} : memref<100352xf32, #tpu.memory_space<vmem>>[vector<16xi32>], vector<16xf32>,
        %get3A_320 = arith.index_cast %scan3A_292 : i32 to index
        %get3A_321 = arith.constant 48 : index
        %get3A_322 = tpu.vector_load %arg6[%get3A_320, %get3A_321] {strides = array<i32>} : memref<40x128xf32, #tpu.memory_space<vmem>>, vector<16xf32>,
        %mul3A_323 = arith.constant 128 : i32
        %mul3A_324 = arith.muli %scan3A_292, %mul3A_323 : i32
        %add3A_325 = arith.constant 48 : i32
        %add3A_326 = arith.addi %mul3A_324, %add3A_325 : i32
        %get3A_327 = arith.index_cast %add3A_326 : i32 to index
        %get3A_328 = tpu.vector_load %arg8[%get3A_327] {strides = array<i32>} : memref<5120xi32, #tpu.memory_space<vmem>>, vector<16xi32>,
        tpu.vector_store_idx %arg5[%get3A_328], %get3A_322 {add = true} : memref<100352xf32, #tpu.memory_space<vmem>>[vector<16xi32>], vector<16xf32>,
        %get3A_329 = arith.index_cast %scan3A_292 : i32 to index
        %get3A_330 = arith.constant 64 : index
        %get3A_331 = tpu.vector_load %arg6[%get3A_329, %get3A_330] {strides = array<i32>} : memref<40x128xf32, #tpu.memory_space<vmem>>, vector<16xf32>,
        %mul3A_332 = arith.constant 128 : i32
        %mul3A_333 = arith.muli %scan3A_292, %mul3A_332 : i32
        %add3A_334 = arith.constant 64 : i32
        %add3A_335 = arith.addi %mul3A_333, %add3A_334 : i32
        %get3A_336 = arith.index_cast %add3A_335 : i32 to index
        %get3A_337 = tpu.vector_load %arg8[%get3A_336] {strides = array<i32>} : memref<5120xi32, #tpu.memory_space<vmem>>, vector<16xi32>,
        tpu.vector_store_idx %arg5[%get3A_337], %get3A_331 {add = true} : memref<100352xf32, #tpu.memory_space<vmem>>[vector<16xi32>], vector<16xf32>,
        %get3A_338 = arith.index_cast %scan3A_292 : i32 to index
        %get3A_339 = arith.constant 80 : index
        %get3A_340 = tpu.vector_load %arg6[%get3A_338, %get3A_339] {strides = array<i32>} : memref<40x128xf32, #tpu.memory_space<vmem>>, vector<16xf32>,
        %mul3A_341 = arith.constant 128 : i32
        %mul3A_342 = arith.muli %scan3A_292, %mul3A_341 : i32
        %add3A_343 = arith.constant 80 : i32
        %add3A_344 = arith.addi %mul3A_342, %add3A_343 : i32
        %get3A_345 = arith.index_cast %add3A_344 : i32 to index
        %get3A_346 = tpu.vector_load %arg8[%get3A_345] {strides = array<i32>} : memref<5120xi32, #tpu.memory_space<vmem>>, vector<16xi32>,
        tpu.vector_store_idx %arg5[%get3A_346], %get3A_340 {add = true} : memref<100352xf32, #tpu.memory_space<vmem>>[vector<16xi32>], vector<16xf32>,
        %get3A_347 = arith.index_cast %scan3A_292 : i32 to index
        %get3A_348 = arith.constant 96 : index
        %get3A_349 = tpu.vector_load %arg6[%get3A_347, %get3A_348] {strides = array<i32>} : memref<40x128xf32, #tpu.memory_space<vmem>>, vector<16xf32>,
        %mul3A_350 = arith.constant 128 : i32
        %mul3A_351 = arith.muli %scan3A_292, %mul3A_350 : i32
        %add3A_352 = arith.constant 96 : i32
        %add3A_353 = arith.addi %mul3A_351, %add3A_352 : i32
        %get3A_354 = arith.index_cast %add3A_353 : i32 to index
        %get3A_355 = tpu.vector_load %arg8[%get3A_354] {strides = array<i32>} : memref<5120xi32, #tpu.memory_space<vmem>>, vector<16xi32>,
        tpu.vector_store_idx %arg5[%get3A_355], %get3A_349 {add = true} : memref<100352xf32, #tpu.memory_space<vmem>>[vector<16xi32>], vector<16xf32>,
        %get3A_356 = arith.index_cast %scan3A_292 : i32 to index
        %get3A_357 = arith.constant 112 : index
        %get3A_358 = tpu.vector_load %arg6[%get3A_356, %get3A_357] {strides = array<i32>} : memref<40x128xf32, #tpu.memory_space<vmem>>, vector<16xf32>,
        %mul3A_359 = arith.constant 128 : i32
        %mul3A_360 = arith.muli %scan3A_292, %mul3A_359 : i32
        %add3A_361 = arith.constant 112 : i32
        %add3A_362 = arith.addi %mul3A_360, %add3A_361 : i32
        %get3A_363 = arith.index_cast %add3A_362 : i32 to index
        %get3A_364 = tpu.vector_load %arg8[%get3A_363] {strides = array<i32>} : memref<5120xi32, #tpu.memory_space<vmem>>, vector<16xi32>,
        tpu.vector_store_idx %arg5[%get3A_364], %get3A_358 {add = true} : memref<100352xf32, #tpu.memory_space<vmem>>[vector<16xi32>], vector<16xf32>,
        %scan3A_365 = arith.constant 0 : i32
        %scan3A_366 = arith.constant 3 : i32
        %scan3A_367 = arith.addi %scan3A_142, %scan3A_366 : i32
        %get3A_368 = arith.index_cast %scan3A_367 : i32 to index
        %get3A_369 = arith.constant 0 : index
        %get3A_370 = tpu.vector_load %arg6[%get3A_368, %get3A_369] {strides = array<i32>} : memref<40x128xf32, #tpu.memory_space<vmem>>, vector<16xf32>,
        %mul3A_371 = arith.constant 128 : i32
        %mul3A_372 = arith.muli %scan3A_367, %mul3A_371 : i32
        %add3A_373 = arith.constant 0 : i32
        %add3A_374 = arith.addi %mul3A_372, %add3A_373 : i32
        %get3A_375 = arith.index_cast %add3A_374 : i32 to index
        %get3A_376 = tpu.vector_load %arg8[%get3A_375] {strides = array<i32>} : memref<5120xi32, #tpu.memory_space<vmem>>, vector<16xi32>,
        tpu.vector_store_idx %arg5[%get3A_376], %get3A_370 {add = true} : memref<100352xf32, #tpu.memory_space<vmem>>[vector<16xi32>], vector<16xf32>,
        %get3A_377 = arith.index_cast %scan3A_367 : i32 to index
        %get3A_378 = arith.constant 16 : index
        %get3A_379 = tpu.vector_load %arg6[%get3A_377, %get3A_378] {strides = array<i32>} : memref<40x128xf32, #tpu.memory_space<vmem>>, vector<16xf32>,
        %mul3A_380 = arith.constant 128 : i32
        %mul3A_381 = arith.muli %scan3A_367, %mul3A_380 : i32
        %add3A_382 = arith.constant 16 : i32
        %add3A_383 = arith.addi %mul3A_381, %add3A_382 : i32
        %get3A_384 = arith.index_cast %add3A_383 : i32 to index
        %get3A_385 = tpu.vector_load %arg8[%get3A_384] {strides = array<i32>} : memref<5120xi32, #tpu.memory_space<vmem>>, vector<16xi32>,
        tpu.vector_store_idx %arg5[%get3A_385], %get3A_379 {add = true} : memref<100352xf32, #tpu.memory_space<vmem>>[vector<16xi32>], vector<16xf32>,
        %get3A_386 = arith.index_cast %scan3A_367 : i32 to index
        %get3A_387 = arith.constant 32 : index
        %get3A_388 = tpu.vector_load %arg6[%get3A_386, %get3A_387] {strides = array<i32>} : memref<40x128xf32, #tpu.memory_space<vmem>>, vector<16xf32>,
        %mul3A_389 = arith.constant 128 : i32
        %mul3A_390 = arith.muli %scan3A_367, %mul3A_389 : i32
        %add3A_391 = arith.constant 32 : i32
        %add3A_392 = arith.addi %mul3A_390, %add3A_391 : i32
        %get3A_393 = arith.index_cast %add3A_392 : i32 to index
        %get3A_394 = tpu.vector_load %arg8[%get3A_393] {strides = array<i32>} : memref<5120xi32, #tpu.memory_space<vmem>>, vector<16xi32>,
        tpu.vector_store_idx %arg5[%get3A_394], %get3A_388 {add = true} : memref<100352xf32, #tpu.memory_space<vmem>>[vector<16xi32>], vector<16xf32>,
        %get3A_395 = arith.index_cast %scan3A_367 : i32 to index
        %get3A_396 = arith.constant 48 : index
        %get3A_397 = tpu.vector_load %arg6[%get3A_395, %get3A_396] {strides = array<i32>} : memref<40x128xf32, #tpu.memory_space<vmem>>, vector<16xf32>,
        %mul3A_398 = arith.constant 128 : i32
        %mul3A_399 = arith.muli %scan3A_367, %mul3A_398 : i32
        %add3A_400 = arith.constant 48 : i32
        %add3A_401 = arith.addi %mul3A_399, %add3A_400 : i32
        %get3A_402 = arith.index_cast %add3A_401 : i32 to index
        %get3A_403 = tpu.vector_load %arg8[%get3A_402] {strides = array<i32>} : memref<5120xi32, #tpu.memory_space<vmem>>, vector<16xi32>,
        tpu.vector_store_idx %arg5[%get3A_403], %get3A_397 {add = true} : memref<100352xf32, #tpu.memory_space<vmem>>[vector<16xi32>], vector<16xf32>,
        %get3A_404 = arith.index_cast %scan3A_367 : i32 to index
        %get3A_405 = arith.constant 64 : index
        %get3A_406 = tpu.vector_load %arg6[%get3A_404, %get3A_405] {strides = array<i32>} : memref<40x128xf32, #tpu.memory_space<vmem>>, vector<16xf32>,
        %mul3A_407 = arith.constant 128 : i32
        %mul3A_408 = arith.muli %scan3A_367, %mul3A_407 : i32
        %add3A_409 = arith.constant 64 : i32
        %add3A_410 = arith.addi %mul3A_408, %add3A_409 : i32
        %get3A_411 = arith.index_cast %add3A_410 : i32 to index
        %get3A_412 = tpu.vector_load %arg8[%get3A_411] {strides = array<i32>} : memref<5120xi32, #tpu.memory_space<vmem>>, vector<16xi32>,
        tpu.vector_store_idx %arg5[%get3A_412], %get3A_406 {add = true} : memref<100352xf32, #tpu.memory_space<vmem>>[vector<16xi32>], vector<16xf32>,
        %get3A_413 = arith.index_cast %scan3A_367 : i32 to index
        %get3A_414 = arith.constant 80 : index
        %get3A_415 = tpu.vector_load %arg6[%get3A_413, %get3A_414] {strides = array<i32>} : memref<40x128xf32, #tpu.memory_space<vmem>>, vector<16xf32>,
        %mul3A_416 = arith.constant 128 : i32
        %mul3A_417 = arith.muli %scan3A_367, %mul3A_416 : i32
        %add3A_418 = arith.constant 80 : i32
        %add3A_419 = arith.addi %mul3A_417, %add3A_418 : i32
        %get3A_420 = arith.index_cast %add3A_419 : i32 to index
        %get3A_421 = tpu.vector_load %arg8[%get3A_420] {strides = array<i32>} : memref<5120xi32, #tpu.memory_space<vmem>>, vector<16xi32>,
        tpu.vector_store_idx %arg5[%get3A_421], %get3A_415 {add = true} : memref<100352xf32, #tpu.memory_space<vmem>>[vector<16xi32>], vector<16xf32>,
        %get3A_422 = arith.index_cast %scan3A_367 : i32 to index
        %get3A_423 = arith.constant 96 : index
        %get3A_424 = tpu.vector_load %arg6[%get3A_422, %get3A_423] {strides = array<i32>} : memref<40x128xf32, #tpu.memory_space<vmem>>, vector<16xf32>,
        %mul3A_425 = arith.constant 128 : i32
        %mul3A_426 = arith.muli %scan3A_367, %mul3A_425 : i32
        %add3A_427 = arith.constant 96 : i32
        %add3A_428 = arith.addi %mul3A_426, %add3A_427 : i32
        %get3A_429 = arith.index_cast %add3A_428 : i32 to index
        %get3A_430 = tpu.vector_load %arg8[%get3A_429] {strides = array<i32>} : memref<5120xi32, #tpu.memory_space<vmem>>, vector<16xi32>,
        tpu.vector_store_idx %arg5[%get3A_430], %get3A_424 {add = true} : memref<100352xf32, #tpu.memory_space<vmem>>[vector<16xi32>], vector<16xf32>,
        %get3A_431 = arith.index_cast %scan3A_367 : i32 to index
        %get3A_432 = arith.constant 112 : index
        %get3A_433 = tpu.vector_load %arg6[%get3A_431, %get3A_432] {strides = array<i32>} : memref<40x128xf32, #tpu.memory_space<vmem>>, vector<16xf32>,
        %mul3A_434 = arith.constant 128 : i32
        %mul3A_435 = arith.muli %scan3A_367, %mul3A_434 : i32
        %add3A_436 = arith.constant 112 : i32
        %add3A_437 = arith.addi %mul3A_435, %add3A_436 : i32
        %get3A_438 = arith.index_cast %add3A_437 : i32 to index
        %get3A_439 = tpu.vector_load %arg8[%get3A_438] {strides = array<i32>} : memref<5120xi32, #tpu.memory_space<vmem>>, vector<16xi32>,
        tpu.vector_store_idx %arg5[%get3A_439], %get3A_433 {add = true} : memref<100352xf32, #tpu.memory_space<vmem>>[vector<16xi32>], vector<16xf32>,
        %scan3A_440 = arith.constant 0 : i32
        scf.yield %scan3A_440 : i32
      }
      %scan3A_130 = arith.constant 40 : i32
      %add3A_131 = arith.constant 2 : i32
      %add3A_132 = arith.addi %add3A_108, %add3A_131 : i32
      %lt3A_133 = arith.cmpi slt, %add3A_132, %select_n3A_54 : i32
      %convert_element_type3A_134 = arith.extui %lt3A_133 : i1 to i32
      %cond3A_135 = arith.constant 0 : i32
      %cond3A_136 = arith.cmpi ne, %convert_element_type3A_134, %cond3A_135 : i32
      scf.if %cond3A_136 {
        %add3A_142 = arith.constant 2 : i32
        %add3A_143 = arith.addi %add3A_108, %add3A_142 : i32
        %mul3A_144 = arith.constant 40 : i32
        %mul3A_145 = arith.muli %add3A_143, %mul3A_144 : i32
        %dma_start3A_146 = arith.constant 0 : i32
        %dma_start3A_147 = tpu.memref_slice %arg2[%mul3A_145, %dma_start3A_146] : memref<25000x128xf32, #tpu.memory_space<hbm>> -> memref<40x128xf32, #tpu.memory_space<hbm>>
        %dma_start3A_148 = arith.constant 0 : i32
        %dma_start3A_149 = tpu.memref_slice %arg2[%mul3A_145, %dma_start3A_148] : memref<25000x128xf32, #tpu.memory_space<hbm>> -> memref<40x128xf32, #tpu.memory_space<hbm>>
        tpu.enqueue_dma source(%dma_start3A_149 : memref<40x128xf32, #tpu.memory_space<hbm>>) target(%arg6 : memref<40x128xf32, #tpu.memory_space<vmem>>) target_semaphore(%arg10 : memref<!tpu.dma_semaphore, #tpu.memory_space<semaphore_mem>>)
        %mul3A_150 = arith.constant 128 : i32
        %mul3A_151 = arith.muli %mul3A_145, %mul3A_150 : i32
        %dma_start3A_152 = tpu.memref_slice %arg3[%sub3A_1, %mul3A_151] : memref<2x3200000xi32, #tpu.memory_space<hbm>> -> memref<1x5120xi32, #tpu.memory_space<hbm>>
        %dma_start3A_153 = tpu.memref_squeeze %dma_start3A_152 : memref<1x5120xi32, #tpu.memory_space<hbm>> -> memref<5120xi32, #tpu.memory_space<hbm>>
        %dma_start3A_154 = tpu.memref_slice %arg3[%sub3A_1, %mul3A_151] : memref<2x3200000xi32, #tpu.memory_space<hbm>> -> memref<1x5120xi32, #tpu.memory_space<hbm>>
        %dma_start3A_155 = tpu.memref_squeeze %dma_start3A_154 : memref<1x5120xi32, #tpu.memory_space<hbm>> -> memref<5120xi32, #tpu.memory_space<hbm>>
        tpu.enqueue_dma source(%dma_start3A_155 : memref<5120xi32, #tpu.memory_space<hbm>>) target(%arg8 : memref<5120xi32, #tpu.memory_space<vmem>>) target_semaphore(%arg10 : memref<!tpu.dma_semaphore, #tpu.memory_space<semaphore_mem>>)
      } else {
      }
      %lt3A_137 = arith.cmpi slt, %add3A_110, %select_n3A_54 : i32
      %convert_element_type3A_138 = arith.extui %lt3A_137 : i1 to i32
      %cond3A_139 = arith.constant 0 : i32
      %cond3A_140 = arith.cmpi ne, %convert_element_type3A_138, %cond3A_139 : i32
      scf.if %cond3A_140 {
        %dma_wait3A_142 = arith.constant 0 : i32
        %dma_wait3A_143 = arith.constant 0 : i32
        %dma_wait3A_144 = tpu.memref_slice %arg2[%dma_wait3A_142, %dma_wait3A_143] : memref<25000x128xf32, #tpu.memory_space<hbm>> -> memref<40x128xf32, #tpu.memory_space<hbm>>
        %dma_wait3A_145 = arith.constant 0 : i32
        %dma_wait3A_146 = arith.constant 0 : i32
        %dma_wait3A_147 = tpu.memref_slice %arg2[%dma_wait3A_145, %dma_wait3A_146] : memref<25000x128xf32, #tpu.memory_space<hbm>> -> memref<40x128xf32, #tpu.memory_space<hbm>>
        tpu.wait_dma2 semaphore(%arg11 : memref<!tpu.dma_semaphore, #tpu.memory_space<semaphore_mem>>) src(%dma_wait3A_147 : memref<40x128xf32, #tpu.memory_space<hbm>>) dst(%arg7 : memref<40x128xf32, #tpu.memory_space<vmem>>)
        %dma_wait3A_148 = arith.constant 0 : i32
        %dma_wait3A_149 = arith.constant 0 : i32
        %dma_wait3A_150 = tpu.memref_slice %arg3[%dma_wait3A_148, %dma_wait3A_149] : memref<2x3200000xi32, #tpu.memory_space<hbm>> -> memref<1x5120xi32, #tpu.memory_space<hbm>>
        %dma_wait3A_151 = tpu.memref_squeeze %dma_wait3A_150 : memref<1x5120xi32, #tpu.memory_space<hbm>> -> memref<5120xi32, #tpu.memory_space<hbm>>
        %dma_wait3A_152 = arith.constant 0 : i32
        %dma_wait3A_153 = tpu.memref_slice %arg3[%dma_wait3A_148, %dma_wait3A_152] : memref<2x3200000xi32, #tpu.memory_space<hbm>> -> memref<1x5120xi32, #tpu.memory_space<hbm>>
        %dma_wait3A_154 = tpu.memref_squeeze %dma_wait3A_153 : memref<1x5120xi32, #tpu.memory_space<hbm>> -> memref<5120xi32, #tpu.memory_space<hbm>>
        tpu.wait_dma2 semaphore(%arg11 : memref<!tpu.dma_semaphore, #tpu.memory_space<semaphore_mem>>) src(%dma_wait3A_154 : memref<5120xi32, #tpu.memory_space<hbm>>) dst(%arg9 : memref<5120xi32, #tpu.memory_space<vmem>>)
        %scan3A_155 = arith.constant 0 : i32
        %scan3A_156 = arith.constant 0 : i32
        %scan3A_157 = arith.constant 40 : i32
        %scan3A_158 = arith.addi %scan3A_156, %scan3A_157 : i32
        %scan3A_159 = arith.constant 4 : i32
        %scan3A_160 = scf.for %scan3A_162 = %scan3A_156 to %scan3A_158 step %scan3A_159 iter_args(%scan3A_163 = %scan3A_155) -> (i32)  : i32 {
          %get3A = arith.index_cast %scan3A_162 : i32 to index
          %get3A_164 = arith.constant 0 : index
          %get3A_165 = tpu.vector_load %arg7[%get3A, %get3A_164] {strides = array<i32>} : memref<40x128xf32, #tpu.memory_space<vmem>>, vector<16xf32>,
          %mul3A_166 = arith.constant 128 : i32
          %mul3A_167 = arith.muli %scan3A_162, %mul3A_166 : i32
          %add3A_168 = arith.constant 0 : i32
          %add3A_169 = arith.addi %mul3A_167, %add3A_168 : i32
          %get3A_170 = arith.index_cast %add3A_169 : i32 to index
          %get3A_171 = tpu.vector_load %arg9[%get3A_170] {strides = array<i32>} : memref<5120xi32, #tpu.memory_space<vmem>>, vector<16xi32>,
          tpu.vector_store_idx %arg5[%get3A_171], %get3A_165 {add = true} : memref<100352xf32, #tpu.memory_space<vmem>>[vector<16xi32>], vector<16xf32>,
          %get3A_172 = arith.index_cast %scan3A_162 : i32 to index
          %get3A_173 = arith.constant 16 : index
          %get3A_174 = tpu.vector_load %arg7[%get3A_172, %get3A_173] {strides = array<i32>} : memref<40x128xf32, #tpu.memory_space<vmem>>, vector<16xf32>,
          %mul3A_175 = arith.constant 128 : i32
          %mul3A_176 = arith.muli %scan3A_162, %mul3A_175 : i32
          %add3A_177 = arith.constant 16 : i32
          %add3A_178 = arith.addi %mul3A_176, %add3A_177 : i32
          %get3A_179 = arith.index_cast %add3A_178 : i32 to index
          %get3A_180 = tpu.vector_load %arg9[%get3A_179] {strides = array<i32>} : memref<5120xi32, #tpu.memory_space<vmem>>, vector<16xi32>,
          tpu.vector_store_idx %arg5[%get3A_180], %get3A_174 {add = true} : memref<100352xf32, #tpu.memory_space<vmem>>[vector<16xi32>], vector<16xf32>,
          %get3A_181 = arith.index_cast %scan3A_162 : i32 to index
          %get3A_182 = arith.constant 32 : index
          %get3A_183 = tpu.vector_load %arg7[%get3A_181, %get3A_182] {strides = array<i32>} : memref<40x128xf32, #tpu.memory_space<vmem>>, vector<16xf32>,
          %mul3A_184 = arith.constant 128 : i32
          %mul3A_185 = arith.muli %scan3A_162, %mul3A_184 : i32
          %add3A_186 = arith.constant 32 : i32
          %add3A_187 = arith.addi %mul3A_185, %add3A_186 : i32
          %get3A_188 = arith.index_cast %add3A_187 : i32 to index
          %get3A_189 = tpu.vector_load %arg9[%get3A_188] {strides = array<i32>} : memref<5120xi32, #tpu.memory_space<vmem>>, vector<16xi32>,
          tpu.vector_store_idx %arg5[%get3A_189], %get3A_183 {add = true} : memref<100352xf32, #tpu.memory_space<vmem>>[vector<16xi32>], vector<16xf32>,
          %get3A_190 = arith.index_cast %scan3A_162 : i32 to index
          %get3A_191 = arith.constant 48 : index
          %get3A_192 = tpu.vector_load %arg7[%get3A_190, %get3A_191] {strides = array<i32>} : memref<40x128xf32, #tpu.memory_space<vmem>>, vector<16xf32>,
          %mul3A_193 = arith.constant 128 : i32
          %mul3A_194 = arith.muli %scan3A_162, %mul3A_193 : i32
          %add3A_195 = arith.constant 48 : i32
          %add3A_196 = arith.addi %mul3A_194, %add3A_195 : i32
          %get3A_197 = arith.index_cast %add3A_196 : i32 to index
          %get3A_198 = tpu.vector_load %arg9[%get3A_197] {strides = array<i32>} : memref<5120xi32, #tpu.memory_space<vmem>>, vector<16xi32>,
          tpu.vector_store_idx %arg5[%get3A_198], %get3A_192 {add = true} : memref<100352xf32, #tpu.memory_space<vmem>>[vector<16xi32>], vector<16xf32>,
          %get3A_199 = arith.index_cast %scan3A_162 : i32 to index
          %get3A_200 = arith.constant 64 : index
          %get3A_201 = tpu.vector_load %arg7[%get3A_199, %get3A_200] {strides = array<i32>} : memref<40x128xf32, #tpu.memory_space<vmem>>, vector<16xf32>,
          %mul3A_202 = arith.constant 128 : i32
          %mul3A_203 = arith.muli %scan3A_162, %mul3A_202 : i32
          %add3A_204 = arith.constant 64 : i32
          %add3A_205 = arith.addi %mul3A_203, %add3A_204 : i32
          %get3A_206 = arith.index_cast %add3A_205 : i32 to index
          %get3A_207 = tpu.vector_load %arg9[%get3A_206] {strides = array<i32>} : memref<5120xi32, #tpu.memory_space<vmem>>, vector<16xi32>,
          tpu.vector_store_idx %arg5[%get3A_207], %get3A_201 {add = true} : memref<100352xf32, #tpu.memory_space<vmem>>[vector<16xi32>], vector<16xf32>,
          %get3A_208 = arith.index_cast %scan3A_162 : i32 to index
          %get3A_209 = arith.constant 80 : index
          %get3A_210 = tpu.vector_load %arg7[%get3A_208, %get3A_209] {strides = array<i32>} : memref<40x128xf32, #tpu.memory_space<vmem>>, vector<16xf32>,
          %mul3A_211 = arith.constant 128 : i32
          %mul3A_212 = arith.muli %scan3A_162, %mul3A_211 : i32
          %add3A_213 = arith.constant 80 : i32
          %add3A_214 = arith.addi %mul3A_212, %add3A_213 : i32
          %get3A_215 = arith.index_cast %add3A_214 : i32 to index
          %get3A_216 = tpu.vector_load %arg9[%get3A_215] {strides = array<i32>} : memref<5120xi32, #tpu.memory_space<vmem>>, vector<16xi32>,
          tpu.vector_store_idx %arg5[%get3A_216], %get3A_210 {add = true} : memref<100352xf32, #tpu.memory_space<vmem>>[vector<16xi32>], vector<16xf32>,
          %get3A_217 = arith.index_cast %scan3A_162 : i32 to index
          %get3A_218 = arith.constant 96 : index
          %get3A_219 = tpu.vector_load %arg7[%get3A_217, %get3A_218] {strides = array<i32>} : memref<40x128xf32, #tpu.memory_space<vmem>>, vector<16xf32>,
          %mul3A_220 = arith.constant 128 : i32
          %mul3A_221 = arith.muli %scan3A_162, %mul3A_220 : i32
          %add3A_222 = arith.constant 96 : i32
          %add3A_223 = arith.addi %mul3A_221, %add3A_222 : i32
          %get3A_224 = arith.index_cast %add3A_223 : i32 to index
          %get3A_225 = tpu.vector_load %arg9[%get3A_224] {strides = array<i32>} : memref<5120xi32, #tpu.memory_space<vmem>>, vector<16xi32>,
          tpu.vector_store_idx %arg5[%get3A_225], %get3A_219 {add = true} : memref<100352xf32, #tpu.memory_space<vmem>>[vector<16xi32>], vector<16xf32>,
          %get3A_226 = arith.index_cast %scan3A_162 : i32 to index
          %get3A_227 = arith.constant 112 : index
          %get3A_228 = tpu.vector_load %arg7[%get3A_226, %get3A_227] {strides = array<i32>} : memref<40x128xf32, #tpu.memory_space<vmem>>, vector<16xf32>,
          %mul3A_229 = arith.constant 128 : i32
          %mul3A_230 = arith.muli %scan3A_162, %mul3A_229 : i32
          %add3A_231 = arith.constant 112 : i32
          %add3A_232 = arith.addi %mul3A_230, %add3A_231 : i32
          %get3A_233 = arith.index_cast %add3A_232 : i32 to index
          %get3A_234 = tpu.vector_load %arg9[%get3A_233] {strides = array<i32>} : memref<5120xi32, #tpu.memory_space<vmem>>, vector<16xi32>,
          tpu.vector_store_idx %arg5[%get3A_234], %get3A_228 {add = true} : memref<100352xf32, #tpu.memory_space<vmem>>[vector<16xi32>], vector<16xf32>,
          %scan3A_235 = arith.constant 0 : i32
          %scan3A_236 = arith.constant 1 : i32
          %scan3A_237 = arith.addi %scan3A_162, %scan3A_236 : i32
          %get3A_238 = arith.index_cast %scan3A_237 : i32 to index
          %get3A_239 = arith.constant 0 : index
          %get3A_240 = tpu.vector_load %arg7[%get3A_238, %get3A_239] {strides = array<i32>} : memref<40x128xf32, #tpu.memory_space<vmem>>, vector<16xf32>,
          %mul3A_241 = arith.constant 128 : i32
          %mul3A_242 = arith.muli %scan3A_237, %mul3A_241 : i32
          %add3A_243 = arith.constant 0 : i32
          %add3A_244 = arith.addi %mul3A_242, %add3A_243 : i32
          %get3A_245 = arith.index_cast %add3A_244 : i32 to index
          %get3A_246 = tpu.vector_load %arg9[%get3A_245] {strides = array<i32>} : memref<5120xi32, #tpu.memory_space<vmem>>, vector<16xi32>,
          tpu.vector_store_idx %arg5[%get3A_246], %get3A_240 {add = true} : memref<100352xf32, #tpu.memory_space<vmem>>[vector<16xi32>], vector<16xf32>,
          %get3A_247 = arith.index_cast %scan3A_237 : i32 to index
          %get3A_248 = arith.constant 16 : index
          %get3A_249 = tpu.vector_load %arg7[%get3A_247, %get3A_248] {strides = array<i32>} : memref<40x128xf32, #tpu.memory_space<vmem>>, vector<16xf32>,
          %mul3A_250 = arith.constant 128 : i32
          %mul3A_251 = arith.muli %scan3A_237, %mul3A_250 : i32
          %add3A_252 = arith.constant 16 : i32
          %add3A_253 = arith.addi %mul3A_251, %add3A_252 : i32
          %get3A_254 = arith.index_cast %add3A_253 : i32 to index
          %get3A_255 = tpu.vector_load %arg9[%get3A_254] {strides = array<i32>} : memref<5120xi32, #tpu.memory_space<vmem>>, vector<16xi32>,
          tpu.vector_store_idx %arg5[%get3A_255], %get3A_249 {add = true} : memref<100352xf32, #tpu.memory_space<vmem>>[vector<16xi32>], vector<16xf32>,
          %get3A_256 = arith.index_cast %scan3A_237 : i32 to index
          %get3A_257 = arith.constant 32 : index
          %get3A_258 = tpu.vector_load %arg7[%get3A_256, %get3A_257] {strides = array<i32>} : memref<40x128xf32, #tpu.memory_space<vmem>>, vector<16xf32>,
          %mul3A_259 = arith.constant 128 : i32
          %mul3A_260 = arith.muli %scan3A_237, %mul3A_259 : i32
          %add3A_261 = arith.constant 32 : i32
          %add3A_262 = arith.addi %mul3A_260, %add3A_261 : i32
          %get3A_263 = arith.index_cast %add3A_262 : i32 to index
          %get3A_264 = tpu.vector_load %arg9[%get3A_263] {strides = array<i32>} : memref<5120xi32, #tpu.memory_space<vmem>>, vector<16xi32>,
          tpu.vector_store_idx %arg5[%get3A_264], %get3A_258 {add = true} : memref<100352xf32, #tpu.memory_space<vmem>>[vector<16xi32>], vector<16xf32>,
          %get3A_265 = arith.index_cast %scan3A_237 : i32 to index
          %get3A_266 = arith.constant 48 : index
          %get3A_267 = tpu.vector_load %arg7[%get3A_265, %get3A_266] {strides = array<i32>} : memref<40x128xf32, #tpu.memory_space<vmem>>, vector<16xf32>,
          %mul3A_268 = arith.constant 128 : i32
          %mul3A_269 = arith.muli %scan3A_237, %mul3A_268 : i32
          %add3A_270 = arith.constant 48 : i32
          %add3A_271 = arith.addi %mul3A_269, %add3A_270 : i32
          %get3A_272 = arith.index_cast %add3A_271 : i32 to index
          %get3A_273 = tpu.vector_load %arg9[%get3A_272] {strides = array<i32>} : memref<5120xi32, #tpu.memory_space<vmem>>, vector<16xi32>,
          tpu.vector_store_idx %arg5[%get3A_273], %get3A_267 {add = true} : memref<100352xf32, #tpu.memory_space<vmem>>[vector<16xi32>], vector<16xf32>,
          %get3A_274 = arith.index_cast %scan3A_237 : i32 to index
          %get3A_275 = arith.constant 64 : index
          %get3A_276 = tpu.vector_load %arg7[%get3A_274, %get3A_275] {strides = array<i32>} : memref<40x128xf32, #tpu.memory_space<vmem>>, vector<16xf32>,
          %mul3A_277 = arith.constant 128 : i32
          %mul3A_278 = arith.muli %scan3A_237, %mul3A_277 : i32
          %add3A_279 = arith.constant 64 : i32
          %add3A_280 = arith.addi %mul3A_278, %add3A_279 : i32
          %get3A_281 = arith.index_cast %add3A_280 : i32 to index
          %get3A_282 = tpu.vector_load %arg9[%get3A_281] {strides = array<i32>} : memref<5120xi32, #tpu.memory_space<vmem>>, vector<16xi32>,
          tpu.vector_store_idx %arg5[%get3A_282], %get3A_276 {add = true} : memref<100352xf32, #tpu.memory_space<vmem>>[vector<16xi32>], vector<16xf32>,
          %get3A_283 = arith.index_cast %scan3A_237 : i32 to index
          %get3A_284 = arith.constant 80 : index
          %get3A_285 = tpu.vector_load %arg7[%get3A_283, %get3A_284] {strides = array<i32>} : memref<40x128xf32, #tpu.memory_space<vmem>>, vector<16xf32>,
          %mul3A_286 = arith.constant 128 : i32
          %mul3A_287 = arith.muli %scan3A_237, %mul3A_286 : i32
          %add3A_288 = arith.constant 80 : i32
          %add3A_289 = arith.addi %mul3A_287, %add3A_288 : i32
          %get3A_290 = arith.index_cast %add3A_289 : i32 to index
          %get3A_291 = tpu.vector_load %arg9[%get3A_290] {strides = array<i32>} : memref<5120xi32, #tpu.memory_space<vmem>>, vector<16xi32>,
          tpu.vector_store_idx %arg5[%get3A_291], %get3A_285 {add = true} : memref<100352xf32, #tpu.memory_space<vmem>>[vector<16xi32>], vector<16xf32>,
          %get3A_292 = arith.index_cast %scan3A_237 : i32 to index
          %get3A_293 = arith.constant 96 : index
          %get3A_294 = tpu.vector_load %arg7[%get3A_292, %get3A_293] {strides = array<i32>} : memref<40x128xf32, #tpu.memory_space<vmem>>, vector<16xf32>,
          %mul3A_295 = arith.constant 128 : i32
          %mul3A_296 = arith.muli %scan3A_237, %mul3A_295 : i32
          %add3A_297 = arith.constant 96 : i32
          %add3A_298 = arith.addi %mul3A_296, %add3A_297 : i32
          %get3A_299 = arith.index_cast %add3A_298 : i32 to index
          %get3A_300 = tpu.vector_load %arg9[%get3A_299] {strides = array<i32>} : memref<5120xi32, #tpu.memory_space<vmem>>, vector<16xi32>,
          tpu.vector_store_idx %arg5[%get3A_300], %get3A_294 {add = true} : memref<100352xf32, #tpu.memory_space<vmem>>[vector<16xi32>], vector<16xf32>,
          %get3A_301 = arith.index_cast %scan3A_237 : i32 to index
          %get3A_302 = arith.constant 112 : index
          %get3A_303 = tpu.vector_load %arg7[%get3A_301, %get3A_302] {strides = array<i32>} : memref<40x128xf32, #tpu.memory_space<vmem>>, vector<16xf32>,
          %mul3A_304 = arith.constant 128 : i32
          %mul3A_305 = arith.muli %scan3A_237, %mul3A_304 : i32
          %add3A_306 = arith.constant 112 : i32
          %add3A_307 = arith.addi %mul3A_305, %add3A_306 : i32
          %get3A_308 = arith.index_cast %add3A_307 : i32 to index
          %get3A_309 = tpu.vector_load %arg9[%get3A_308] {strides = array<i32>} : memref<5120xi32, #tpu.memory_space<vmem>>, vector<16xi32>,
          tpu.vector_store_idx %arg5[%get3A_309], %get3A_303 {add = true} : memref<100352xf32, #tpu.memory_space<vmem>>[vector<16xi32>], vector<16xf32>,
          %scan3A_310 = arith.constant 0 : i32
          %scan3A_311 = arith.constant 2 : i32
          %scan3A_312 = arith.addi %scan3A_162, %scan3A_311 : i32
          %get3A_313 = arith.index_cast %scan3A_312 : i32 to index
          %get3A_314 = arith.constant 0 : index
          %get3A_315 = tpu.vector_load %arg7[%get3A_313, %get3A_314] {strides = array<i32>} : memref<40x128xf32, #tpu.memory_space<vmem>>, vector<16xf32>,
          %mul3A_316 = arith.constant 128 : i32
          %mul3A_317 = arith.muli %scan3A_312, %mul3A_316 : i32
          %add3A_318 = arith.constant 0 : i32
          %add3A_319 = arith.addi %mul3A_317, %add3A_318 : i32
          %get3A_320 = arith.index_cast %add3A_319 : i32 to index
          %get3A_321 = tpu.vector_load %arg9[%get3A_320] {strides = array<i32>} : memref<5120xi32, #tpu.memory_space<vmem>>, vector<16xi32>,
          tpu.vector_store_idx %arg5[%get3A_321], %get3A_315 {add = true} : memref<100352xf32, #tpu.memory_space<vmem>>[vector<16xi32>], vector<16xf32>,
          %get3A_322 = arith.index_cast %scan3A_312 : i32 to index
          %get3A_323 = arith.constant 16 : index
          %get3A_324 = tpu.vector_load %arg7[%get3A_322, %get3A_323] {strides = array<i32>} : memref<40x128xf32, #tpu.memory_space<vmem>>, vector<16xf32>,
          %mul3A_325 = arith.constant 128 : i32
          %mul3A_326 = arith.muli %scan3A_312, %mul3A_325 : i32
          %add3A_327 = arith.constant 16 : i32
          %add3A_328 = arith.addi %mul3A_326, %add3A_327 : i32
          %get3A_329 = arith.index_cast %add3A_328 : i32 to index
          %get3A_330 = tpu.vector_load %arg9[%get3A_329] {strides = array<i32>} : memref<5120xi32, #tpu.memory_space<vmem>>, vector<16xi32>,
          tpu.vector_store_idx %arg5[%get3A_330], %get3A_324 {add = true} : memref<100352xf32, #tpu.memory_space<vmem>>[vector<16xi32>], vector<16xf32>,
          %get3A_331 = arith.index_cast %scan3A_312 : i32 to index
          %get3A_332 = arith.constant 32 : index
          %get3A_333 = tpu.vector_load %arg7[%get3A_331, %get3A_332] {strides = array<i32>} : memref<40x128xf32, #tpu.memory_space<vmem>>, vector<16xf32>,
          %mul3A_334 = arith.constant 128 : i32
          %mul3A_335 = arith.muli %scan3A_312, %mul3A_334 : i32
          %add3A_336 = arith.constant 32 : i32
          %add3A_337 = arith.addi %mul3A_335, %add3A_336 : i32
          %get3A_338 = arith.index_cast %add3A_337 : i32 to index
          %get3A_339 = tpu.vector_load %arg9[%get3A_338] {strides = array<i32>} : memref<5120xi32, #tpu.memory_space<vmem>>, vector<16xi32>,
          tpu.vector_store_idx %arg5[%get3A_339], %get3A_333 {add = true} : memref<100352xf32, #tpu.memory_space<vmem>>[vector<16xi32>], vector<16xf32>,
          %get3A_340 = arith.index_cast %scan3A_312 : i32 to index
          %get3A_341 = arith.constant 48 : index
          %get3A_342 = tpu.vector_load %arg7[%get3A_340, %get3A_341] {strides = array<i32>} : memref<40x128xf32, #tpu.memory_space<vmem>>, vector<16xf32>,
          %mul3A_343 = arith.constant 128 : i32
          %mul3A_344 = arith.muli %scan3A_312, %mul3A_343 : i32
          %add3A_345 = arith.constant 48 : i32
          %add3A_346 = arith.addi %mul3A_344, %add3A_345 : i32
          %get3A_347 = arith.index_cast %add3A_346 : i32 to index
          %get3A_348 = tpu.vector_load %arg9[%get3A_347] {strides = array<i32>} : memref<5120xi32, #tpu.memory_space<vmem>>, vector<16xi32>,
          tpu.vector_store_idx %arg5[%get3A_348], %get3A_342 {add = true} : memref<100352xf32, #tpu.memory_space<vmem>>[vector<16xi32>], vector<16xf32>,
          %get3A_349 = arith.index_cast %scan3A_312 : i32 to index
          %get3A_350 = arith.constant 64 : index
          %get3A_351 = tpu.vector_load %arg7[%get3A_349, %get3A_350] {strides = array<i32>} : memref<40x128xf32, #tpu.memory_space<vmem>>, vector<16xf32>,
          %mul3A_352 = arith.constant 128 : i32
          %mul3A_353 = arith.muli %scan3A_312, %mul3A_352 : i32
          %add3A_354 = arith.constant 64 : i32
          %add3A_355 = arith.addi %mul3A_353, %add3A_354 : i32
          %get3A_356 = arith.index_cast %add3A_355 : i32 to index
          %get3A_357 = tpu.vector_load %arg9[%get3A_356] {strides = array<i32>} : memref<5120xi32, #tpu.memory_space<vmem>>, vector<16xi32>,
          tpu.vector_store_idx %arg5[%get3A_357], %get3A_351 {add = true} : memref<100352xf32, #tpu.memory_space<vmem>>[vector<16xi32>], vector<16xf32>,
          %get3A_358 = arith.index_cast %scan3A_312 : i32 to index
          %get3A_359 = arith.constant 80 : index
          %get3A_360 = tpu.vector_load %arg7[%get3A_358, %get3A_359] {strides = array<i32>} : memref<40x128xf32, #tpu.memory_space<vmem>>, vector<16xf32>,
          %mul3A_361 = arith.constant 128 : i32
          %mul3A_362 = arith.muli %scan3A_312, %mul3A_361 : i32
          %add3A_363 = arith.constant 80 : i32
          %add3A_364 = arith.addi %mul3A_362, %add3A_363 : i32
          %get3A_365 = arith.index_cast %add3A_364 : i32 to index
          %get3A_366 = tpu.vector_load %arg9[%get3A_365] {strides = array<i32>} : memref<5120xi32, #tpu.memory_space<vmem>>, vector<16xi32>,
          tpu.vector_store_idx %arg5[%get3A_366], %get3A_360 {add = true} : memref<100352xf32, #tpu.memory_space<vmem>>[vector<16xi32>], vector<16xf32>,
          %get3A_367 = arith.index_cast %scan3A_312 : i32 to index
          %get3A_368 = arith.constant 96 : index
          %get3A_369 = tpu.vector_load %arg7[%get3A_367, %get3A_368] {strides = array<i32>} : memref<40x128xf32, #tpu.memory_space<vmem>>, vector<16xf32>,
          %mul3A_370 = arith.constant 128 : i32
          %mul3A_371 = arith.muli %scan3A_312, %mul3A_370 : i32
          %add3A_372 = arith.constant 96 : i32
          %add3A_373 = arith.addi %mul3A_371, %add3A_372 : i32
          %get3A_374 = arith.index_cast %add3A_373 : i32 to index
          %get3A_375 = tpu.vector_load %arg9[%get3A_374] {strides = array<i32>} : memref<5120xi32, #tpu.memory_space<vmem>>, vector<16xi32>,
          tpu.vector_store_idx %arg5[%get3A_375], %get3A_369 {add = true} : memref<100352xf32, #tpu.memory_space<vmem>>[vector<16xi32>], vector<16xf32>,
          %get3A_376 = arith.index_cast %scan3A_312 : i32 to index
          %get3A_377 = arith.constant 112 : index
          %get3A_378 = tpu.vector_load %arg7[%get3A_376, %get3A_377] {strides = array<i32>} : memref<40x128xf32, #tpu.memory_space<vmem>>, vector<16xf32>,
          %mul3A_379 = arith.constant 128 : i32
          %mul3A_380 = arith.muli %scan3A_312, %mul3A_379 : i32
          %add3A_381 = arith.constant 112 : i32
          %add3A_382 = arith.addi %mul3A_380, %add3A_381 : i32
          %get3A_383 = arith.index_cast %add3A_382 : i32 to index
          %get3A_384 = tpu.vector_load %arg9[%get3A_383] {strides = array<i32>} : memref<5120xi32, #tpu.memory_space<vmem>>, vector<16xi32>,
          tpu.vector_store_idx %arg5[%get3A_384], %get3A_378 {add = true} : memref<100352xf32, #tpu.memory_space<vmem>>[vector<16xi32>], vector<16xf32>,
          %scan3A_385 = arith.constant 0 : i32
          %scan3A_386 = arith.constant 3 : i32
          %scan3A_387 = arith.addi %scan3A_162, %scan3A_386 : i32
          %get3A_388 = arith.index_cast %scan3A_387 : i32 to index
          %get3A_389 = arith.constant 0 : index
          %get3A_390 = tpu.vector_load %arg7[%get3A_388, %get3A_389] {strides = array<i32>} : memref<40x128xf32, #tpu.memory_space<vmem>>, vector<16xf32>,
          %mul3A_391 = arith.constant 128 : i32
          %mul3A_392 = arith.muli %scan3A_387, %mul3A_391 : i32
          %add3A_393 = arith.constant 0 : i32
          %add3A_394 = arith.addi %mul3A_392, %add3A_393 : i32
          %get3A_395 = arith.index_cast %add3A_394 : i32 to index
          %get3A_396 = tpu.vector_load %arg9[%get3A_395] {strides = array<i32>} : memref<5120xi32, #tpu.memory_space<vmem>>, vector<16xi32>,
          tpu.vector_store_idx %arg5[%get3A_396], %get3A_390 {add = true} : memref<100352xf32, #tpu.memory_space<vmem>>[vector<16xi32>], vector<16xf32>,
          %get3A_397 = arith.index_cast %scan3A_387 : i32 to index
          %get3A_398 = arith.constant 16 : index
          %get3A_399 = tpu.vector_load %arg7[%get3A_397, %get3A_398] {strides = array<i32>} : memref<40x128xf32, #tpu.memory_space<vmem>>, vector<16xf32>,
          %mul3A_400 = arith.constant 128 : i32
          %mul3A_401 = arith.muli %scan3A_387, %mul3A_400 : i32
          %add3A_402 = arith.constant 16 : i32
          %add3A_403 = arith.addi %mul3A_401, %add3A_402 : i32
          %get3A_404 = arith.index_cast %add3A_403 : i32 to index
          %get3A_405 = tpu.vector_load %arg9[%get3A_404] {strides = array<i32>} : memref<5120xi32, #tpu.memory_space<vmem>>, vector<16xi32>,
          tpu.vector_store_idx %arg5[%get3A_405], %get3A_399 {add = true} : memref<100352xf32, #tpu.memory_space<vmem>>[vector<16xi32>], vector<16xf32>,
          %get3A_406 = arith.index_cast %scan3A_387 : i32 to index
          %get3A_407 = arith.constant 32 : index
          %get3A_408 = tpu.vector_load %arg7[%get3A_406, %get3A_407] {strides = array<i32>} : memref<40x128xf32, #tpu.memory_space<vmem>>, vector<16xf32>,
          %mul3A_409 = arith.constant 128 : i32
          %mul3A_410 = arith.muli %scan3A_387, %mul3A_409 : i32
          %add3A_411 = arith.constant 32 : i32
          %add3A_412 = arith.addi %mul3A_410, %add3A_411 : i32
          %get3A_413 = arith.index_cast %add3A_412 : i32 to index
          %get3A_414 = tpu.vector_load %arg9[%get3A_413] {strides = array<i32>} : memref<5120xi32, #tpu.memory_space<vmem>>, vector<16xi32>,
          tpu.vector_store_idx %arg5[%get3A_414], %get3A_408 {add = true} : memref<100352xf32, #tpu.memory_space<vmem>>[vector<16xi32>], vector<16xf32>,
          %get3A_415 = arith.index_cast %scan3A_387 : i32 to index
          %get3A_416 = arith.constant 48 : index
          %get3A_417 = tpu.vector_load %arg7[%get3A_415, %get3A_416] {strides = array<i32>} : memref<40x128xf32, #tpu.memory_space<vmem>>, vector<16xf32>,
          %mul3A_418 = arith.constant 128 : i32
          %mul3A_419 = arith.muli %scan3A_387, %mul3A_418 : i32
          %add3A_420 = arith.constant 48 : i32
          %add3A_421 = arith.addi %mul3A_419, %add3A_420 : i32
          %get3A_422 = arith.index_cast %add3A_421 : i32 to index
          %get3A_423 = tpu.vector_load %arg9[%get3A_422] {strides = array<i32>} : memref<5120xi32, #tpu.memory_space<vmem>>, vector<16xi32>,
          tpu.vector_store_idx %arg5[%get3A_423], %get3A_417 {add = true} : memref<100352xf32, #tpu.memory_space<vmem>>[vector<16xi32>], vector<16xf32>,
          %get3A_424 = arith.index_cast %scan3A_387 : i32 to index
          %get3A_425 = arith.constant 64 : index
          %get3A_426 = tpu.vector_load %arg7[%get3A_424, %get3A_425] {strides = array<i32>} : memref<40x128xf32, #tpu.memory_space<vmem>>, vector<16xf32>,
          %mul3A_427 = arith.constant 128 : i32
          %mul3A_428 = arith.muli %scan3A_387, %mul3A_427 : i32
          %add3A_429 = arith.constant 64 : i32
          %add3A_430 = arith.addi %mul3A_428, %add3A_429 : i32
          %get3A_431 = arith.index_cast %add3A_430 : i32 to index
          %get3A_432 = tpu.vector_load %arg9[%get3A_431] {strides = array<i32>} : memref<5120xi32, #tpu.memory_space<vmem>>, vector<16xi32>,
          tpu.vector_store_idx %arg5[%get3A_432], %get3A_426 {add = true} : memref<100352xf32, #tpu.memory_space<vmem>>[vector<16xi32>], vector<16xf32>,
          %get3A_433 = arith.index_cast %scan3A_387 : i32 to index
          %get3A_434 = arith.constant 80 : index
          %get3A_435 = tpu.vector_load %arg7[%get3A_433, %get3A_434] {strides = array<i32>} : memref<40x128xf32, #tpu.memory_space<vmem>>, vector<16xf32>,
          %mul3A_436 = arith.constant 128 : i32
          %mul3A_437 = arith.muli %scan3A_387, %mul3A_436 : i32
          %add3A_438 = arith.constant 80 : i32
          %add3A_439 = arith.addi %mul3A_437, %add3A_438 : i32
          %get3A_440 = arith.index_cast %add3A_439 : i32 to index
          %get3A_441 = tpu.vector_load %arg9[%get3A_440] {strides = array<i32>} : memref<5120xi32, #tpu.memory_space<vmem>>, vector<16xi32>,
          tpu.vector_store_idx %arg5[%get3A_441], %get3A_435 {add = true} : memref<100352xf32, #tpu.memory_space<vmem>>[vector<16xi32>], vector<16xf32>,
          %get3A_442 = arith.index_cast %scan3A_387 : i32 to index
          %get3A_443 = arith.constant 96 : index
          %get3A_444 = tpu.vector_load %arg7[%get3A_442, %get3A_443] {strides = array<i32>} : memref<40x128xf32, #tpu.memory_space<vmem>>, vector<16xf32>,
          %mul3A_445 = arith.constant 128 : i32
          %mul3A_446 = arith.muli %scan3A_387, %mul3A_445 : i32
          %add3A_447 = arith.constant 96 : i32
          %add3A_448 = arith.addi %mul3A_446, %add3A_447 : i32
          %get3A_449 = arith.index_cast %add3A_448 : i32 to index
          %get3A_450 = tpu.vector_load %arg9[%get3A_449] {strides = array<i32>} : memref<5120xi32, #tpu.memory_space<vmem>>, vector<16xi32>,
          tpu.vector_store_idx %arg5[%get3A_450], %get3A_444 {add = true} : memref<100352xf32, #tpu.memory_space<vmem>>[vector<16xi32>], vector<16xf32>,
          %get3A_451 = arith.index_cast %scan3A_387 : i32 to index
          %get3A_452 = arith.constant 112 : index
          %get3A_453 = tpu.vector_load %arg7[%get3A_451, %get3A_452] {strides = array<i32>} : memref<40x128xf32, #tpu.memory_space<vmem>>, vector<16xf32>,
          %mul3A_454 = arith.constant 128 : i32
          %mul3A_455 = arith.muli %scan3A_387, %mul3A_454 : i32
          %add3A_456 = arith.constant 112 : i32
          %add3A_457 = arith.addi %mul3A_455, %add3A_456 : i32
          %get3A_458 = arith.index_cast %add3A_457 : i32 to index
          %get3A_459 = tpu.vector_load %arg9[%get3A_458] {strides = array<i32>} : memref<5120xi32, #tpu.memory_space<vmem>>, vector<16xi32>,
          tpu.vector_store_idx %arg5[%get3A_459], %get3A_453 {add = true} : memref<100352xf32, #tpu.memory_space<vmem>>[vector<16xi32>], vector<16xf32>,
          %scan3A_460 = arith.constant 0 : i32
          scf.yield %scan3A_460 : i32
        }
        %scan3A_161 = arith.constant 40 : i32
      } else {
      }
      %while3A_141 = arith.constant 0 : i32
      scf.yield %while3A_141 : i32
    }
    %run_scoped3A = arith.constant 0 : i32
    "tpu.region"() ({
      %run_scoped3A_104 = tpu.sem_alloc : memref<!tpu.dma_semaphore, #tpu.memory_space<semaphore_mem>>
      %dma_start3A_105 = arith.constant 0 : i32
      %dma_start3A_106 = tpu.memref_slice %arg4[%add3A, %run_scoped3A, %dma_start3A_105] : memref<32x1x100352xf32, #tpu.memory_space<hbm>> -> memref<1x1x100352xf32, #tpu.memory_space<hbm>>
      %dma_start3A_107 = tpu.memref_squeeze %dma_start3A_106 : memref<1x1x100352xf32, #tpu.memory_space<hbm>> -> memref<100352xf32, #tpu.memory_space<hbm>>
      %dma_start3A_108 = arith.constant 0 : i32
      %dma_start3A_109 = tpu.memref_slice %arg4[%add3A, %run_scoped3A, %dma_start3A_108] : memref<32x1x100352xf32, #tpu.memory_space<hbm>> -> memref<1x1x100352xf32, #tpu.memory_space<hbm>>
      %dma_start3A_110 = tpu.memref_squeeze %dma_start3A_109 : memref<1x1x100352xf32, #tpu.memory_space<hbm>> -> memref<100352xf32, #tpu.memory_space<hbm>>
      tpu.enqueue_dma source(%arg5 : memref<100352xf32, #tpu.memory_space<vmem>>) target(%dma_start3A_110 : memref<100352xf32, #tpu.memory_space<hbm>>) target_semaphore(%run_scoped3A_104 : memref<!tpu.dma_semaphore, #tpu.memory_space<semaphore_mem>>)
      %dma_wait3A = arith.constant 0 : i32
      %dma_wait3A_111 = tpu.memref_slice %arg4[%add3A, %run_scoped3A, %dma_wait3A] : memref<32x1x100352xf32, #tpu.memory_space<hbm>> -> memref<1x1x100352xf32, #tpu.memory_space<hbm>>
      %dma_wait3A_112 = tpu.memref_squeeze %dma_wait3A_111 : memref<1x1x100352xf32, #tpu.memory_space<hbm>> -> memref<100352xf32, #tpu.memory_space<hbm>>
      %dma_wait3A_113 = arith.constant 0 : i32
      %dma_wait3A_114 = tpu.memref_slice %arg4[%add3A, %run_scoped3A, %dma_wait3A_113] : memref<32x1x100352xf32, #tpu.memory_space<hbm>> -> memref<1x1x100352xf32, #tpu.memory_space<hbm>>
      %dma_wait3A_115 = tpu.memref_squeeze %dma_wait3A_114 : memref<1x1x100352xf32, #tpu.memory_space<hbm>> -> memref<100352xf32, #tpu.memory_space<hbm>>
      tpu.wait_dma2 semaphore(%run_scoped3A_104 : memref<!tpu.dma_semaphore, #tpu.memory_space<semaphore_mem>>) src(%arg5 : memref<100352xf32, #tpu.memory_space<vmem>>) dst(%dma_wait3A_115 : memref<100352xf32, #tpu.memory_space<hbm>>)
      tpu.yield
    }) : () -> ()
    return
  }
}

module attributes {stable_mosaic.version = 14 : i64} {
  func.func @_focal_body(%arg0: i32, %arg1: memref<5000x128xf32, #tpu.memory_space<vmem>>, %arg2: memref<5000x128xf32, #tpu.memory_space<vmem>>, %arg3: memref<1x1xf32, #tpu.memory_space<smem>>, %arg4: memref<5000x128xf32, #tpu.memory_space<vmem>>, %arg5: memref<1xf32, #tpu.memory_space<smem>>) attributes {dimension_semantics = [#tpu.dimension_semantics<arbitrary>], iteration_bounds = array<i64: 5>, scalar_prefetch = 0 : i64, scratch_operands = 1 : i64, tpu.core_type = #tpu.core_type<tc>, window_params = [{transform_indices = @transform_0, window_bounds = array<i64: 5000, 128>}, {transform_indices = @transform_1, window_bounds = array<i64: 5000, 128>}, {transform_indices = @transform_2, window_bounds = array<i64: 1, 1>}, {transform_indices = @transform_3, window_bounds = array<i64: 5000, 128>}]} {
    %eq3A = arith.constant 0 : i32
    %eq3A_0 = arith.cmpi eq, %arg0, %eq3A : i32
    %convert_element_type3A = arith.extui %eq3A_0 : i1 to i32
    %cond3A = arith.constant 0 : i32
    %cond3A_1 = arith.cmpi ne, %convert_element_type3A, %cond3A : i32
    scf.if %cond3A_1 {
      %swap3A_57 = arith.constant 0.000000e+00 : f32
      %swap3A_58 = arith.constant 0 : index
      %swap3A_59 = memref.load %arg5[%swap3A_58] : memref<1xf32, #tpu.memory_space<smem>>
      memref.store %swap3A_57, %arg5[%swap3A_58] : memref<1xf32, #tpu.memory_space<smem>>
    } else {
    }
    %get3A = arith.constant 0 : index
    %get3A_2 = arith.constant 0 : index
    %get3A_3 = vector.load %arg1[%get3A, %get3A_2] : memref<5000x128xf32, #tpu.memory_space<vmem>>, vector<5000x128xf32>
    %get3A_4 = arith.constant 0 : index
    %get3A_5 = arith.constant 0 : index
    %get3A_6 = vector.load %arg2[%get3A_4, %get3A_5] : memref<5000x128xf32, #tpu.memory_space<vmem>>, vector<5000x128xf32>
    %max3A = arith.constant 0.000000e+00 : f32
    %max3A_7 = vector.broadcast %max3A : f32 to vector<5000x128xf32>
    %max3A_8 = arith.maximumf %get3A_3, %max3A_7 : vector<5000x128xf32>
    %mul3A = arith.mulf %get3A_3, %get3A_6 : vector<5000x128xf32>
    %sub3A = arith.subf %max3A_8, %mul3A : vector<5000x128xf32>
    %abs3A = math.absf %get3A_3 : vector<5000x128xf32>
    %neg3A = arith.constant 0.000000e+00 : f32
    %neg3A_9 = vector.broadcast %neg3A : f32 to vector<5000x128xf32>
    %neg3A_10 = arith.subf %neg3A_9, %abs3A : vector<5000x128xf32>
    %exp3A = math.exp %neg3A_10 : vector<5000x128xf32>
    %log1p3A = math.log1p %exp3A : vector<5000x128xf32>
    %add3A = arith.addf %sub3A, %log1p3A : vector<5000x128xf32>
    %logistic3A = arith.negf %get3A_3 : vector<5000x128xf32>
    %logistic3A_11 = math.exp %logistic3A : vector<5000x128xf32>
    %logistic3A_12 = arith.constant 1.000000e+00 : f32
    %logistic3A_13 = vector.broadcast %logistic3A_12 : f32 to vector<5000x128xf32>
    %logistic3A_14 = arith.addf %logistic3A_13, %logistic3A_11 : vector<5000x128xf32>
    %logistic3A_15 = arith.divf %logistic3A_13, %logistic3A_14 : vector<5000x128xf32>
    %swap3A = arith.constant 0 : index
    %swap3A_16 = arith.constant 0 : index
    %swap3A_17 = vector.load %arg4[%swap3A, %swap3A_16] : memref<5000x128xf32, #tpu.memory_space<vmem>>, vector<5000x128xf32>
    tpu.vector_store %arg4[%swap3A, %swap3A_16], %logistic3A_15 {strides = array<i32>} : memref<5000x128xf32, #tpu.memory_space<vmem>>, vector<5000x128xf32>,
    %mul3A_18 = arith.mulf %logistic3A_15, %get3A_6 : vector<5000x128xf32>
    %sub3A_19 = arith.constant 1.000000e+00 : f32
    %sub3A_20 = vector.broadcast %sub3A_19 : f32 to vector<5000x128xf32>
    %sub3A_21 = arith.subf %sub3A_20, %logistic3A_15 : vector<5000x128xf32>
    %sub3A_22 = arith.constant 1.000000e+00 : f32
    %sub3A_23 = vector.broadcast %sub3A_22 : f32 to vector<5000x128xf32>
    %sub3A_24 = arith.subf %sub3A_23, %get3A_6 : vector<5000x128xf32>
    %mul3A_25 = arith.mulf %sub3A_21, %sub3A_24 : vector<5000x128xf32>
    %add3A_26 = arith.addf %mul3A_18, %mul3A_25 : vector<5000x128xf32>
    %mul3A_27 = arith.constant 2.500000e-01 : f32
    %mul3A_28 = vector.broadcast %mul3A_27 : f32 to vector<5000x128xf32>
    %mul3A_29 = arith.mulf %mul3A_28, %get3A_6 : vector<5000x128xf32>
    %sub3A_30 = arith.constant 1.000000e+00 : f32
    %sub3A_31 = vector.broadcast %sub3A_30 : f32 to vector<5000x128xf32>
    %sub3A_32 = arith.subf %sub3A_31, %get3A_6 : vector<5000x128xf32>
    %mul3A_33 = arith.constant 7.500000e-01 : f32
    %mul3A_34 = vector.broadcast %mul3A_33 : f32 to vector<5000x128xf32>
    %mul3A_35 = arith.mulf %mul3A_34, %sub3A_32 : vector<5000x128xf32>
    %add3A_36 = arith.addf %mul3A_29, %mul3A_35 : vector<5000x128xf32>
    %sub3A_37 = arith.constant 1.000000e+00 : f32
    %sub3A_38 = vector.broadcast %sub3A_37 : f32 to vector<5000x128xf32>
    %sub3A_39 = arith.subf %sub3A_38, %add3A_26 : vector<5000x128xf32>
    %get3A_40 = arith.constant 0 : index
    %get3A_41 = memref.load %arg5[%get3A_40] : memref<1xf32, #tpu.memory_space<smem>>
    %mul3A_42 = arith.mulf %sub3A_39, %sub3A_39 : vector<5000x128xf32>
    %mul3A_43 = arith.mulf %add3A_36, %mul3A_42 : vector<5000x128xf32>
    %mul3A_44 = arith.mulf %mul3A_43, %add3A : vector<5000x128xf32>
    %reduce_sum3A = vector.shape_cast %mul3A_44 : vector<5000x128xf32> to vector<1x5000x128xf32>
    %reduce_sum3A_45 = arith.constant dense<0.000000e+00> : vector<1xf32>
    %reduce_sum3A_46 = vector.multi_reduction <add>, %reduce_sum3A, %reduce_sum3A_45 [1, 2] : vector<1x5000x128xf32> to vector<1xf32>
    %reduce_sum3A_47 = vector.shape_cast %reduce_sum3A_46 : vector<1xf32> to vector<1x1x1xf32>
    %reduce_sum3A_48 = vector.extract %reduce_sum3A_47[0, 0, 0] : f32 from vector<1x1x1xf32>
    %add3A_49 = arith.addf %get3A_41, %reduce_sum3A_48 : f32
    %swap3A_50 = arith.constant 0 : index
    %swap3A_51 = memref.load %arg5[%swap3A_50] : memref<1xf32, #tpu.memory_space<smem>>
    memref.store %add3A_49, %arg5[%swap3A_50] : memref<1xf32, #tpu.memory_space<smem>>
    %eq3A_52 = arith.constant 4 : i32
    %eq3A_53 = arith.cmpi eq, %arg0, %eq3A_52 : i32
    %convert_element_type3A_54 = arith.extui %eq3A_53 : i1 to i32
    %cond3A_55 = arith.constant 0 : i32
    %cond3A_56 = arith.cmpi ne, %convert_element_type3A_54, %cond3A_55 : i32
    scf.if %cond3A_56 {
      %get3A_57 = arith.constant 0 : index
      %get3A_58 = memref.load %arg5[%get3A_57] : memref<1xf32, #tpu.memory_space<smem>>
      %swap3A_59 = arith.constant 0 : index
      %swap3A_60 = arith.constant 0 : index
      %swap3A_61 = memref.load %arg3[%swap3A_59, %swap3A_60] : memref<1x1xf32, #tpu.memory_space<smem>>
      memref.store %get3A_58, %arg3[%swap3A_59, %swap3A_60] : memref<1x1xf32, #tpu.memory_space<smem>>
    } else {
    }
    return
  }
  func.func @transform_0(%arg0: i32) -> (i32, i32) {
    %c0_i32 = arith.constant 0 : i32
    %c0_i32_0 = arith.constant 0 : i32
    return %arg0, %c0_i32 : i32, i32
  }
  func.func @transform_1(%arg0: i32) -> (i32, i32) {
    %c0_i32 = arith.constant 0 : i32
    %c0_i32_0 = arith.constant 0 : i32
    return %arg0, %c0_i32 : i32, i32
  }
  func.func @transform_2(%arg0: i32) -> (i32, i32) {
    %c0_i32 = arith.constant 0 : i32
    %c0_i32_0 = arith.constant 0 : i32
    %c0_i32_1 = arith.constant 0 : i32
    return %c0_i32, %c0_i32_0 : i32, i32
  }
  func.func @transform_3(%arg0: i32) -> (i32, i32) {
    %c0_i32 = arith.constant 0 : i32
    %c0_i32_0 = arith.constant 0 : i32
    return %arg0, %c0_i32 : i32, i32
  }
}

module attributes {stable_mosaic.version = 14 : i64} {
  func.func @_combine_body(%arg0: i32, %arg1: memref<32x112x128xf32, #tpu.memory_space<vmem>>, %arg2: memref<1x1xf32, #tpu.memory_space<smem>>, %arg3: memref<1x1xf32, #tpu.memory_space<smem>>, %arg4: memref<4xf32, #tpu.memory_space<smem>>) attributes {dimension_semantics = [#tpu.dimension_semantics<arbitrary>], iteration_bounds = array<i64: 7>, scalar_prefetch = 0 : i64, scratch_operands = 1 : i64, tpu.core_type = #tpu.core_type<tc>, window_params = [{transform_indices = @transform_0, window_bounds = array<i64: 32, 112, 128>}, {transform_indices = @transform_1, window_bounds = array<i64: 1, 1>}, {transform_indices = @transform_2, window_bounds = array<i64: 1, 1>}]} {
    %eq3A = arith.constant 0 : i32
    %eq3A_0 = arith.cmpi eq, %arg0, %eq3A : i32
    %convert_element_type3A = arith.extui %eq3A_0 : i1 to i32
    %cond3A = arith.constant 0 : i32
    %cond3A_1 = arith.cmpi ne, %convert_element_type3A, %cond3A : i32
    scf.if %cond3A_1 {
      %swap3A_241 = arith.constant 0.000000e+00 : f32
      %swap3A_242 = arith.constant 0 : index
      %swap3A_243 = memref.load %arg4[%swap3A_242] : memref<4xf32, #tpu.memory_space<smem>>
      memref.store %swap3A_241, %arg4[%swap3A_242] : memref<4xf32, #tpu.memory_space<smem>>
      %swap3A_244 = arith.constant 0.000000e+00 : f32
      %swap3A_245 = arith.constant 1 : index
      %swap3A_246 = memref.load %arg4[%swap3A_245] : memref<4xf32, #tpu.memory_space<smem>>
      memref.store %swap3A_244, %arg4[%swap3A_245] : memref<4xf32, #tpu.memory_space<smem>>
      %swap3A_247 = arith.constant 0.000000e+00 : f32
      %swap3A_248 = arith.constant 2 : index
      %swap3A_249 = memref.load %arg4[%swap3A_248] : memref<4xf32, #tpu.memory_space<smem>>
      memref.store %swap3A_247, %arg4[%swap3A_248] : memref<4xf32, #tpu.memory_space<smem>>
    } else {
    }
    %get3A = arith.constant 0 : index
    %get3A_2 = arith.constant 0 : index
    %get3A_3 = arith.constant 0 : index
    %get3A_4 = vector.load %arg1[%get3A, %get3A_2, %get3A_3] : memref<32x112x128xf32, #tpu.memory_space<vmem>>, vector<1x112x128xf32>
    %get3A_5 = vector.shape_cast %get3A_4 : vector<1x112x128xf32> to vector<112x128xf32>
    %get3A_6 = arith.constant 16 : index
    %get3A_7 = arith.constant 0 : index
    %get3A_8 = arith.constant 0 : index
    %get3A_9 = vector.load %arg1[%get3A_6, %get3A_7, %get3A_8] : memref<32x112x128xf32, #tpu.memory_space<vmem>>, vector<1x112x128xf32>
    %get3A_10 = vector.shape_cast %get3A_9 : vector<1x112x128xf32> to vector<112x128xf32>
    %get3A_11 = arith.constant 1 : index
    %get3A_12 = arith.constant 0 : index
    %get3A_13 = arith.constant 0 : index
    %get3A_14 = vector.load %arg1[%get3A_11, %get3A_12, %get3A_13] : memref<32x112x128xf32, #tpu.memory_space<vmem>>, vector<1x112x128xf32>
    %get3A_15 = vector.shape_cast %get3A_14 : vector<1x112x128xf32> to vector<112x128xf32>
    %add3A = arith.addf %get3A_5, %get3A_15 : vector<112x128xf32>
    %get3A_16 = arith.constant 17 : index
    %get3A_17 = arith.constant 0 : index
    %get3A_18 = arith.constant 0 : index
    %get3A_19 = vector.load %arg1[%get3A_16, %get3A_17, %get3A_18] : memref<32x112x128xf32, #tpu.memory_space<vmem>>, vector<1x112x128xf32>
    %get3A_20 = vector.shape_cast %get3A_19 : vector<1x112x128xf32> to vector<112x128xf32>
    %add3A_21 = arith.addf %get3A_10, %get3A_20 : vector<112x128xf32>
    %get3A_22 = arith.constant 2 : index
    %get3A_23 = arith.constant 0 : index
    %get3A_24 = arith.constant 0 : index
    %get3A_25 = vector.load %arg1[%get3A_22, %get3A_23, %get3A_24] : memref<32x112x128xf32, #tpu.memory_space<vmem>>, vector<1x112x128xf32>
    %get3A_26 = vector.shape_cast %get3A_25 : vector<1x112x128xf32> to vector<112x128xf32>
    %add3A_27 = arith.addf %add3A, %get3A_26 : vector<112x128xf32>
    %get3A_28 = arith.constant 18 : index
    %get3A_29 = arith.constant 0 : index
    %get3A_30 = arith.constant 0 : index
    %get3A_31 = vector.load %arg1[%get3A_28, %get3A_29, %get3A_30] : memref<32x112x128xf32, #tpu.memory_space<vmem>>, vector<1x112x128xf32>
    %get3A_32 = vector.shape_cast %get3A_31 : vector<1x112x128xf32> to vector<112x128xf32>
    %add3A_33 = arith.addf %add3A_21, %get3A_32 : vector<112x128xf32>
    %get3A_34 = arith.constant 3 : index
    %get3A_35 = arith.constant 0 : index
    %get3A_36 = arith.constant 0 : index
    %get3A_37 = vector.load %arg1[%get3A_34, %get3A_35, %get3A_36] : memref<32x112x128xf32, #tpu.memory_space<vmem>>, vector<1x112x128xf32>
    %get3A_38 = vector.shape_cast %get3A_37 : vector<1x112x128xf32> to vector<112x128xf32>
    %add3A_39 = arith.addf %add3A_27, %get3A_38 : vector<112x128xf32>
    %get3A_40 = arith.constant 19 : index
    %get3A_41 = arith.constant 0 : index
    %get3A_42 = arith.constant 0 : index
    %get3A_43 = vector.load %arg1[%get3A_40, %get3A_41, %get3A_42] : memref<32x112x128xf32, #tpu.memory_space<vmem>>, vector<1x112x128xf32>
    %get3A_44 = vector.shape_cast %get3A_43 : vector<1x112x128xf32> to vector<112x128xf32>
    %add3A_45 = arith.addf %add3A_33, %get3A_44 : vector<112x128xf32>
    %get3A_46 = arith.constant 4 : index
    %get3A_47 = arith.constant 0 : index
    %get3A_48 = arith.constant 0 : index
    %get3A_49 = vector.load %arg1[%get3A_46, %get3A_47, %get3A_48] : memref<32x112x128xf32, #tpu.memory_space<vmem>>, vector<1x112x128xf32>
    %get3A_50 = vector.shape_cast %get3A_49 : vector<1x112x128xf32> to vector<112x128xf32>
    %add3A_51 = arith.addf %add3A_39, %get3A_50 : vector<112x128xf32>
    %get3A_52 = arith.constant 20 : index
    %get3A_53 = arith.constant 0 : index
    %get3A_54 = arith.constant 0 : index
    %get3A_55 = vector.load %arg1[%get3A_52, %get3A_53, %get3A_54] : memref<32x112x128xf32, #tpu.memory_space<vmem>>, vector<1x112x128xf32>
    %get3A_56 = vector.shape_cast %get3A_55 : vector<1x112x128xf32> to vector<112x128xf32>
    %add3A_57 = arith.addf %add3A_45, %get3A_56 : vector<112x128xf32>
    %get3A_58 = arith.constant 5 : index
    %get3A_59 = arith.constant 0 : index
    %get3A_60 = arith.constant 0 : index
    %get3A_61 = vector.load %arg1[%get3A_58, %get3A_59, %get3A_60] : memref<32x112x128xf32, #tpu.memory_space<vmem>>, vector<1x112x128xf32>
    %get3A_62 = vector.shape_cast %get3A_61 : vector<1x112x128xf32> to vector<112x128xf32>
    %add3A_63 = arith.addf %add3A_51, %get3A_62 : vector<112x128xf32>
    %get3A_64 = arith.constant 21 : index
    %get3A_65 = arith.constant 0 : index
    %get3A_66 = arith.constant 0 : index
    %get3A_67 = vector.load %arg1[%get3A_64, %get3A_65, %get3A_66] : memref<32x112x128xf32, #tpu.memory_space<vmem>>, vector<1x112x128xf32>
    %get3A_68 = vector.shape_cast %get3A_67 : vector<1x112x128xf32> to vector<112x128xf32>
    %add3A_69 = arith.addf %add3A_57, %get3A_68 : vector<112x128xf32>
    %get3A_70 = arith.constant 6 : index
    %get3A_71 = arith.constant 0 : index
    %get3A_72 = arith.constant 0 : index
    %get3A_73 = vector.load %arg1[%get3A_70, %get3A_71, %get3A_72] : memref<32x112x128xf32, #tpu.memory_space<vmem>>, vector<1x112x128xf32>
    %get3A_74 = vector.shape_cast %get3A_73 : vector<1x112x128xf32> to vector<112x128xf32>
    %add3A_75 = arith.addf %add3A_63, %get3A_74 : vector<112x128xf32>
    %get3A_76 = arith.constant 22 : index
    %get3A_77 = arith.constant 0 : index
    %get3A_78 = arith.constant 0 : index
    %get3A_79 = vector.load %arg1[%get3A_76, %get3A_77, %get3A_78] : memref<32x112x128xf32, #tpu.memory_space<vmem>>, vector<1x112x128xf32>
    %get3A_80 = vector.shape_cast %get3A_79 : vector<1x112x128xf32> to vector<112x128xf32>
    %add3A_81 = arith.addf %add3A_69, %get3A_80 : vector<112x128xf32>
    %get3A_82 = arith.constant 7 : index
    %get3A_83 = arith.constant 0 : index
    %get3A_84 = arith.constant 0 : index
    %get3A_85 = vector.load %arg1[%get3A_82, %get3A_83, %get3A_84] : memref<32x112x128xf32, #tpu.memory_space<vmem>>, vector<1x112x128xf32>
    %get3A_86 = vector.shape_cast %get3A_85 : vector<1x112x128xf32> to vector<112x128xf32>
    %add3A_87 = arith.addf %add3A_75, %get3A_86 : vector<112x128xf32>
    %get3A_88 = arith.constant 23 : index
    %get3A_89 = arith.constant 0 : index
    %get3A_90 = arith.constant 0 : index
    %get3A_91 = vector.load %arg1[%get3A_88, %get3A_89, %get3A_90] : memref<32x112x128xf32, #tpu.memory_space<vmem>>, vector<1x112x128xf32>
    %get3A_92 = vector.shape_cast %get3A_91 : vector<1x112x128xf32> to vector<112x128xf32>
    %add3A_93 = arith.addf %add3A_81, %get3A_92 : vector<112x128xf32>
    %get3A_94 = arith.constant 8 : index
    %get3A_95 = arith.constant 0 : index
    %get3A_96 = arith.constant 0 : index
    %get3A_97 = vector.load %arg1[%get3A_94, %get3A_95, %get3A_96] : memref<32x112x128xf32, #tpu.memory_space<vmem>>, vector<1x112x128xf32>
    %get3A_98 = vector.shape_cast %get3A_97 : vector<1x112x128xf32> to vector<112x128xf32>
    %add3A_99 = arith.addf %add3A_87, %get3A_98 : vector<112x128xf32>
    %get3A_100 = arith.constant 24 : index
    %get3A_101 = arith.constant 0 : index
    %get3A_102 = arith.constant 0 : index
    %get3A_103 = vector.load %arg1[%get3A_100, %get3A_101, %get3A_102] : memref<32x112x128xf32, #tpu.memory_space<vmem>>, vector<1x112x128xf32>
    %get3A_104 = vector.shape_cast %get3A_103 : vector<1x112x128xf32> to vector<112x128xf32>
    %add3A_105 = arith.addf %add3A_93, %get3A_104 : vector<112x128xf32>
    %get3A_106 = arith.constant 9 : index
    %get3A_107 = arith.constant 0 : index
    %get3A_108 = arith.constant 0 : index
    %get3A_109 = vector.load %arg1[%get3A_106, %get3A_107, %get3A_108] : memref<32x112x128xf32, #tpu.memory_space<vmem>>, vector<1x112x128xf32>
    %get3A_110 = vector.shape_cast %get3A_109 : vector<1x112x128xf32> to vector<112x128xf32>
    %add3A_111 = arith.addf %add3A_99, %get3A_110 : vector<112x128xf32>
    %get3A_112 = arith.constant 25 : index
    %get3A_113 = arith.constant 0 : index
    %get3A_114 = arith.constant 0 : index
    %get3A_115 = vector.load %arg1[%get3A_112, %get3A_113, %get3A_114] : memref<32x112x128xf32, #tpu.memory_space<vmem>>, vector<1x112x128xf32>
    %get3A_116 = vector.shape_cast %get3A_115 : vector<1x112x128xf32> to vector<112x128xf32>
    %add3A_117 = arith.addf %add3A_105, %get3A_116 : vector<112x128xf32>
    %get3A_118 = arith.constant 10 : index
    %get3A_119 = arith.constant 0 : index
    %get3A_120 = arith.constant 0 : index
    %get3A_121 = vector.load %arg1[%get3A_118, %get3A_119, %get3A_120] : memref<32x112x128xf32, #tpu.memory_space<vmem>>, vector<1x112x128xf32>
    %get3A_122 = vector.shape_cast %get3A_121 : vector<1x112x128xf32> to vector<112x128xf32>
    %add3A_123 = arith.addf %add3A_111, %get3A_122 : vector<112x128xf32>
    %get3A_124 = arith.constant 26 : index
    %get3A_125 = arith.constant 0 : index
    %get3A_126 = arith.constant 0 : index
    %get3A_127 = vector.load %arg1[%get3A_124, %get3A_125, %get3A_126] : memref<32x112x128xf32, #tpu.memory_space<vmem>>, vector<1x112x128xf32>
    %get3A_128 = vector.shape_cast %get3A_127 : vector<1x112x128xf32> to vector<112x128xf32>
    %add3A_129 = arith.addf %add3A_117, %get3A_128 : vector<112x128xf32>
    %get3A_130 = arith.constant 11 : index
    %get3A_131 = arith.constant 0 : index
    %get3A_132 = arith.constant 0 : index
    %get3A_133 = vector.load %arg1[%get3A_130, %get3A_131, %get3A_132] : memref<32x112x128xf32, #tpu.memory_space<vmem>>, vector<1x112x128xf32>
    %get3A_134 = vector.shape_cast %get3A_133 : vector<1x112x128xf32> to vector<112x128xf32>
    %add3A_135 = arith.addf %add3A_123, %get3A_134 : vector<112x128xf32>
    %get3A_136 = arith.constant 27 : index
    %get3A_137 = arith.constant 0 : index
    %get3A_138 = arith.constant 0 : index
    %get3A_139 = vector.load %arg1[%get3A_136, %get3A_137, %get3A_138] : memref<32x112x128xf32, #tpu.memory_space<vmem>>, vector<1x112x128xf32>
    %get3A_140 = vector.shape_cast %get3A_139 : vector<1x112x128xf32> to vector<112x128xf32>
    %add3A_141 = arith.addf %add3A_129, %get3A_140 : vector<112x128xf32>
    %get3A_142 = arith.constant 12 : index
    %get3A_143 = arith.constant 0 : index
    %get3A_144 = arith.constant 0 : index
    %get3A_145 = vector.load %arg1[%get3A_142, %get3A_143, %get3A_144] : memref<32x112x128xf32, #tpu.memory_space<vmem>>, vector<1x112x128xf32>
    %get3A_146 = vector.shape_cast %get3A_145 : vector<1x112x128xf32> to vector<112x128xf32>
    %add3A_147 = arith.addf %add3A_135, %get3A_146 : vector<112x128xf32>
    %get3A_148 = arith.constant 28 : index
    %get3A_149 = arith.constant 0 : index
    %get3A_150 = arith.constant 0 : index
    %get3A_151 = vector.load %arg1[%get3A_148, %get3A_149, %get3A_150] : memref<32x112x128xf32, #tpu.memory_space<vmem>>, vector<1x112x128xf32>
    %get3A_152 = vector.shape_cast %get3A_151 : vector<1x112x128xf32> to vector<112x128xf32>
    %add3A_153 = arith.addf %add3A_141, %get3A_152 : vector<112x128xf32>
    %get3A_154 = arith.constant 13 : index
    %get3A_155 = arith.constant 0 : index
    %get3A_156 = arith.constant 0 : index
    %get3A_157 = vector.load %arg1[%get3A_154, %get3A_155, %get3A_156] : memref<32x112x128xf32, #tpu.memory_space<vmem>>, vector<1x112x128xf32>
    %get3A_158 = vector.shape_cast %get3A_157 : vector<1x112x128xf32> to vector<112x128xf32>
    %add3A_159 = arith.addf %add3A_147, %get3A_158 : vector<112x128xf32>
    %get3A_160 = arith.constant 29 : index
    %get3A_161 = arith.constant 0 : index
    %get3A_162 = arith.constant 0 : index
    %get3A_163 = vector.load %arg1[%get3A_160, %get3A_161, %get3A_162] : memref<32x112x128xf32, #tpu.memory_space<vmem>>, vector<1x112x128xf32>
    %get3A_164 = vector.shape_cast %get3A_163 : vector<1x112x128xf32> to vector<112x128xf32>
    %add3A_165 = arith.addf %add3A_153, %get3A_164 : vector<112x128xf32>
    %get3A_166 = arith.constant 14 : index
    %get3A_167 = arith.constant 0 : index
    %get3A_168 = arith.constant 0 : index
    %get3A_169 = vector.load %arg1[%get3A_166, %get3A_167, %get3A_168] : memref<32x112x128xf32, #tpu.memory_space<vmem>>, vector<1x112x128xf32>
    %get3A_170 = vector.shape_cast %get3A_169 : vector<1x112x128xf32> to vector<112x128xf32>
    %add3A_171 = arith.addf %add3A_159, %get3A_170 : vector<112x128xf32>
    %get3A_172 = arith.constant 30 : index
    %get3A_173 = arith.constant 0 : index
    %get3A_174 = arith.constant 0 : index
    %get3A_175 = vector.load %arg1[%get3A_172, %get3A_173, %get3A_174] : memref<32x112x128xf32, #tpu.memory_space<vmem>>, vector<1x112x128xf32>
    %get3A_176 = vector.shape_cast %get3A_175 : vector<1x112x128xf32> to vector<112x128xf32>
    %add3A_177 = arith.addf %add3A_165, %get3A_176 : vector<112x128xf32>
    %get3A_178 = arith.constant 15 : index
    %get3A_179 = arith.constant 0 : index
    %get3A_180 = arith.constant 0 : index
    %get3A_181 = vector.load %arg1[%get3A_178, %get3A_179, %get3A_180] : memref<32x112x128xf32, #tpu.memory_space<vmem>>, vector<1x112x128xf32>
    %get3A_182 = vector.shape_cast %get3A_181 : vector<1x112x128xf32> to vector<112x128xf32>
    %add3A_183 = arith.addf %add3A_171, %get3A_182 : vector<112x128xf32>
    %get3A_184 = arith.constant 31 : index
    %get3A_185 = arith.constant 0 : index
    %get3A_186 = arith.constant 0 : index
    %get3A_187 = vector.load %arg1[%get3A_184, %get3A_185, %get3A_186] : memref<32x112x128xf32, #tpu.memory_space<vmem>>, vector<1x112x128xf32>
    %get3A_188 = vector.shape_cast %get3A_187 : vector<1x112x128xf32> to vector<112x128xf32>
    %add3A_189 = arith.addf %add3A_177, %get3A_188 : vector<112x128xf32>
    %iota3A = tpu.iota {dimensions = array<i32: 0>} : vector<112x128xi32>
    %mul3A = arith.constant 128 : i32
    %mul3A_190 = vector.broadcast %mul3A : i32 to vector<112x128xi32>
    %mul3A_191 = arith.muli %iota3A, %mul3A_190 : vector<112x128xi32>
    %iota3A_192 = tpu.iota {dimensions = array<i32: 1>} : vector<112x128xi32>
    %add3A_193 = arith.addi %mul3A_191, %iota3A_192 : vector<112x128xi32>
    %mul3A_194 = arith.constant 14336 : i32
    %mul3A_195 = arith.muli %arg0, %mul3A_194 : i32
    %add3A_196 = vector.broadcast %mul3A_195 : i32 to vector<112x128xi32>
    %add3A_197 = arith.addi %add3A_193, %add3A_196 : vector<112x128xi32>
    %ge3A = arith.constant 1 : i32
    %ge3A_198 = vector.broadcast %ge3A : i32 to vector<112x128xi32>
    %ge3A_199 = arith.cmpi sge, %add3A_197, %ge3A_198 : vector<112x128xi32>
    %lt3A = arith.constant 100000 : i32
    %lt3A_200 = vector.broadcast %lt3A : i32 to vector<112x128xi32>
    %lt3A_201 = arith.cmpi slt, %add3A_197, %lt3A_200 : vector<112x128xi32>
    %and3A = arith.andi %ge3A_199, %lt3A_201 : vector<112x128xi1>
    %broadcast_in_dim3A = arith.constant 0.000000e+00 : f32
    %broadcast_in_dim3A_202 = vector.broadcast %broadcast_in_dim3A : f32 to vector<112x128xf32>
    %get3A_203 = arith.constant 0 : index
    %get3A_204 = memref.load %arg4[%get3A_203] : memref<4xf32, #tpu.memory_space<smem>>
    %sub3A = arith.constant 1.000000e+00 : f32
    %sub3A_205 = vector.broadcast %sub3A : f32 to vector<112x128xf32>
    %sub3A_206 = arith.subf %add3A_183, %sub3A_205 : vector<112x128xf32>
    %integer_pow3A = arith.mulf %sub3A_206, %sub3A_206 : vector<112x128xf32>
    %select_n3A = arith.select %and3A, %integer_pow3A, %broadcast_in_dim3A_202 : vector<112x128xi1>, vector<112x128xf32>
    %sub3A_207 = arith.constant 1.000000e+00 : f32
    %sub3A_208 = vector.broadcast %sub3A_207 : f32 to vector<112x128xf32>
    %sub3A_209 = arith.subf %add3A_189, %sub3A_208 : vector<112x128xf32>
    %integer_pow3A_210 = arith.mulf %sub3A_209, %sub3A_209 : vector<112x128xf32>
    %select_n3A_211 = arith.select %and3A, %integer_pow3A_210, %broadcast_in_dim3A_202 : vector<112x128xi1>, vector<112x128xf32>
    %add3A_212 = arith.addf %select_n3A, %select_n3A_211 : vector<112x128xf32>
    %reduce_sum3A = vector.shape_cast %add3A_212 : vector<112x128xf32> to vector<1x112x128xf32>
    %reduce_sum3A_213 = arith.constant dense<0.000000e+00> : vector<1xf32>
    %reduce_sum3A_214 = vector.multi_reduction <add>, %reduce_sum3A, %reduce_sum3A_213 [1, 2] : vector<1x112x128xf32> to vector<1xf32>
    %reduce_sum3A_215 = vector.shape_cast %reduce_sum3A_214 : vector<1xf32> to vector<1x1x1xf32>
    %reduce_sum3A_216 = vector.extract %reduce_sum3A_215[0, 0, 0] : f32 from vector<1x1x1xf32>
    %add3A_217 = arith.addf %get3A_204, %reduce_sum3A_216 : f32
    %swap3A = arith.constant 0 : index
    %swap3A_218 = memref.load %arg4[%swap3A] : memref<4xf32, #tpu.memory_space<smem>>
    memref.store %add3A_217, %arg4[%swap3A] : memref<4xf32, #tpu.memory_space<smem>>
    %sub3A_219 = arith.subf %add3A_183, %add3A_189 : vector<112x128xf32>
    %get3A_220 = arith.constant 1 : index
    %get3A_221 = memref.load %arg4[%get3A_220] : memref<4xf32, #tpu.memory_space<smem>>
    %mul3A_222 = arith.mulf %sub3A_219, %sub3A_219 : vector<112x128xf32>
    %reduce_sum3A_223 = vector.shape_cast %mul3A_222 : vector<112x128xf32> to vector<1x112x128xf32>
    %reduce_sum3A_224 = arith.constant dense<0.000000e+00> : vector<1xf32>
    %reduce_sum3A_225 = vector.multi_reduction <add>, %reduce_sum3A_223, %reduce_sum3A_224 [1, 2] : vector<1x112x128xf32> to vector<1xf32>
    %reduce_sum3A_226 = vector.shape_cast %reduce_sum3A_225 : vector<1xf32> to vector<1x1x1xf32>
    %reduce_sum3A_227 = vector.extract %reduce_sum3A_226[0, 0, 0] : f32 from vector<1x1x1xf32>
    %add3A_228 = arith.addf %get3A_221, %reduce_sum3A_227 : f32
    %swap3A_229 = arith.constant 1 : index
    %swap3A_230 = memref.load %arg4[%swap3A_229] : memref<4xf32, #tpu.memory_space<smem>>
    memref.store %add3A_228, %arg4[%swap3A_229] : memref<4xf32, #tpu.memory_space<smem>>
    %eq3A_231 = arith.constant 0 : i32
    %eq3A_232 = arith.cmpi eq, %arg0, %eq3A_231 : i32
    %convert_element_type3A_233 = arith.extui %eq3A_232 : i1 to i32
    %cond3A_234 = arith.constant 0 : i32
    %cond3A_235 = arith.cmpi ne, %convert_element_type3A_233, %cond3A_234 : i32
    scf.if %cond3A_235 {
      %slice3A = vector.extract_strided_slice %sub3A_219 {offsets = [0, 0], sizes = [1, 1], strides = [1, 1]} : vector<112x128xf32> to vector<1x1xf32>
      %squeeze3A = vector.extract %slice3A[0, 0] : f32 from vector<1x1xf32>
      %slice3A_241 = vector.extract_strided_slice %sub3A_219 {offsets = [0, 0], sizes = [1, 1], strides = [1, 1]} : vector<112x128xf32> to vector<1x1xf32>
      %squeeze3A_242 = vector.extract %slice3A_241[0, 0] : f32 from vector<1x1xf32>
      %mul3A_243 = arith.mulf %squeeze3A, %squeeze3A_242 : f32
      %swap3A_244 = arith.constant 2 : index
      %swap3A_245 = memref.load %arg4[%swap3A_244] : memref<4xf32, #tpu.memory_space<smem>>
      memref.store %mul3A_243, %arg4[%swap3A_244] : memref<4xf32, #tpu.memory_space<smem>>
    } else {
    }
    %eq3A_236 = arith.constant 6 : i32
    %eq3A_237 = arith.cmpi eq, %arg0, %eq3A_236 : i32
    %convert_element_type3A_238 = arith.extui %eq3A_237 : i1 to i32
    %cond3A_239 = arith.constant 0 : i32
    %cond3A_240 = arith.cmpi ne, %convert_element_type3A_238, %cond3A_239 : i32
    scf.if %cond3A_240 {
      %get3A_241 = arith.constant 0 : index
      %get3A_242 = memref.load %arg4[%get3A_241] : memref<4xf32, #tpu.memory_space<smem>>
      %mul3A_243 = arith.constant 5.000000e+00 : f32
      %mul3A_244 = arith.mulf %mul3A_243, %get3A_242 : f32
      %div3A = arith.constant 1.999980e+05 : f32
      %div3A_245 = arith.divf %mul3A_244, %div3A : f32
      %get3A_246 = arith.constant 1 : index
      %get3A_247 = memref.load %arg4[%get3A_246] : memref<4xf32, #tpu.memory_space<smem>>
      %mul3A_248 = arith.constant 3.000000e+00 : f32
      %mul3A_249 = arith.mulf %mul3A_248, %get3A_247 : f32
      %div3A_250 = arith.constant 1.000000e+05 : f32
      %div3A_251 = arith.divf %mul3A_249, %div3A_250 : f32
      %add3A_252 = arith.addf %div3A_245, %div3A_251 : f32
      %get3A_253 = arith.constant 2 : index
      %get3A_254 = memref.load %arg4[%get3A_253] : memref<4xf32, #tpu.memory_space<smem>>
      %mul3A_255 = arith.constant 2.000000e+00 : f32
      %mul3A_256 = arith.mulf %mul3A_255, %get3A_254 : f32
      %add3A_257 = arith.addf %add3A_252, %mul3A_256 : f32
      %get3A_258 = arith.constant 0 : index
      %get3A_259 = arith.constant 0 : index
      %get3A_260 = memref.load %arg2[%get3A_258, %get3A_259] : memref<1x1xf32, #tpu.memory_space<smem>>
      %mul3A_261 = arith.constant 3.000000e-01 : f32
      %mul3A_262 = arith.mulf %mul3A_261, %get3A_260 : f32
      %div3A_263 = arith.constant 3.200000e+06 : f32
      %div3A_264 = arith.divf %mul3A_262, %div3A_263 : f32
      %add3A_265 = arith.addf %add3A_257, %div3A_264 : f32
      %swap3A_266 = arith.constant 0 : index
      %swap3A_267 = arith.constant 0 : index
      %swap3A_268 = memref.load %arg3[%swap3A_266, %swap3A_267] : memref<1x1xf32, #tpu.memory_space<smem>>
      memref.store %add3A_265, %arg3[%swap3A_266, %swap3A_267] : memref<1x1xf32, #tpu.memory_space<smem>>
    } else {
    }
    return
  }
  func.func @transform_0(%arg0: i32) -> (i32, i32, i32) {
    %c0_i32 = arith.constant 0 : i32
    %c0_i32_0 = arith.constant 0 : i32
    %c0_i32_1 = arith.constant 0 : i32
    return %c0_i32, %arg0, %c0_i32_0 : i32, i32, i32
  }
  func.func @transform_1(%arg0: i32) -> (i32, i32) {
    %c0_i32 = arith.constant 0 : i32
    %c0_i32_0 = arith.constant 0 : i32
    %c0_i32_1 = arith.constant 0 : i32
    return %c0_i32, %c0_i32_0 : i32, i32
  }
  func.func @transform_2(%arg0: i32) -> (i32, i32) {
    %c0_i32 = arith.constant 0 : i32
    %c0_i32_0 = arith.constant 0 : i32
    %c0_i32_1 = arith.constant 0 : i32
    return %c0_i32, %c0_i32_0 : i32, i32
  }
}

</mosaic_0001>

<sc_bundles>
// kernel: kernel.5.cloned.1.call-start
scs
__scs_entry_jumppad:
0x0: {  	(pc) =	sbr.rel $0x88, $3  }
0x1: {  	(tag) =	ssettag $0x0;
	lr =	simm.s32 $0x1  }
0x2: {  	[smem:$0x3F9E] =	sst lr;
	_ =	strace $0xD0000000  }
0x3: {  	_ = 	snop  }
0x4: {  	_ = 	snop  }
0x5: {  	_ = 	snop  }
0x6: {  	_ = 	snop  }
0x7: {  	_ = 	snop  }
__scs_overlays_trampoline_lowered:
0x8: {  	[smem:$0x3FAD] =	sst s0  }
0x9: {  	[smem:$0x3FAE] =	sst s1  }
0xa: {  	[smem:$0x3FAF] =	sst s2  }
0xb: {  	[smem:$0x3FB0] =	sst s3  }
0xc: {  	[smem:$0x3FB1] =	sst s4  }
0xd: {  	[smem:$0x3FB2] =	sst s5  }
0xe: {  	[smem:$0x3FB3] =	sst s6  }
0xf: {  	[smem:$0x3FB4] =	sst s7  }
0x10: {  	[smem:$0x3FB5] =	sst s8  }
0x11: {  	[smem:$0x3FB6] =	sst s9;
	s0 =	simm.s32 @!p0 $0x0  }
0x12: {  	s1 =	sld [smem:$0x3F9C];
	s0 =	simm.s32 @p0 $0x1  }
0x13: {  	[smem:$0x3FB7] =	sst s0;
	s0 =	simm.s32 @!p1 $0x0  }
0x14: {  	s2 =	sld [smem:$0x3F9B];
	s0 =	simm.s32 @p1 $0x1  }
0x15: {  	[smem:$0x3FB8] =	sst s0;
	s0 =	simm.s32 @!p2 $0x0  }
0x16: {  	s3 =	sld [smem:$0x3FDB];
	s0 =	simm.s32 @p2 $0x1  }
0x17: {  	s4 =	simm.s32 $0x1BF5;
	[smem:$0x3FBA] =	sst s0  }
0x18: {  	s0 =	sld [smem:$0x3F9D];
	_ =	swait.ge [sflag:s4], $0x0  }
0x19: {  	s7 =	sld [smem:$0x3F9E]  }
0x1a: {  	s8 =	sadd.s32 $0xFFFFE003, lr  }
0x1b: {  	s9 =	sadd.s32 $0xFFFFFEF7, lr;
	s5 =	simm.s32 $0xFFFFFFFF;
	p2 =	slt.u32 s8, $0xFFFFF086  }
0x1c: {  	p1 =	slt.u32 s9, $0xF7A;
	s5 =	simm.s32 @!p2 $0x0  }
0x1d: {  	s5 =	simm.s32 @p1 $0x1;
	p0 =	seq.s32 s7, s2  }
0x1e: {  	s7 =	smul.u32 @!p0 $0xF7A, s2;
	p2 =	seq.s32 @!p0 s5, $0x0  }
0x1f: {  	s9 =	smul.u32 $0xF7A, s1;
	s8 =	simm.s32 @!p0 $0x1BF5;
	p2 =	por !p2, p0  }
0x20: {  	[sflag:s8] =	ssyncset.s32 @!p0 $0xFFFFF086;
	s6 =	sadd.s32 @!p0 s3, s7;
	s7 =	simm.s32 @!p0 $0x108  }
0x21: {  	s3 =	sadd.s32 s3, s9;
	s6 =	sadd.s32 @!p0 $0x88, s6;
	s7 =	simm.s32 @p2 $0x1082  }
0x22: {  	[simem:s7], [sflag:s8] =	dma.local @!p0 [hbm:s6], $0xF7A  }
0x23: {  	s9 =	sor.u32 $0xD0000000, s2;
	s6 =	simm.s32 $0x108;
	_ =	swait.ge @!p0 [sflag:s8], $0x0  }
0x24: {  	s3 =	sadd.s32 $0x88, s3;
	s6 =	simm.s32 @!p1 $0x1082;
	[sflag:s4] =	ssyncset.s32 $0xFFFFF086  }
0x25: {  	[simem:s6], [sflag:s4] =	dma.local [hbm:s3], $0xF7A  }
0x26: {  	[smem:$0x3F9E] =	sst s1;
	(tag) =	ssettag s2;
	_ =	strace s9  }
0x27: {  	s1 =	sld [smem:$0x3FAE]  }
0x28: {  	s2 =	sld [smem:$0x3FAF]  }
0x29: {  	s4 =	sld [smem:$0x3FB1]  }
0x2a: {  	p0 =	seq.s32 s5, $0x0;
	s5 =	sld [smem:$0x3FB2]  }
0x2b: {  	s6 =	sld [smem:$0x3FB3]  }
0x2c: {  	s7 =	sld [smem:$0x3FB4]  }
0x2d: {  	s3 =	simm.s32 $0x108;
	s8 =	sld [smem:$0x3FB5]  }
0x2e: {  	s3 =	simm.s32 @!p0 $0x1082;
	s9 =	sld [smem:$0x3FB6]  }
0x2f: {  	lr =	sadd.s32 s0, s3;
	s0 =	sld [smem:$0x3FAD]  }
0x30: {  	s3 =	sld [smem:$0x3FB0]  }
0x31: {  	[smem:$0x3FB9] =	sst s10  }
0x32: {  	s10 =	sld [smem:$0x3FB7];
	_ =	sdelay $0x3  }
0x33: {  	p0 =	seq.s32 s10, $0x1;
	s10 =	sld [smem:$0x3FB9];
	_ =	sdelay $0x3  }
0x34: {  	[smem:$0x3FB9] =	sst s10  }
0x35: {  	s10 =	sld [smem:$0x3FB8];
	_ =	sdelay $0x3  }
0x36: {  	p1 =	seq.s32 s10, $0x1;
	s10 =	sld [smem:$0x3FB9];
	_ =	sdelay $0x3  }
0x37: {  	[smem:$0x3FB9] =	sst s10  }
0x38: {  	s10 =	sld [smem:$0x3FBA]  }
0x39: {  	_ = 	snop;
	(pc) =	sbr.ind lr, $3  }
0x3a: {  	_ = 	snop  }
0x3b: {  	_ = 	snop  }
0x3c: {  	p2 =	seq.s32 s10, $0x1;
	s10 =	sld [smem:$0x3FB9]  }
0x3d: {  	_ =	shalt  }
0x3e: {  	_ =	shalt  }
0x3f: {  	_ =	shalt  }
0x40: {  	_ =	shalt  }
0x41: {  	_ =	shalt  }
0x42: {  	_ =	shalt  }
0x43: {  	_ =	shalt  }
0x44: {  	_ =	shalt  }
0x45: {  	_ =	shalt  }
0x46: {  	_ =	shalt  }
0x47: {  	_ =	shalt  }
0x48: {  	_ =	shalt  }
0x49: {  	_ =	shalt  }
0x4a: {  	_ =	shalt  }
0x4b: {  	_ =	shalt  }
0x4c: {  	_ =	shalt  }
0x4d: {  	_ =	shalt  }
0x4e: {  	_ =	shalt  }
0x4f: {  	_ =	shalt  }
0x50: {  	_ =	shalt  }
0x51: {  	_ =	shalt  }
0x52: {  	_ =	shalt  }
0x53: {  	_ =	shalt  }
0x54: {  	_ =	shalt  }
0x55: {  	_ =	shalt  }
0x56: {  	_ =	shalt  }
0x57: {  	_ =	shalt  }
0x58: {  	_ =	shalt  }
0x59: {  	_ =	shalt  }
0x5a: {  	_ =	shalt  }
0x5b: {  	_ =	shalt  }
0x5c: {  	_ =	shalt  }
0x5d: {  	_ =	shalt  }
0x5e: {  	_ =	shalt  }
0x5f: {  	_ =	shalt  }
0x60: {  	_ =	shalt  }
0x61: {  	_ =	shalt  }
0x62: {  	_ =	shalt  }
0x63: {  	_ =	shalt  }
0x64: {  	_ =	shalt  }
0x65: {  	_ =	shalt  }
0x66: {  	_ =	shalt  }
0x67: {  	_ =	shalt  }
0x68: {  	_ =	shalt  }
0x69: {  	_ =	shalt  }
0x6a: {  	_ =	shalt  }
0x6b: {  	_ =	shalt  }
0x6c: {  	_ =	shalt  }
0x6d: {  	_ =	shalt  }
0x6e: {  	_ =	shalt  }
0x6f: {  	_ =	shalt  }
0x70: {  	_ =	shalt  }
0x71: {  	_ =	shalt  }
0x72: {  	_ =	shalt  }
0x73: {  	_ =	shalt  }
0x74: {  	_ =	shalt  }
0x75: {  	_ =	shalt  }
0x76: {  	_ =	shalt  }
0x77: {  	_ =	shalt  }
0x78: {  	_ =	shalt  }
0x79: {  	_ =	shalt  }
0x7a: {  	_ =	shalt  }
0x7b: {  	_ =	shalt  }
0x7c: {  	_ =	shalt  }
0x7d: {  	_ =	shalt  }
0x7e: {  	_ =	shalt  }
0x7f: {  	_ =	shalt  }
0x80: {  	_ =	shalt  }
0x81: {  	_ =	shalt  }
0x82: {  	_ =	shalt  }
0x83: {  	_ =	shalt  }
0x84: {  	_ =	shalt  }
0x85: {  	_ =	shalt  }
0x86: {  	_ =	shalt  }
0x87: {  	_ =	shalt  }
.Lfunc_end0:
.L_simem_size_0:
called_computation_lowered:
.L_overlay_start_0:
0x88: {  	s2 =	sld [smem:$0x3FD9]  }
0x89: {  	s3 =	sld [smem:$0x3FFE];
	_ =	sdelay $0x1  }
0x8a: {  	s1 =	srdreg.scid  }
0x8b: {  	s0 =	sand.u32 $0x1, s1  }
0x8c: {  	s17 =	sshll.u32 s0, $0xA;
	s2 =	sadd.s32 s3, s2  }
0x8d: {  	s2 =	sadd.s32 s2, s17  }
0x8e: {  	[smem:$0x3FC5] =	sst s2  }
0x8f: {  	_ = 	snop  }
0x90: {  	s2 =	sld [smem:$0x3FC8];
	(tm) =	ssettm $0x1  }
0x91: {  	s18 =	sld [smem:$0x3FFB];
	_ =	sdelay $0x3  }
0x92: {  	_ =	strace s18  }
0x93: {  	s3 =	sld [smem:$0x3FFC];
	_ =	sdelay $0x3  }
0x94: {  	_ =	strace s3  }
0x95: {  	s3 =	sld [smem:$0x3FFD];
	_ =	sdelay $0x3  }
0x96: {  	_ =	strace s3  }
0x97: {  	_ =	strace $0x8FFFFFFF  }
0x98: {  	s19 =	sld [smem:$0x3FDB];
	_ =	sdelay $0x1  }
0x99: {  	s4 =	simm.s32 $_scs_section_size  }
0x9a: {  	s5 =	simm.s32 $_size__tile_overlayer_lowered;
	s6 =	simm.s32 $_tile_overlayer_lowered  }
0x9b: {  	s22 =	simm.s32 $0x1BFF;
	s21 =	sshll.u32 s6, $0x1;
	s3 =	sadd.s32 s4, s19  }
0x9c: {  	s7 =	simm.s32 $0x0;
	s20 =	sshll.u32 s5, $0x1;
	s5 =	sadd.s32 s21, s3  }
0x9d: {  	[timem:s7], [sflag:s22] =	dma.local [hbm:s5], s20  }
0x9e: {  	_ =	swait.ge [sflag:s22], s20  }
0x9f: {  	s4 =	ssub.s32 $0x0, s20;
	[sflag:s22] =	ssyncset.done $0x0  }
0xa0: {  	[sflag:s22] =	ssyncadd.s32 s4;
	_ =	sdelay $0x1  }
0xa1: {  	s23 =	simm.s32 $0x1B8B  }
0xa2: {  	_ =	swait.ge [sflag:s23], $0x1  }
0xa3: {  	[sflag:s23] =	ssyncset.done $0x0  }
0xa4: {  	s25 =	simm.s32 $0x1B8E;
	s24 =	sld [smem:$0x3FFE];
	[sflag:s23] =	ssyncadd.s32 $0xFFFFFFFF  }
0xa5: {  	s26 =	simm.s32 $execute0_lowered;
	[smem:$0x3FD2] =	sst s25  }
0xa6: {  	s5 =	sshll.u32 s26, $0x1;
	_ =	strace $0x80000046;
	[dreg:$0x1] =	wrdreg $0xFFFFFFFF  }
0xa7: {  	s28 =	simm.s32 $_size_execute0_lowered;
	s3 =	sadd.s32 s3, s5;
	[dreg:$0x0] =	wrdreg $0x0  }
0xa8: {  	s5 =	sshll.u32 s28, $0x1;
	[dreg:$0x2] =	wrdreg s3  }
0xa9: {  	[dreg:$0x3] =	wrdreg s5  }
0xaa: {  	[dreg:$0x4] =	wrdreg $0xC0  }
0xab: {  	_ =	task [dreg:s7], $0x5FFFF  }
0xac: {  	[dreg:$0x1] =	wrdreg $0xFFFFFFFF  }
0xad: {  	[dreg:$0x0] =	wrdreg $0x60  }
0xae: {  	[dreg:$0x2] =	wrdreg s24  }
0xaf: {  	[dreg:$0x3] =	wrdreg s2  }
0xb0: {  	[dreg:$0x4] =	wrdreg $0x9  }
0xb1: {  	_ =	task.clear_ibuf [dreg:s7], $0x5FFFF;
	_ =	strace $0x90000046  }
0xb2: {  	s29 =	simm.s32 $0x9;
	_ =	strace $0x80000048  }
0xb3: {  	_ =	swait.ge [sflag:s29], $0x1  }
0xb4: {  	[sflag:s29] =	ssyncadd.s32 $0xFFFFFFFF  }
0xb5: {  	_ =	strace $0x90000048  }
0xb6: {  	_ =	sfence  }
0xb7: {  	s30 =	sld [smem:$0x0];
	_ =	sdelay $0x2  }
0xb8: {  	s31 =	sshll.u32 s1, $0xD;
	s1 =	sshrl.u32 s1, $0x2  }
0xb9: {  	s3 =	sand.u32 $0x4000, s31;
	s1 =	sadd.s32 s1, s30  }
0xba: {  	s0 =	sor.u32 s3, s0;
	s1 =	sshll.u32 s1, $0x11  }
0xbb: {  	s0 =	sor.u32 s1, s0  }
0xbc: {  	s0 =	sadd.s32 $0x8F2B, s0  }
0xbd: {  	[sflag:s0] =	ssyncadd.remote.s32 $0x1  }
0xbe: {  	_ =	sfence.sel $0xFFFF  }
0xbf: {  	[dreg:$0x0] =	wrdreg $0xFFFFFFFF;
	(pc) =	sbr.abs _section_cstart, $3  }
0xc0: {  	[dreg:$0x1] =	wrdreg $0xFFFFFFFF  }
0xc1: {  	_ =	task.clear_ibuf [dreg:s7], $0x2FFFF;
	_ =	strace $0x9FFFFFFF  }
0xc2: {  	(tm) =	ssettm $0x7FFFFFFF  }
0xc3: {  	_ =	shalt  }
tec
execute0_lowered:
.L_overlay_start_1:
0x0: {  	(tag) =	ssettag $0x1  }
0x1: {  	s0 =	srdreg.scid;
	s5 =	rddreg [dreg:$0x0]  }
0x2: {  	s2 =	rddreg [dreg:$0x1];
	s1 =	stileid.u32;
	s3 =	simm.s32 $0x0  }
0x3: {  	s16 =	simm.s32 $0x100;
	s17 =	simm.s32 $0x1B000;
	s18 =	simm.s32 $0x2  }
0x4: {  	s19 =	simm.s32 $0x3;
	s7 =	sand.u32 $0x1, s0;
	s0 =	rddreg [dreg:$0x2]  }
0x5: {  	s20 =	simm.s32 $0x0;
	[smem:$0x7FF] =	sst s3;
	s4 =	sshll.u32 s7, $0x4  }
0x6: {  	s8 =	smul.u32 $0x271, s1;
	s26 =	ssub.s32 $0x2, s7;
	s4 =	sor.u32 s1, s4  }
0x7: {  	_ =	strace $0x80000047;
	s9 =	sshrl.u32 s26, $0x1;
	s6 =	smul.u32 $0x3100, s4  }
0x8: {  	s29 =	sshll.u32 s7, $0x7;
	s4 =	sadd.s32 $0xC00, s5;
	s13 =	ssub.s32 s26, s9  }
0x9: {  	s12 =	sadd.s32 s6, s5;
	s5 =	sshrl.u32 s8, $0x4;
	s8 =	sadd.s32 $0x271, s8  }
0xa: {  	s13 =	smax.u32 s13, $0x1;
	s6 =	sshrl.u32 s8, $0x4;
	s28 =	smul.u32 $0x280, s5  }
0xb: {  	s10 =	smul.u32 $0x2800, s5;
	s8 =	sxor.u32 $0x80, s29;
	s11 =	ssub.s32 s6, s5  }
0xc: {  	s12 =	sadd.s32 $0x62800, s12;
	s7 =	sadd.s32 s4, s28;
	s30 =	sadd.s32 $0x1, s11  }
0xd: {  	s10 =	sor.u32 s8, s10;
	s14 =	sand.u32 $0x8000, s30;
	s15 =	sand.u32 $0x1, s30  }
0xe: {  	p0 =	slt.s32 s11, $0x0;
	s14 =	sshrl.u32 s14, $0xF;
	p1 =	seq.s32 s15, $0x1  }
.Ltmp0:
0xf: {  	s9 =	sadd.s32 s14, s30;
	p0 =	por !p0, !p1;
	(pc) =	sbr.rel .LBB2_1-.Ltmp0, $4  }
0x10: {  	s14 =	simm.s32 $0x1;
	s31 =	sshll.u32 s9, $0x10;
	p0 =	por !p0, !p0  }
0x11: {  	s10 =	sshrl.u32 s10, $0x3;
	s11 =	sshra.s32 s31, $0x11;
	s14 =	simm.s32 @!p0 $0x0  }
0x12: {  	s15 =	simm.s32 $0x80;
	s9 =	sadd.s32 s2, s10;
	s11 =	ssub.s32 s11, s14  }
0x13: {  	v0 =	vimm.f32 $0.0e+00;
	s10 =	simm.s32 $0x1;
	s14 =	simm.s32 $0x18800;
	p0 =	slt.s32 s11, $0x1  }
.LBB2_10:
0x14: {  	s20 =	sadd.s32 $0x1, s20  }
0x15: {  	p1 =	sne.s32 s20, s13  }
.Ltmp1:
0x16: {  	_ = 	snop;
	(pc) =	sbr.rel @!p1 .LBB2_11-.Ltmp1, $4  }
0x17: {  	[hbm4b:s12+s3] =	stream.linear.scatter [tilespmem:s3], [sflag:$0x3], $0x18800, $0x38;
	[tilespmem:$0x1D800] =	vst v63  }
0x18: {  	_ =	swait.ge [sflag:s19], $0x18800  }
0x19: {  	[sflag:s19] =	ssyncset.done $0x0  }
0x1a: {  	[sflag:s19] =	ssyncadd.s32 $0xFFFE7800  }
.LBB2_1:
0x1b: {  	[tilespmem:s15+$0xFFFFFF80] =	vst v0  }
0x1c: {  	[tilespmem:s15+$0x70] =	vst v0  }
0x1d: {  	[tilespmem:s15+$0x60] =	vst v0  }
0x1e: {  	[tilespmem:s15+$0x50] =	vst v0  }
0x1f: {  	[tilespmem:s15+$0x40] =	vst v0  }
0x20: {  	[tilespmem:s15+$0x30] =	vst v0  }
0x21: {  	[tilespmem:s15+$0x20] =	vst v0  }
0x22: {  	[tilespmem:s15+$0x10] =	vst v0  }
0x23: {  	[tilespmem:s15+$0x0] =	vst v0  }
0x24: {  	[tilespmem:s15+$0xFFFFFFF0] =	vst v0  }
0x25: {  	[tilespmem:s15+$0xFFFFFFE0] =	vst v0  }
0x26: {  	[tilespmem:s15+$0xFFFFFFD0] =	vst v0  }
0x27: {  	[tilespmem:s15+$0xFFFFFFC0] =	vst v0  }
0x28: {  	[tilespmem:s15+$0xFFFFFFB0] =	vst v0  }
0x29: {  	s21 =	simm.s32 $0x0;
	[tilespmem:s15+$0xFFFFFFA0] =	vst v0;
	s22 =	simm.s32 $0x80  }
.LBB2_2:
0x2a: {  	s21 =	sadd.s32 $0x10, s21;
	[tilespmem:s22+$0xFFFFFF90] =	vst v0;
	s22 =	sadd.s32 $0x100, s22  }
0x2b: {  	[tilespmem:s22+$0xFFFFFF80] =	vst v0;
	p1 =	slt.u32 s21, $0x1870  }
0x2c: {  	[tilespmem:s22+$0x70] =	vst v0  }
0x2d: {  	[tilespmem:s22+$0x60] =	vst v0  }
0x2e: {  	[tilespmem:s22+$0x50] =	vst v0  }
0x2f: {  	[tilespmem:s22+$0x40] =	vst v0  }
0x30: {  	[tilespmem:s22+$0x30] =	vst v0  }
0x31: {  	[tilespmem:s22+$0x20] =	vst v0  }
0x32: {  	[tilespmem:s22+$0x10] =	vst v0  }
0x33: {  	[tilespmem:s22+$0x0] =	vst v0  }
0x34: {  	[tilespmem:s22+$0xFFFFFFF0] =	vst v0  }
.Ltmp2:
0x35: {  	[tilespmem:s22+$0xFFFFFFE0] =	vst v0;
	(pc) =	sbr.rel @p1 .LBB2_2-.Ltmp2, $4  }
0x36: {  	[tilespmem:s22+$0xFFFFFFD0] =	vst v0  }
0x37: {  	[tilespmem:s22+$0xFFFFFFC0] =	vst v0  }
0x38: {  	[tilespmem:s22+$0xFFFFFFB0] =	vst v0  }
0x39: {  	[tilespmem:s22+$0xFFFFFFA0] =	vst v0  }
.Ltmp3:
0x3a: {  	(pc) =	sbr.rel @!p0 .LBB2_4-.Ltmp3, $4  }
.Ltmp4:
0x3b: {  	[tilespmem:s22+$0xFFFFFF90] =	vst v0;
	s21 =	simm.s32 $0x0;
	(pc) =	sbr.rel @p0 .LBB2_10-.Ltmp4, $4  }
0x3c: {  	[tilespmem:s14], [sflag:$0x1] =	stream.linear.gather [hbm4b:s7+s21], $0x1400, $0x38;
	[tilespmem:$0x1D800] =	vst v63  }
0x3d: {  	_ = 	snop  }
0x3e: {  	[tilespmem:s17], [sflag:$0x1] =	stream.strided.gather [hbm4b:s9+s15], $0x1400, s16, s15, $0x38;
	[tilespmem:$0x1D800] =	vst v63  }
0x3f: {  	_ = 	snop  }
.LBB2_9:
0x40: {  	s21 =	sadd.s32 $0x1, s21  }
0x41: {  	p1 =	sne.s32 s21, s11  }
.Ltmp5:
0x42: {  	_ = 	snop;
	(pc) =	sbr.rel @!p1 .LBB2_10-.Ltmp5, $1  }
0x43: {  	_ =	sdelay $0x3  }
.LBB2_4:
0x44: {  	s22 =	sshll.u32 s21, $0x1  }
0x45: {  	s22 =	sadd.s32 s5, s22  }
0x46: {  	s23 =	sadd.s32 $0x1, s22  }
0x47: {  	p1 =	sge.u32 s23, s6  }
0x48: {  	s24 =	smul.u32 @!p1 $0x280, s23  }
0x49: {  	s23 =	smul.u32 @!p1 $0x2800, s23  }
0x4a: {  	s25 =	simm.s32 @!p1 $0x0  }
0x4b: {  	s26 =	simm.s32 @!p1 $0x19C00;
	s24 =	sadd.s32 @!p1 s4, s24;
	s23 =	sor.u32 @!p1 s8, s23  }
0x4c: {  	[tilespmem:s26], [sflag:$0x2] =	stream.linear.gather @!p1 [hbm4b:s24+s25], $0x1400, $0x38;
	[tilespmem:$0x1D800] =	vst v63  }
0x4d: {  	s23 =	sshrl.u32 @!p1 s23, $0x3;
	s24 =	simm.s32 @!p1 $0x80  }
0x4e: {  	s25 =	simm.s32 @!p1 $0x100;
	s26 =	simm.s32 @!p1 $0x1C400;
	s23 =	sadd.s32 @!p1 s2, s23  }
0x4f: {  	[tilespmem:s26], [sflag:$0x2] =	stream.strided.gather @!p1 [hbm4b:s23+s24], $0x1400, s25, s24, $0x38;
	[tilespmem:$0x1D800] =	vst v63  }
0x50: {  	_ =	swait.ge [sflag:s10], $0x1400  }
0x51: {  	[sflag:s10] =	ssyncset.done $0x0  }
0x52: {  	[sflag:s10] =	ssyncadd.s32 $0xFFFFEC00  }
0x53: {  	_ =	swait.ge [sflag:s10], $0x1400  }
0x54: {  	s23 =	simm.s32 $0xFFFFFFFC;
	[sflag:s10] =	ssyncset.done $0x0  }
0x55: {  	s24 =	simm.s32 $0x18900;
	s25 =	simm.s32 $0x1B100;
	[sflag:s10] =	ssyncadd.s32 $0xFFFFEC00  }
.LBB2_5:
0x56: {  	v1 =	vld [tilespmem:s25+$0xFFFFFF00];
	_ =	sdelay $0x2  }
0x57: {  	v2 =	vld [tilespmem:s24+$0xFFFFFF00];
	_ =	sdelay $0x4  }
0x58: {  	[tilespmem:v1+s3+$0x0] =	vst.idx.add.f32.msk $0xffff, v2  }
0x59: {  	v1 =	vld [tilespmem:s25+$0xFFFFFF10];
	_ =	sdelay $0x2  }
0x5a: {  	v2 =	vld [tilespmem:s24+$0xFFFFFF10];
	_ =	sdelay $0x4  }
0x5b: {  	[tilespmem:v1+s3+$0x0] =	vst.idx.add.f32.msk $0xffff, v2  }
0x5c: {  	v1 =	vld [tilespmem:s25+$0xFFFFFF20];
	_ =	sdelay $0x2  }
0x5d: {  	v2 =	vld [tilespmem:s24+$0xFFFFFF20];
	_ =	sdelay $0x4  }
0x5e: {  	[tilespmem:v1+s3+$0x0] =	vst.idx.add.f32.msk $0xffff, v2  }
0x5f: {  	v1 =	vld [tilespmem:s25+$0xFFFFFF30];
	_ =	sdelay $0x2  }
0x60: {  	v2 =	vld [tilespmem:s24+$0xFFFFFF30];
	_ =	sdelay $0x4  }
0x61: {  	[tilespmem:v1+s3+$0x0] =	vst.idx.add.f32.msk $0xffff, v2  }
0x62: {  	v1 =	vld [tilespmem:s25+$0xFFFFFF40];
	_ =	sdelay $0x2  }
0x63: {  	v2 =	vld [tilespmem:s24+$0xFFFFFF40];
	_ =	sdelay $0x4  }
0x64: {  	[tilespmem:v1+s3+$0x0] =	vst.idx.add.f32.msk $0xffff, v2  }
0x65: {  	v1 =	vld [tilespmem:s25+$0xFFFFFF50];
	_ =	sdelay $0x2  }
0x66: {  	v2 =	vld [tilespmem:s24+$0xFFFFFF50];
	_ =	sdelay $0x4  }
0x67: {  	[tilespmem:v1+s3+$0x0] =	vst.idx.add.f32.msk $0xffff, v2  }
0x68: {  	v1 =	vld [tilespmem:s25+$0xFFFFFF60];
	_ =	sdelay $0x2  }
0x69: {  	v2 =	vld [tilespmem:s24+$0xFFFFFF60];
	_ =	sdelay $0x4  }
0x6a: {  	[tilespmem:v1+s3+$0x0] =	vst.idx.add.f32.msk $0xffff, v2  }
0x6b: {  	v1 =	vld [tilespmem:s25+$0xFFFFFF70];
	_ =	sdelay $0x2  }
0x6c: {  	v2 =	vld [tilespmem:s24+$0xFFFFFF70];
	_ =	sdelay $0x4  }
0x6d: {  	[tilespmem:v1+s3+$0x0] =	vst.idx.add.f32.msk $0xffff, v2  }
0x6e: {  	v1 =	vld [tilespmem:s25+$0xFFFFFF80];
	_ =	sdelay $0x2  }
0x6f: {  	v2 =	vld [tilespmem:s24+$0xFFFFFF80];
	_ =	sdelay $0x4  }
0x70: {  	[tilespmem:v1+s3+$0x0] =	vst.idx.add.f32.msk $0xffff, v2  }
0x71: {  	v1 =	vld [tilespmem:s25+$0xFFFFFF90];
	_ =	sdelay $0x2  }
0x72: {  	v2 =	vld [tilespmem:s24+$0xFFFFFF90];
	_ =	sdelay $0x4  }
0x73: {  	[tilespmem:v1+s3+$0x0] =	vst.idx.add.f32.msk $0xffff, v2  }
0x74: {  	v1 =	vld [tilespmem:s25+$0xFFFFFFA0];
	_ =	sdelay $0x2  }
0x75: {  	v2 =	vld [tilespmem:s24+$0xFFFFFFA0];
	_ =	sdelay $0x4  }
0x76: {  	[tilespmem:v1+s3+$0x0] =	vst.idx.add.f32.msk $0xffff, v2  }
0x77: {  	v1 =	vld [tilespmem:s25+$0xFFFFFFB0];
	_ =	sdelay $0x2  }
0x78: {  	v2 =	vld [tilespmem:s24+$0xFFFFFFB0];
	_ =	sdelay $0x4  }
0x79: {  	[tilespmem:v1+s3+$0x0] =	vst.idx.add.f32.msk $0xffff, v2  }
0x7a: {  	v1 =	vld [tilespmem:s25+$0xFFFFFFC0];
	_ =	sdelay $0x2  }
0x7b: {  	v2 =	vld [tilespmem:s24+$0xFFFFFFC0];
	_ =	sdelay $0x4  }
0x7c: {  	[tilespmem:v1+s3+$0x0] =	vst.idx.add.f32.msk $0xffff, v2  }
0x7d: {  	v1 =	vld [tilespmem:s25+$0xFFFFFFD0];
	_ =	sdelay $0x2  }
0x7e: {  	v2 =	vld [tilespmem:s24+$0xFFFFFFD0];
	_ =	sdelay $0x4  }
0x7f: {  	[tilespmem:v1+s3+$0x0] =	vst.idx.add.f32.msk $0xffff, v2  }
0x80: {  	v1 =	vld [tilespmem:s25+$0xFFFFFFE0];
	_ =	sdelay $0x2  }
0x81: {  	v2 =	vld [tilespmem:s24+$0xFFFFFFE0];
	_ =	sdelay $0x4  }
0x82: {  	[tilespmem:v1+s3+$0x0] =	vst.idx.add.f32.msk $0xffff, v2  }
0x83: {  	v1 =	vld [tilespmem:s25+$0xFFFFFFF0];
	_ =	sdelay $0x2  }
0x84: {  	v2 =	vld [tilespmem:s24+$0xFFFFFFF0];
	_ =	sdelay $0x4  }
0x85: {  	[tilespmem:v1+s3+$0x0] =	vst.idx.add.f32.msk $0xffff, v2  }
0x86: {  	v1 =	vld [tilespmem:s25+$0x0];
	_ =	sdelay $0x2  }
0x87: {  	v2 =	vld [tilespmem:s24+$0x0];
	_ =	sdelay $0x4  }
0x88: {  	[tilespmem:v1+s3+$0x0] =	vst.idx.add.f32.msk $0xffff, v2  }
0x89: {  	v1 =	vld [tilespmem:s25+$0x10];
	_ =	sdelay $0x2  }
0x8a: {  	v2 =	vld [tilespmem:s24+$0x10];
	_ =	sdelay $0x4  }
0x8b: {  	[tilespmem:v1+s3+$0x0] =	vst.idx.add.f32.msk $0xffff, v2  }
0x8c: {  	v1 =	vld [tilespmem:s25+$0x20];
	_ =	sdelay $0x2  }
0x8d: {  	v2 =	vld [tilespmem:s24+$0x20];
	_ =	sdelay $0x4  }
0x8e: {  	[tilespmem:v1+s3+$0x0] =	vst.idx.add.f32.msk $0xffff, v2  }
0x8f: {  	v1 =	vld [tilespmem:s25+$0x30];
	_ =	sdelay $0x2  }
0x90: {  	v2 =	vld [tilespmem:s24+$0x30];
	_ =	sdelay $0x4  }
0x91: {  	[tilespmem:v1+s3+$0x0] =	vst.idx.add.f32.msk $0xffff, v2  }
0x92: {  	v1 =	vld [tilespmem:s25+$0x40];
	_ =	sdelay $0x2  }
0x93: {  	v2 =	vld [tilespmem:s24+$0x40];
	_ =	sdelay $0x4  }
0x94: {  	[tilespmem:v1+s3+$0x0] =	vst.idx.add.f32.msk $0xffff, v2  }
0x95: {  	v1 =	vld [tilespmem:s25+$0x50];
	_ =	sdelay $0x2  }
0x96: {  	v2 =	vld [tilespmem:s24+$0x50];
	_ =	sdelay $0x4  }
0x97: {  	[tilespmem:v1+s3+$0x0] =	vst.idx.add.f32.msk $0xffff, v2  }
0x98: {  	v1 =	vld [tilespmem:s25+$0x60];
	_ =	sdelay $0x2  }
0x99: {  	v2 =	vld [tilespmem:s24+$0x60];
	_ =	sdelay $0x4  }
0x9a: {  	[tilespmem:v1+s3+$0x0] =	vst.idx.add.f32.msk $0xffff, v2  }
0x9b: {  	v1 =	vld [tilespmem:s25+$0x70];
	_ =	sdelay $0x2  }
0x9c: {  	v2 =	vld [tilespmem:s24+$0x70];
	_ =	sdelay $0x4  }
0x9d: {  	[tilespmem:v1+s3+$0x0] =	vst.idx.add.f32.msk $0xffff, v2  }
0x9e: {  	v1 =	vld [tilespmem:s25+$0x80];
	_ =	sdelay $0x2  }
0x9f: {  	v2 =	vld [tilespmem:s24+$0x80];
	_ =	sdelay $0x4  }
0xa0: {  	[tilespmem:v1+s3+$0x0] =	vst.idx.add.f32.msk $0xffff, v2  }
0xa1: {  	v1 =	vld [tilespmem:s25+$0x90];
	_ =	sdelay $0x2  }
0xa2: {  	v2 =	vld [tilespmem:s24+$0x90];
	_ =	sdelay $0x4  }
0xa3: {  	[tilespmem:v1+s3+$0x0] =	vst.idx.add.f32.msk $0xffff, v2  }
0xa4: {  	v1 =	vld [tilespmem:s25+$0xA0];
	_ =	sdelay $0x2  }
0xa5: {  	v2 =	vld [tilespmem:s24+$0xA0];
	_ =	sdelay $0x4  }
0xa6: {  	[tilespmem:v1+s3+$0x0] =	vst.idx.add.f32.msk $0xffff, v2  }
0xa7: {  	v1 =	vld [tilespmem:s25+$0xB0];
	_ =	sdelay $0x2  }
0xa8: {  	v2 =	vld [tilespmem:s24+$0xB0];
	_ =	sdelay $0x4  }
0xa9: {  	[tilespmem:v1+s3+$0x0] =	vst.idx.add.f32.msk $0xffff, v2  }
0xaa: {  	v1 =	vld [tilespmem:s25+$0xC0];
	_ =	sdelay $0x2  }
0xab: {  	v2 =	vld [tilespmem:s24+$0xC0];
	_ =	sdelay $0x4  }
0xac: {  	[tilespmem:v1+s3+$0x0] =	vst.idx.add.f32.msk $0xffff, v2  }
0xad: {  	v1 =	vld [tilespmem:s25+$0xD0];
	_ =	sdelay $0x2  }
0xae: {  	v2 =	vld [tilespmem:s24+$0xD0];
	_ =	sdelay $0x4  }
0xaf: {  	[tilespmem:v1+s3+$0x0] =	vst.idx.add.f32.msk $0xffff, v2  }
0xb0: {  	v1 =	vld [tilespmem:s25+$0xE0];
	_ =	sdelay $0x2  }
0xb1: {  	v2 =	vld [tilespmem:s24+$0xE0];
	_ =	sdelay $0x4  }
0xb2: {  	[tilespmem:v1+s3+$0x0] =	vst.idx.add.f32.msk $0xffff, v2  }
0xb3: {  	v1 =	vld [tilespmem:s25+$0xF0];
	_ =	sdelay $0x1  }
0xb4: {  	s23 =	sadd.s32 $0x4, s23  }
0xb5: {  	p2 =	slt.u32 s23, $0x24;
	v2 =	vld [tilespmem:s24+$0xF0]  }
.Ltmp6:
0xb6: {  	_ = 	snop;
	(pc) =	sbr.rel @p2 .LBB2_5-.Ltmp6, $2  }
0xb7: {  	_ =	sdelay $0x2  }
0xb8: {  	s24 =	sadd.s32 $0x200, s24;
	s25 =	sadd.s32 $0x200, s25;
	[tilespmem:v1+s3+$0x0] =	vst.idx.add.f32.msk $0xffff, v2  }
0xb9: {  	s22 =	sadd.s32 $0x2, s22  }
0xba: {  	p2 =	sge.u32 s22, s6  }
0xbb: {  	s23 =	smul.u32 @!p2 $0x280, s22  }
0xbc: {  	s22 =	smul.u32 @!p2 $0x2800, s22  }
0xbd: {  	s24 =	simm.s32 @!p2 $0x0;
	s25 =	simm.s32 @!p2 $0x18800  }
.Ltmp7:
0xbe: {  	s23 =	sadd.s32 @!p2 s4, s23;
	s22 =	sor.u32 @!p2 s8, s22;
	(pc) =	sbr.rel @p1 .LBB2_9-.Ltmp7, $4  }
0xbf: {  	[tilespmem:s25], [sflag:$0x1] =	stream.linear.gather @!p2 [hbm4b:s23+s24], $0x1400, $0x38;
	[tilespmem:$0x1D800] =	vst v63  }
0xc0: {  	s22 =	sshrl.u32 @!p2 s22, $0x3;
	s23 =	simm.s32 @!p2 $0x80  }
0xc1: {  	s24 =	simm.s32 @!p2 $0x100;
	s25 =	simm.s32 @!p2 $0x1B000;
	s22 =	sadd.s32 @!p2 s2, s22  }
0xc2: {  	[tilespmem:s25], [sflag:$0x1] =	stream.strided.gather @!p2 [hbm4b:s22+s23], $0x1400, s24, s23, $0x38;
	[tilespmem:$0x1D800] =	vst v63  }
0xc3: {  	_ =	swait.ge [sflag:s18], $0x1400  }
0xc4: {  	[sflag:s18] =	ssyncset.done $0x0  }
0xc5: {  	[sflag:s18] =	ssyncadd.s32 $0xFFFFEC00  }
0xc6: {  	_ =	swait.ge [sflag:s18], $0x1400  }
0xc7: {  	s22 =	simm.s32 $0xFFFFFFFC;
	[sflag:s18] =	ssyncset.done $0x0  }
0xc8: {  	s23 =	simm.s32 $0x19D00;
	s24 =	simm.s32 $0x1C500;
	[sflag:s18] =	ssyncadd.s32 $0xFFFFEC00  }
.LBB2_8:
0xc9: {  	v1 =	vld [tilespmem:s24+$0xFFFFFF00];
	_ =	sdelay $0x2  }
0xca: {  	v2 =	vld [tilespmem:s23+$0xFFFFFF00];
	_ =	sdelay $0x4  }
0xcb: {  	[tilespmem:v1+s3+$0x0] =	vst.idx.add.f32.msk $0xffff, v2  }
0xcc: {  	v1 =	vld [tilespmem:s24+$0xFFFFFF10];
	_ =	sdelay $0x2  }
0xcd: {  	v2 =	vld [tilespmem:s23+$0xFFFFFF10];
	_ =	sdelay $0x4  }
0xce: {  	[tilespmem:v1+s3+$0x0] =	vst.idx.add.f32.msk $0xffff, v2  }
0xcf: {  	v1 =	vld [tilespmem:s24+$0xFFFFFF20];
	_ =	sdelay $0x2  }
0xd0: {  	v2 =	vld [tilespmem:s23+$0xFFFFFF20];
	_ =	sdelay $0x4  }
0xd1: {  	[tilespmem:v1+s3+$0x0] =	vst.idx.add.f32.msk $0xffff, v2  }
0xd2: {  	v1 =	vld [tilespmem:s24+$0xFFFFFF30];
	_ =	sdelay $0x2  }
0xd3: {  	v2 =	vld [tilespmem:s23+$0xFFFFFF30];
	_ =	sdelay $0x4  }
0xd4: {  	[tilespmem:v1+s3+$0x0] =	vst.idx.add.f32.msk $0xffff, v2  }
0xd5: {  	v1 =	vld [tilespmem:s24+$0xFFFFFF40];
	_ =	sdelay $0x2  }
0xd6: {  	v2 =	vld [tilespmem:s23+$0xFFFFFF40];
	_ =	sdelay $0x4  }
0xd7: {  	[tilespmem:v1+s3+$0x0] =	vst.idx.add.f32.msk $0xffff, v2  }
0xd8: {  	v1 =	vld [tilespmem:s24+$0xFFFFFF50];
	_ =	sdelay $0x2  }
0xd9: {  	v2 =	vld [tilespmem:s23+$0xFFFFFF50];
	_ =	sdelay $0x4  }
0xda: {  	[tilespmem:v1+s3+$0x0] =	vst.idx.add.f32.msk $0xffff, v2  }
0xdb: {  	v1 =	vld [tilespmem:s24+$0xFFFFFF60];
	_ =	sdelay $0x2  }
0xdc: {  	v2 =	vld [tilespmem:s23+$0xFFFFFF60];
	_ =	sdelay $0x4  }
0xdd: {  	[tilespmem:v1+s3+$0x0] =	vst.idx.add.f32.msk $0xffff, v2  }
0xde: {  	v1 =	vld [tilespmem:s24+$0xFFFFFF70];
	_ =	sdelay $0x2  }
0xdf: {  	v2 =	vld [tilespmem:s23+$0xFFFFFF70];
	_ =	sdelay $0x4  }
0xe0: {  	[tilespmem:v1+s3+$0x0] =	vst.idx.add.f32.msk $0xffff, v2  }
0xe1: {  	v1 =	vld [tilespmem:s24+$0xFFFFFF80];
	_ =	sdelay $0x2  }
0xe2: {  	v2 =	vld [tilespmem:s23+$0xFFFFFF80];
	_ =	sdelay $0x4  }
0xe3: {  	[tilespmem:v1+s3+$0x0] =	vst.idx.add.f32.msk $0xffff, v2  }
0xe4: {  	v1 =	vld [tilespmem:s24+$0xFFFFFF90];
	_ =	sdelay $0x2  }
0xe5: {  	v2 =	vld [tilespmem:s23+$0xFFFFFF90];
	_ =	sdelay $0x4  }
0xe6: {  	[tilespmem:v1+s3+$0x0] =	vst.idx.add.f32.msk $0xffff, v2  }
0xe7: {  	v1 =	vld [tilespmem:s24+$0xFFFFFFA0];
	_ =	sdelay $0x2  }
0xe8: {  	v2 =	vld [tilespmem:s23+$0xFFFFFFA0];
	_ =	sdelay $0x4  }
0xe9: {  	[tilespmem:v1+s3+$0x0] =	vst.idx.add.f32.msk $0xffff, v2  }
0xea: {  	v1 =	vld [tilespmem:s24+$0xFFFFFFB0];
	_ =	sdelay $0x2  }
0xeb: {  	v2 =	vld [tilespmem:s23+$0xFFFFFFB0];
	_ =	sdelay $0x4  }
0xec: {  	[tilespmem:v1+s3+$0x0] =	vst.idx.add.f32.msk $0xffff, v2  }
0xed: {  	v1 =	vld [tilespmem:s24+$0xFFFFFFC0];
	_ =	sdelay $0x2  }
0xee: {  	v2 =	vld [tilespmem:s23+$0xFFFFFFC0];
	_ =	sdelay $0x4  }
0xef: {  	[tilespmem:v1+s3+$0x0] =	vst.idx.add.f32.msk $0xffff, v2  }
0xf0: {  	v1 =	vld [tilespmem:s24+$0xFFFFFFD0];
	_ =	sdelay $0x2  }
0xf1: {  	v2 =	vld [tilespmem:s23+$0xFFFFFFD0];
	_ =	sdelay $0x4  }
0xf2: {  	[tilespmem:v1+s3+$0x0] =	vst.idx.add.f32.msk $0xffff, v2  }
0xf3: {  	v1 =	vld [tilespmem:s24+$0xFFFFFFE0];
	_ =	sdelay $0x2  }
0xf4: {  	v2 =	vld [tilespmem:s23+$0xFFFFFFE0];
	_ =	sdelay $0x4  }
0xf5: {  	[tilespmem:v1+s3+$0x0] =	vst.idx.add.f32.msk $0xffff, v2  }
0xf6: {  	v1 =	vld [tilespmem:s24+$0xFFFFFFF0];
	_ =	sdelay $0x2  }
0xf7: {  	v2 =	vld [tilespmem:s23+$0xFFFFFFF0];
	_ =	sdelay $0x4  }
0xf8: {  	[tilespmem:v1+s3+$0x0] =	vst.idx.add.f32.msk $0xffff, v2  }
0xf9: {  	v1 =	vld [tilespmem:s24+$0x0];
	_ =	sdelay $0x2  }
0xfa: {  	v2 =	vld [tilespmem:s23+$0x0];
	_ =	sdelay $0x4  }
0xfb: {  	[tilespmem:v1+s3+$0x0] =	vst.idx.add.f32.msk $0xffff, v2  }
0xfc: {  	v1 =	vld [tilespmem:s24+$0x10];
	_ =	sdelay $0x2  }
0xfd: {  	v2 =	vld [tilespmem:s23+$0x10];
	_ =	sdelay $0x4  }
0xfe: {  	[tilespmem:v1+s3+$0x0] =	vst.idx.add.f32.msk $0xffff, v2  }
0xff: {  	v1 =	vld [tilespmem:s24+$0x20];
	_ =	sdelay $0x2  }
0x100: {  	v2 =	vld [tilespmem:s23+$0x20];
	_ =	sdelay $0x4  }
0x101: {  	[tilespmem:v1+s3+$0x0] =	vst.idx.add.f32.msk $0xffff, v2  }
0x102: {  	v1 =	vld [tilespmem:s24+$0x30];
	_ =	sdelay $0x2  }
0x103: {  	v2 =	vld [tilespmem:s23+$0x30];
	_ =	sdelay $0x4  }
0x104: {  	[tilespmem:v1+s3+$0x0] =	vst.idx.add.f32.msk $0xffff, v2  }
0x105: {  	v1 =	vld [tilespmem:s24+$0x40];
	_ =	sdelay $0x2  }
0x106: {  	v2 =	vld [tilespmem:s23+$0x40];
	_ =	sdelay $0x4  }
0x107: {  	[tilespmem:v1+s3+$0x0] =	vst.idx.add.f32.msk $0xffff, v2  }
0x108: {  	v1 =	vld [tilespmem:s24+$0x50];
	_ =	sdelay $0x2  }
0x109: {  	v2 =	vld [tilespmem:s23+$0x50];
	_ =	sdelay $0x4  }
0x10a: {  	[tilespmem:v1+s3+$0x0] =	vst.idx.add.f32.msk $0xffff, v2  }
0x10b: {  	v1 =	vld [tilespmem:s24+$0x60];
	_ =	sdelay $0x2  }
0x10c: {  	v2 =	vld [tilespmem:s23+$0x60];
	_ =	sdelay $0x4  }
0x10d: {  	[tilespmem:v1+s3+$0x0] =	vst.idx.add.f32.msk $0xffff, v2  }
0x10e: {  	v1 =	vld [tilespmem:s24+$0x70];
	_ =	sdelay $0x2  }
0x10f: {  	v2 =	vld [tilespmem:s23+$0x70];
	_ =	sdelay $0x4  }
0x110: {  	[tilespmem:v1+s3+$0x0] =	vst.idx.add.f32.msk $0xffff, v2  }
0x111: {  	v1 =	vld [tilespmem:s24+$0x80];
	_ =	sdelay $0x2  }
0x112: {  	v2 =	vld [tilespmem:s23+$0x80];
	_ =	sdelay $0x4  }
0x113: {  	[tilespmem:v1+s3+$0x0] =	vst.idx.add.f32.msk $0xffff, v2  }
0x114: {  	v1 =	vld [tilespmem:s24+$0x90];
	_ =	sdelay $0x2  }
0x115: {  	v2 =	vld [tilespmem:s23+$0x90];
	_ =	sdelay $0x4  }
0x116: {  	[tilespmem:v1+s3+$0x0] =	vst.idx.add.f32.msk $0xffff, v2  }
0x117: {  	v1 =	vld [tilespmem:s24+$0xA0];
	_ =	sdelay $0x2  }
0x118: {  	v2 =	vld [tilespmem:s23+$0xA0];
	_ =	sdelay $0x4  }
0x119: {  	[tilespmem:v1+s3+$0x0] =	vst.idx.add.f32.msk $0xffff, v2  }
0x11a: {  	v1 =	vld [tilespmem:s24+$0xB0];
	_ =	sdelay $0x2  }
0x11b: {  	v2 =	vld [tilespmem:s23+$0xB0];
	_ =	sdelay $0x4  }
0x11c: {  	[tilespmem:v1+s3+$0x0] =	vst.idx.add.f32.msk $0xffff, v2  }
0x11d: {  	v1 =	vld [tilespmem:s24+$0xC0];
	_ =	sdelay $0x2  }
0x11e: {  	v2 =	vld [tilespmem:s23+$0xC0];
	_ =	sdelay $0x4  }
0x11f: {  	[tilespmem:v1+s3+$0x0] =	vst.idx.add.f32.msk $0xffff, v2  }
0x120: {  	v1 =	vld [tilespmem:s24+$0xD0];
	_ =	sdelay $0x2  }
0x121: {  	v2 =	vld [tilespmem:s23+$0xD0];
	_ =	sdelay $0x4  }
0x122: {  	[tilespmem:v1+s3+$0x0] =	vst.idx.add.f32.msk $0xffff, v2  }
0x123: {  	v1 =	vld [tilespmem:s24+$0xE0];
	_ =	sdelay $0x2  }
0x124: {  	v2 =	vld [tilespmem:s23+$0xE0];
	_ =	sdelay $0x4  }
0x125: {  	[tilespmem:v1+s3+$0x0] =	vst.idx.add.f32.msk $0xffff, v2  }
0x126: {  	v1 =	vld [tilespmem:s24+$0xF0];
	_ =	sdelay $0x1  }
0x127: {  	s22 =	sadd.s32 $0x4, s22  }
0x128: {  	p1 =	slt.u32 s22, $0x24;
	v2 =	vld [tilespmem:s23+$0xF0]  }
.Ltmp8:
0x129: {  	_ = 	snop;
	(pc) =	sbr.rel @p1 .LBB2_8-.Ltmp8, $2  }
0x12a: {  	_ =	sdelay $0x2  }
0x12b: {  	s23 =	sadd.s32 $0x200, s23;
	s24 =	sadd.s32 $0x200, s24;
	[tilespmem:v1+s3+$0x0] =	vst.idx.add.f32.msk $0xffff, v2  }
.Ltmp9:
0x12c: {  	_ = 	snop;
	(pc) =	sbr.rel .LBB2_9-.Ltmp9, $1  }
0x12d: {  	_ =	sdelay $0x3  }
.LBB2_11:
0x12e: {  	_ =	sfence.sel $0x180000  }
0x12f: {  	[bflag:$0x0] =	sbarrier.arrive $0xFFFF  }
0x130: {  	p0 =	sne.s32 s1, $0x0;
	_ =	strace $0x90000047  }
0x131: {  	s0 =	sadd.s32 @!p0 $0x100000, s0;
	[bflag:$0x2] =	sbarrier.arrive $0xFFFF  }
0x132: {  	[sflag:s0] =	ssyncadd.tile.s32 @!p0 $0x1;
	_ =	shalt  }
.Lfunc_end2:
_tile_overlayer_lowered:
.L_overlay_start_2:
0x133: {  	(tag) =	ssettag $0x2  }
0x134: {  	s0 =	rddreg [dreg:$0x0];
	s2 =	stileid.u32  }
0x135: {  	s1 =	rddreg [dreg:$0x1];
	p0 =	sne.s32 s2, $0x0  }
0x136: {  	s3 =	rddreg [dreg:$0x2];
	[bflag:$0x3] =	sbarrier.arrive $0xFFFF;
	s2 =	simm.s32 @!p0 $0x1C03  }
0x137: {  	[timem:s3], [sflag:s2] =	dma.local @!p0 [hbm:s0], s1  }
0x138: {  	s0 =	simm.s32 @!p0 $0x3  }
0x139: {  	_ =	swait.ge @!p0 [sflag:s0], s1  }
0x13a: {  	s1 =	ssub.s32 @!p0 $0x0, s1;
	[sflag:s0] =	ssyncset.done @!p0 $0x0  }
0x13b: {  	[sflag:s0] =	ssyncadd.s32 @!p0 s1  }
0x13c: {  	[bflag:$0x3] =	sbarrier.arrive $0xFFFF  }
0x13d: {  	_ =	shalt  }

</sc_bundles>
